<compile_context>
chip_gen: v7x
topology: tpu7x:2x2x1
jax: 0.10.2.dev20260603
libtpu: 0.0.44.dev20260713+nightly
codegen_flags: <defaults>
</compile_context>

<pallas_src>
import functools

import jax
import jax.numpy as jnp
from jax import lax
from jax.experimental import pallas as pl
from jax.experimental.pallas import tpu as pltpu
from jax.experimental.pallas import tpu_sc as plsc

N, P, D = 4, 4096, 3
L = 16
NW = 32
WPB = NW // N
NCH = P // L
SC_P = 512
TC_P = P - SC_P
TB = 1792
SPW = SC_P // WPB
assert SC_P % (WPB * L) == 0 and TC_P % TB == 0
SB = 8

_mesh = plsc.VectorSubcoreMesh(
    core_axis_name="c", subcore_axis_name="s", num_cores=2, num_subcores=16
)


def _bfly(v, op):
    lane = lax.iota(jnp.int32, L)
    for k in (8, 4, 2, 1):
        v = op(v, v.at[lane ^ k].get(mode="promise_in_bounds"))
    return v[0]


def _chamfer_sc_body(src_hbm, tgt_hbm, srcb_hbm, tgtb_hbm, out_hbm,
                     tgt_v, t2_v, rtg_v, src_v, srcb_v):
    wid = lax.axis_index("s") * 2 + lax.axis_index("c")
    b = wid // WPB
    slot = wid % WPB

    pltpu.sync_copy(tgt_hbm.at[b], tgt_v)
    pltpu.sync_copy(tgtb_hbm.at[b], rtg_v)
    off = TC_P + slot * SPW
    for r in range(D):
        pltpu.sync_copy(src_hbm.at[b, r, pl.ds(off, SPW)], src_v.at[r])
        pltpu.sync_copy(srcb_hbm.at[b, r, pl.ds(off, SPW)], srcb_v.at[r])

    def t2_body(j, carry):
        o = j * L
        tx = tgt_v[0, pl.ds(o, L)]
        ty = tgt_v[1, pl.ds(o, L)]
        tz = tgt_v[2, pl.ds(o, L)]
        t2_v[pl.ds(o, L)] = tx * tx + ty * ty + tz * tz
        return carry

    lax.fori_loop(0, NCH, t2_body, jnp.int32(0))

    big = jnp.float32(3.0e38)
    neg2 = jnp.float32(-2.0)

    def blk_body(bi, acc):
        base = bi * L
        sxv = src_v[0, pl.ds(base, L)]
        syv = src_v[1, pl.ds(base, L)]
        szv = src_v[2, pl.ds(base, L)]
        s2v = sxv * sxv + syv * syv + szv * szv
        axv = neg2 * srcb_v[0, pl.ds(base, L)]
        ayv = neg2 * srcb_v[1, pl.ds(base, L)]
        azv = neg2 * srcb_v[2, pl.ds(base, L)]
        acc = acc + _bfly(s2v, jnp.add)

        for h in range(L // SB):
            ax = [axv[h * SB + i] for i in range(SB)]
            ay = [ayv[h * SB + i] for i in range(SB)]
            az = [azv[h * SB + i] for i in range(SB)]

            def ch_body(j, ms):
                o = j * L
                tx = rtg_v[0, pl.ds(o, L)]
                ty = rtg_v[1, pl.ds(o, L)]
                tz = rtg_v[2, pl.ds(o, L)]
                t2 = t2_v[pl.ds(o, L)]
                return tuple(
                    jnp.minimum(ms[i], t2 + ax[i] * tx + ay[i] * ty + az[i] * tz)
                    for i in range(SB)
                )

            ms0 = tuple(jnp.full((L,), big, jnp.float32) for _ in range(SB))
            ms = lax.fori_loop(0, NCH, ch_body, ms0)
            for i in range(SB):
                acc = acc + _bfly(ms[i], jnp.minimum)
        return acc

    total = lax.fori_loop(0, SPW // L, blk_body, jnp.float32(0.0))
    out_hbm_row = out_hbm.at[wid]
    res = jnp.full((L,), total, jnp.float32)

    def write_res(res_v):
        res_v[...] = res
        pltpu.sync_copy(res_v, out_hbm_row)

    pl.run_scoped(write_res, pltpu.VMEM((L,), jnp.float32))


_chamfer_sc = functools.partial(
    pl.kernel,
    out_type=jax.ShapeDtypeStruct((NW, L), jnp.float32),
    mesh=_mesh,
    scratch_types=[
        pltpu.VMEM((D, P), jnp.float32),
        pltpu.VMEM((P,), jnp.float32),
        pltpu.VMEM((D, P), jnp.float32),
        pltpu.VMEM((D, SPW), jnp.float32),
        pltpu.VMEM((D, SPW), jnp.float32),
    ],
)(_chamfer_sc_body)



def _rb16_tc(x):
    i = lax.bitcast_convert_type(x, jnp.int32)
    odd = lax.shift_right_logical(i, 16) & jnp.int32(1)
    i = (i + jnp.int32(0x7FFF) + odd) & jnp.int32(~0xFFFF)
    return lax.bitcast_convert_type(i, jnp.float32)


def _chamfer_tc_body(src_ref, tgt_ref, out_ref):
    for b in range(N):
        src = src_ref[b]
        tgt = tgt_ref[b]
        t2 = jnp.sum(tgt * tgt, axis=0, keepdims=True)
        t2a = _rb16_tc(t2)
        t2b = _rb16_tc(t2 - t2a)
        t2c = t2 - t2a - t2b
        ta = jnp.concatenate([tgt, t2a, t2b, t2c], axis=0)
        saf = jnp.concatenate(
            [src * jnp.float32(-2.0), jnp.ones((3, P), jnp.float32)], axis=0)
        s2 = jnp.sum(src * src, axis=0, keepdims=True)
        acc = jnp.float32(0.0)
        for i in range(TC_P // TB):
            sa = saf[:, i * TB:(i + 1) * TB]
            dd = jax.lax.dot_general(
                ta, sa, (((0,), (0,)), ((), ())),
                preferred_element_type=jnp.float32)
            m = jnp.min(dd, axis=0, keepdims=True)
            acc = acc + jnp.sum(m) + jnp.sum(s2[:, i * TB:(i + 1) * TB])
        out_ref[b] = acc


def _chamfer_tc(src_t, tgt_t):
    return pl.pallas_call(
        _chamfer_tc_body,
        in_specs=[
            pl.BlockSpec((N, D, P), lambda: (0, 0, 0)),
            pl.BlockSpec((N, D, P), lambda: (0, 0, 0)),
        ],
        out_specs=pl.BlockSpec((N,), lambda: (0,), memory_space=pltpu.SMEM),
        out_shape=jax.ShapeDtypeStruct((N,), jnp.float32),
    )(src_t, tgt_t)


def _round_bf16(x):
    i = lax.bitcast_convert_type(x, jnp.int32)
    odd = lax.shift_right_logical(i, 16) & jnp.int32(1)
    i = (i + jnp.int32(0x7FFF) + odd) & jnp.int32(~0xFFFF)
    return lax.bitcast_convert_type(i, jnp.float32)


def kernel(source_cloud, target_cloud):
    src_t = jnp.transpose(source_cloud, (0, 2, 1))
    tgt_t = jnp.transpose(target_cloud, (0, 2, 1))
    srcb_t = _round_bf16(src_t)
    tgtb_t = _round_bf16(tgt_t)
    partials = _chamfer_sc(src_t, tgt_t, srcb_t, tgtb_t)
    tc_part = _chamfer_tc(src_t, tgt_t)
    return (jnp.sum(partials[:, 0]) + jnp.sum(tc_part)) / N

# --- scband reference (transcript-rebuilt; emitter-appended) ---
"""Pipeline reference for scband-chamfer-distance-11261404250604 (READ-ONLY COPY).

The authoritative reference and input builder live on the scoring server;
editing this copy changes nothing except your own understanding.
"""

import jax, jax.numpy as jnp
import numpy as np


def setup_inputs(seed: int = 0) -> dict:
    key = jax.random.key(seed)
    k1, k2 = jax.random.split(key)
    source_cloud = jax.random.normal(k1, (4, 4096, 3), dtype=jnp.float32)
    target_cloud = jax.random.normal(k2, (4, 4096, 3), dtype=jnp.float32)
    return {"source_cloud": source_cloud, "target_cloud": target_cloud}


def reference(source_cloud, target_cloud):
    # ChamferDistance.forward with defaults: bidirectional=False, reverse=False,
    # batch_reduction='mean', point_reduction='sum'.
    # single_directional = not bidirectional = True -> only x->y direction.
    # knn_points with norm=2 returns SQUARED L2 distance to nearest neighbor.
    N = source_cloud.shape[0]
    x2 = jnp.sum(source_cloud * source_cloud, axis=-1)            # (N, P1)
    y2 = jnp.sum(target_cloud * target_cloud, axis=-1)            # (N, P2)
    xy = jnp.einsum('npd,nqd->npq', source_cloud, target_cloud)   # (N, P1, P2)
    d = x2[:, :, None] + y2[:, None, :] - 2.0 * xy                # squared L2 (N, P1, P2)
    cham_x = jnp.min(d, axis=2)                                   # (N, P1) nearest-neighbor dist
    per_batch = jnp.sum(cham_x, axis=1)                           # point_reduction='sum'
    loss = jnp.sum(per_batch) / N                                 # batch_reduction='mean'
    return loss

if __name__ == "__main__":
    import jax
    _d = setup_inputs()
    print(jax.jit(kernel)(*tuple(_d.values())))

</pallas_src>

<mosaic_0001>
#map = affine_map<(d0, d1) -> (0, 0, 0)>
#map1 = affine_map<(d0, d1) -> (0, 0)>
module attributes {stable_mosaic.version = 14 : i64} {
  func.func @_chamfer_sc_body(%arg0: i32, %arg1: i32, %arg2: memref<4x3x4096xf32, #tpu.memory_space<hbm>>, %arg3: memref<4x3x4096xf32, #tpu.memory_space<hbm>>, %arg4: memref<4x3x4096xf32, #tpu.memory_space<hbm>>, %arg5: memref<4x3x4096xf32, #tpu.memory_space<hbm>>, %arg6: memref<32x16xf32, #tpu.memory_space<hbm>>, %arg7: memref<3x4096xf32, #tpu.memory_space<vmem>>, %arg8: memref<4096xf32, #tpu.memory_space<vmem>>, %arg9: memref<3x4096xf32, #tpu.memory_space<vmem>>, %arg10: memref<3x64xf32, #tpu.memory_space<vmem>>, %arg11: memref<3x64xf32, #tpu.memory_space<vmem>>) attributes {dimension_semantics = [#tpu.dimension_semantics<core_parallel>, #tpu.dimension_semantics<subcore_parallel>], iteration_bounds = array<i64: 2, 16>, scalar_prefetch = 0 : i64, scratch_operands = 5 : i64, tpu.core_type = #tpu.core_type<sc_vector_subcore>, window_params = [{transform_indices = #map}, {transform_indices = #map}, {transform_indices = #map}, {transform_indices = #map}, {transform_indices = #map1}]} {
    %mul3A = arith.constant 2 : i32
    %mul3A_0 = arith.muli %arg1, %mul3A : i32
    %add3A = arith.addi %mul3A_0, %arg0 : i32
    %jit3A = arith.constant 8 : i32
    %div3A = arith.divsi %add3A, %jit3A : i32
    %sign3A = arith.constant 0 : i32
    %sign3A_1 = arith.cmpi sgt, %add3A, %sign3A : i32
    %sign3A_2 = arith.extui %sign3A_1 : i1 to i32
    %sign3A_3 = arith.constant 0 : i32
    %sign3A_4 = arith.cmpi slt, %add3A, %sign3A_3 : i32
    %sign3A_5 = arith.extui %sign3A_4 : i1 to i32
    %sign3A_6 = arith.subi %sign3A_2, %sign3A_5 : i32
    %sign3A_7 = arith.constant 0 : i32
    %sign3A_8 = arith.cmpi sgt, %jit3A, %sign3A_7 : i32
    %sign3A_9 = arith.extui %sign3A_8 : i1 to i32
    %sign3A_10 = arith.constant 0 : i32
    %sign3A_11 = arith.cmpi slt, %jit3A, %sign3A_10 : i32
    %sign3A_12 = arith.extui %sign3A_11 : i1 to i32
    %sign3A_13 = arith.subi %sign3A_9, %sign3A_12 : i32
    %ne3A = arith.cmpi ne, %sign3A_6, %sign3A_13 : i32
    %rem3A = arith.remsi %add3A, %jit3A : i32
    %ne3A_14 = arith.constant 0 : i32
    %ne3A_15 = arith.cmpi ne, %rem3A, %ne3A_14 : i32
    %and3A = arith.andi %ne3A, %ne3A_15 : i1
    %sub3A = arith.constant 1 : i32
    %sub3A_16 = arith.subi %div3A, %sub3A : i32
    %select_n3A = arith.select %and3A, %sub3A_16, %div3A : i32
    %jit3A_17 = arith.constant 8 : i32
    %eq3A = arith.constant 0 : i32
    %eq3A_18 = arith.cmpi eq, %jit3A_17, %eq3A : i32
    %jit3A_19 = arith.constant 1 : i32
    %select_n3A_20 = arith.select %eq3A_18, %jit3A_19, %jit3A_17 : i32
    %rem3A_21 = arith.remsi %add3A, %select_n3A_20 : i32
    %ne3A_22 = arith.constant 0 : i32
    %ne3A_23 = arith.cmpi ne, %rem3A_21, %ne3A_22 : i32
    %lt3A = arith.constant 0 : i32
    %lt3A_24 = arith.cmpi slt, %rem3A_21, %lt3A : i32
    %lt3A_25 = arith.constant 0 : i32
    %lt3A_26 = arith.cmpi slt, %select_n3A_20, %lt3A_25 : i32
    %ne3A_27 = arith.xori %lt3A_24, %lt3A_26 : i1
    %and3A_28 = arith.andi %ne3A_27, %ne3A_23 : i1
    %add3A_29 = arith.addi %rem3A_21, %select_n3A_20 : i32
    %select_n3A_30 = arith.select %and3A_28, %add3A_29, %rem3A_21 : i32
    "tpu.region"() ({
      %run_scoped3A_60 = tpu.sem_alloc : memref<!tpu.dma_semaphore, #tpu.memory_space<semaphore_mem>>
      %dma_start3A = arith.constant 0 : i32
      %dma_start3A_61 = arith.constant 0 : i32
      %dma_start3A_62 = tpu.memref_slice %arg3[%select_n3A, %dma_start3A, %dma_start3A_61] : memref<4x3x4096xf32, #tpu.memory_space<hbm>> -> memref<1x3x4096xf32, #tpu.memory_space<hbm>>
      %dma_start3A_63 = tpu.memref_squeeze %dma_start3A_62 : memref<1x3x4096xf32, #tpu.memory_space<hbm>> -> memref<3x4096xf32, #tpu.memory_space<hbm>>
      %dma_start3A_64 = arith.constant 0 : i32
      %dma_start3A_65 = arith.constant 0 : i32
      %dma_start3A_66 = tpu.memref_slice %arg3[%select_n3A, %dma_start3A_64, %dma_start3A_65] : memref<4x3x4096xf32, #tpu.memory_space<hbm>> -> memref<1x3x4096xf32, #tpu.memory_space<hbm>>
      %dma_start3A_67 = tpu.memref_squeeze %dma_start3A_66 : memref<1x3x4096xf32, #tpu.memory_space<hbm>> -> memref<3x4096xf32, #tpu.memory_space<hbm>>
      tpu.enqueue_dma source(%dma_start3A_67 : memref<3x4096xf32, #tpu.memory_space<hbm>>) target(%arg7 : memref<3x4096xf32, #tpu.memory_space<vmem>>) target_semaphore(%run_scoped3A_60 : memref<!tpu.dma_semaphore, #tpu.memory_space<semaphore_mem>>)
      %dma_wait3A = arith.constant 0 : i32
      %dma_wait3A_68 = arith.constant 0 : i32
      %dma_wait3A_69 = tpu.memref_slice %arg3[%select_n3A, %dma_wait3A, %dma_wait3A_68] : memref<4x3x4096xf32, #tpu.memory_space<hbm>> -> memref<1x3x4096xf32, #tpu.memory_space<hbm>>
      %dma_wait3A_70 = tpu.memref_squeeze %dma_wait3A_69 : memref<1x3x4096xf32, #tpu.memory_space<hbm>> -> memref<3x4096xf32, #tpu.memory_space<hbm>>
      %dma_wait3A_71 = arith.constant 0 : i32
      %dma_wait3A_72 = arith.constant 0 : i32
      %dma_wait3A_73 = tpu.memref_slice %arg3[%select_n3A, %dma_wait3A_71, %dma_wait3A_72] : memref<4x3x4096xf32, #tpu.memory_space<hbm>> -> memref<1x3x4096xf32, #tpu.memory_space<hbm>>
      %dma_wait3A_74 = tpu.memref_squeeze %dma_wait3A_73 : memref<1x3x4096xf32, #tpu.memory_space<hbm>> -> memref<3x4096xf32, #tpu.memory_space<hbm>>
      tpu.wait_dma2 semaphore(%run_scoped3A_60 : memref<!tpu.dma_semaphore, #tpu.memory_space<semaphore_mem>>) src(%dma_wait3A_74 : memref<3x4096xf32, #tpu.memory_space<hbm>>) dst(%arg7 : memref<3x4096xf32, #tpu.memory_space<vmem>>)
      tpu.yield
    }) : () -> ()
    "tpu.region"() ({
      %run_scoped3A_60 = tpu.sem_alloc : memref<!tpu.dma_semaphore, #tpu.memory_space<semaphore_mem>>
      %dma_start3A = arith.constant 0 : i32
      %dma_start3A_61 = arith.constant 0 : i32
      %dma_start3A_62 = tpu.memref_slice %arg5[%select_n3A, %dma_start3A, %dma_start3A_61] : memref<4x3x4096xf32, #tpu.memory_space<hbm>> -> memref<1x3x4096xf32, #tpu.memory_space<hbm>>
      %dma_start3A_63 = tpu.memref_squeeze %dma_start3A_62 : memref<1x3x4096xf32, #tpu.memory_space<hbm>> -> memref<3x4096xf32, #tpu.memory_space<hbm>>
      %dma_start3A_64 = arith.constant 0 : i32
      %dma_start3A_65 = arith.constant 0 : i32
      %dma_start3A_66 = tpu.memref_slice %arg5[%select_n3A, %dma_start3A_64, %dma_start3A_65] : memref<4x3x4096xf32, #tpu.memory_space<hbm>> -> memref<1x3x4096xf32, #tpu.memory_space<hbm>>
      %dma_start3A_67 = tpu.memref_squeeze %dma_start3A_66 : memref<1x3x4096xf32, #tpu.memory_space<hbm>> -> memref<3x4096xf32, #tpu.memory_space<hbm>>
      tpu.enqueue_dma source(%dma_start3A_67 : memref<3x4096xf32, #tpu.memory_space<hbm>>) target(%arg9 : memref<3x4096xf32, #tpu.memory_space<vmem>>) target_semaphore(%run_scoped3A_60 : memref<!tpu.dma_semaphore, #tpu.memory_space<semaphore_mem>>)
      %dma_wait3A = arith.constant 0 : i32
      %dma_wait3A_68 = arith.constant 0 : i32
      %dma_wait3A_69 = tpu.memref_slice %arg5[%select_n3A, %dma_wait3A, %dma_wait3A_68] : memref<4x3x4096xf32, #tpu.memory_space<hbm>> -> memref<1x3x4096xf32, #tpu.memory_space<hbm>>
      %dma_wait3A_70 = tpu.memref_squeeze %dma_wait3A_69 : memref<1x3x4096xf32, #tpu.memory_space<hbm>> -> memref<3x4096xf32, #tpu.memory_space<hbm>>
      %dma_wait3A_71 = arith.constant 0 : i32
      %dma_wait3A_72 = arith.constant 0 : i32
      %dma_wait3A_73 = tpu.memref_slice %arg5[%select_n3A, %dma_wait3A_71, %dma_wait3A_72] : memref<4x3x4096xf32, #tpu.memory_space<hbm>> -> memref<1x3x4096xf32, #tpu.memory_space<hbm>>
      %dma_wait3A_74 = tpu.memref_squeeze %dma_wait3A_73 : memref<1x3x4096xf32, #tpu.memory_space<hbm>> -> memref<3x4096xf32, #tpu.memory_space<hbm>>
      tpu.wait_dma2 semaphore(%run_scoped3A_60 : memref<!tpu.dma_semaphore, #tpu.memory_space<semaphore_mem>>) src(%dma_wait3A_74 : memref<3x4096xf32, #tpu.memory_space<hbm>>) dst(%arg9 : memref<3x4096xf32, #tpu.memory_space<vmem>>)
      tpu.yield
    }) : () -> ()
    %mul3A_31 = arith.constant 64 : i32
    %mul3A_32 = arith.muli %select_n3A_30, %mul3A_31 : i32
    %add3A_33 = arith.constant 3584 : i32
    %add3A_34 = arith.addi %add3A_33, %mul3A_32 : i32
    %run_scoped3A = arith.constant 0 : i32
    %run_scoped3A_35 = arith.constant 0 : i32
    "tpu.region"() ({
      %run_scoped3A_60 = tpu.sem_alloc : memref<!tpu.dma_semaphore, #tpu.memory_space<semaphore_mem>>
      %dma_start3A = arith.constant 0 : i32
      %dma_start3A_61 = tpu.memref_slice %arg10[%run_scoped3A_35, %dma_start3A] : memref<3x64xf32, #tpu.memory_space<vmem>> -> memref<1x64xf32, #tpu.memory_space<vmem>>
      %dma_start3A_62 = tpu.memref_squeeze %dma_start3A_61 : memref<1x64xf32, #tpu.memory_space<vmem>> -> memref<64xf32, #tpu.memory_space<vmem>>
      %dma_start3A_63 = tpu.memref_slice %arg2[%select_n3A, %run_scoped3A, %add3A_34] : memref<4x3x4096xf32, #tpu.memory_space<hbm>> -> memref<1x1x64xf32, #tpu.memory_space<hbm>>
      %dma_start3A_64 = tpu.memref_squeeze %dma_start3A_63 : memref<1x1x64xf32, #tpu.memory_space<hbm>> -> memref<64xf32, #tpu.memory_space<hbm>>
      %dma_start3A_65 = arith.constant 0 : i32
      %dma_start3A_66 = tpu.memref_slice %arg10[%run_scoped3A_35, %dma_start3A_65] : memref<3x64xf32, #tpu.memory_space<vmem>> -> memref<1x64xf32, #tpu.memory_space<vmem>>
      %dma_start3A_67 = tpu.memref_squeeze %dma_start3A_66 : memref<1x64xf32, #tpu.memory_space<vmem>> -> memref<64xf32, #tpu.memory_space<vmem>>
      %dma_start3A_68 = tpu.memref_slice %arg2[%select_n3A, %run_scoped3A, %add3A_34] : memref<4x3x4096xf32, #tpu.memory_space<hbm>> -> memref<1x1x64xf32, #tpu.memory_space<hbm>>
      %dma_start3A_69 = tpu.memref_squeeze %dma_start3A_68 : memref<1x1x64xf32, #tpu.memory_space<hbm>> -> memref<64xf32, #tpu.memory_space<hbm>>
      tpu.enqueue_dma source(%dma_start3A_69 : memref<64xf32, #tpu.memory_space<hbm>>) target(%dma_start3A_67 : memref<64xf32, #tpu.memory_space<vmem>>) target_semaphore(%run_scoped3A_60 : memref<!tpu.dma_semaphore, #tpu.memory_space<semaphore_mem>>)
      %dma_wait3A = arith.constant 0 : i32
      %dma_wait3A_70 = tpu.memref_slice %arg10[%run_scoped3A_35, %dma_wait3A] : memref<3x64xf32, #tpu.memory_space<vmem>> -> memref<1x64xf32, #tpu.memory_space<vmem>>
      %dma_wait3A_71 = tpu.memref_squeeze %dma_wait3A_70 : memref<1x64xf32, #tpu.memory_space<vmem>> -> memref<64xf32, #tpu.memory_space<vmem>>
      %dma_wait3A_72 = tpu.memref_slice %arg2[%select_n3A, %run_scoped3A, %add3A_34] : memref<4x3x4096xf32, #tpu.memory_space<hbm>> -> memref<1x1x64xf32, #tpu.memory_space<hbm>>
      %dma_wait3A_73 = tpu.memref_squeeze %dma_wait3A_72 : memref<1x1x64xf32, #tpu.memory_space<hbm>> -> memref<64xf32, #tpu.memory_space<hbm>>
      %dma_wait3A_74 = arith.constant 0 : i32
      %dma_wait3A_75 = tpu.memref_slice %arg10[%run_scoped3A_35, %dma_wait3A_74] : memref<3x64xf32, #tpu.memory_space<vmem>> -> memref<1x64xf32, #tpu.memory_space<vmem>>
      %dma_wait3A_76 = tpu.memref_squeeze %dma_wait3A_75 : memref<1x64xf32, #tpu.memory_space<vmem>> -> memref<64xf32, #tpu.memory_space<vmem>>
      %dma_wait3A_77 = tpu.memref_slice %arg2[%select_n3A, %run_scoped3A, %add3A_34] : memref<4x3x4096xf32, #tpu.memory_space<hbm>> -> memref<1x1x64xf32, #tpu.memory_space<hbm>>
      %dma_wait3A_78 = tpu.memref_squeeze %dma_wait3A_77 : memref<1x1x64xf32, #tpu.memory_space<hbm>> -> memref<64xf32, #tpu.memory_space<hbm>>
      tpu.wait_dma2 semaphore(%run_scoped3A_60 : memref<!tpu.dma_semaphore, #tpu.memory_space<semaphore_mem>>) src(%dma_wait3A_78 : memref<64xf32, #tpu.memory_space<hbm>>) dst(%dma_wait3A_76 : memref<64xf32, #tpu.memory_space<vmem>>)
      tpu.yield
    }) : () -> ()
    %run_scoped3A_36 = arith.constant 0 : i32
    %run_scoped3A_37 = arith.constant 0 : i32
    "tpu.region"() ({
      %run_scoped3A_60 = tpu.sem_alloc : memref<!tpu.dma_semaphore, #tpu.memory_space<semaphore_mem>>
      %dma_start3A = arith.constant 0 : i32
      %dma_start3A_61 = tpu.memref_slice %arg11[%run_scoped3A_37, %dma_start3A] : memref<3x64xf32, #tpu.memory_space<vmem>> -> memref<1x64xf32, #tpu.memory_space<vmem>>
      %dma_start3A_62 = tpu.memref_squeeze %dma_start3A_61 : memref<1x64xf32, #tpu.memory_space<vmem>> -> memref<64xf32, #tpu.memory_space<vmem>>
      %dma_start3A_63 = tpu.memref_slice %arg4[%select_n3A, %run_scoped3A_36, %add3A_34] : memref<4x3x4096xf32, #tpu.memory_space<hbm>> -> memref<1x1x64xf32, #tpu.memory_space<hbm>>
      %dma_start3A_64 = tpu.memref_squeeze %dma_start3A_63 : memref<1x1x64xf32, #tpu.memory_space<hbm>> -> memref<64xf32, #tpu.memory_space<hbm>>
      %dma_start3A_65 = arith.constant 0 : i32
      %dma_start3A_66 = tpu.memref_slice %arg11[%run_scoped3A_37, %dma_start3A_65] : memref<3x64xf32, #tpu.memory_space<vmem>> -> memref<1x64xf32, #tpu.memory_space<vmem>>
      %dma_start3A_67 = tpu.memref_squeeze %dma_start3A_66 : memref<1x64xf32, #tpu.memory_space<vmem>> -> memref<64xf32, #tpu.memory_space<vmem>>
      %dma_start3A_68 = tpu.memref_slice %arg4[%select_n3A, %run_scoped3A_36, %add3A_34] : memref<4x3x4096xf32, #tpu.memory_space<hbm>> -> memref<1x1x64xf32, #tpu.memory_space<hbm>>
      %dma_start3A_69 = tpu.memref_squeeze %dma_start3A_68 : memref<1x1x64xf32, #tpu.memory_space<hbm>> -> memref<64xf32, #tpu.memory_space<hbm>>
      tpu.enqueue_dma source(%dma_start3A_69 : memref<64xf32, #tpu.memory_space<hbm>>) target(%dma_start3A_67 : memref<64xf32, #tpu.memory_space<vmem>>) target_semaphore(%run_scoped3A_60 : memref<!tpu.dma_semaphore, #tpu.memory_space<semaphore_mem>>)
      %dma_wait3A = arith.constant 0 : i32
      %dma_wait3A_70 = tpu.memref_slice %arg11[%run_scoped3A_37, %dma_wait3A] : memref<3x64xf32, #tpu.memory_space<vmem>> -> memref<1x64xf32, #tpu.memory_space<vmem>>
      %dma_wait3A_71 = tpu.memref_squeeze %dma_wait3A_70 : memref<1x64xf32, #tpu.memory_space<vmem>> -> memref<64xf32, #tpu.memory_space<vmem>>
      %dma_wait3A_72 = tpu.memref_slice %arg4[%select_n3A, %run_scoped3A_36, %add3A_34] : memref<4x3x4096xf32, #tpu.memory_space<hbm>> -> memref<1x1x64xf32, #tpu.memory_space<hbm>>
      %dma_wait3A_73 = tpu.memref_squeeze %dma_wait3A_72 : memref<1x1x64xf32, #tpu.memory_space<hbm>> -> memref<64xf32, #tpu.memory_space<hbm>>
      %dma_wait3A_74 = arith.constant 0 : i32
      %dma_wait3A_75 = tpu.memref_slice %arg11[%run_scoped3A_37, %dma_wait3A_74] : memref<3x64xf32, #tpu.memory_space<vmem>> -> memref<1x64xf32, #tpu.memory_space<vmem>>
      %dma_wait3A_76 = tpu.memref_squeeze %dma_wait3A_75 : memref<1x64xf32, #tpu.memory_space<vmem>> -> memref<64xf32, #tpu.memory_space<vmem>>
      %dma_wait3A_77 = tpu.memref_slice %arg4[%select_n3A, %run_scoped3A_36, %add3A_34] : memref<4x3x4096xf32, #tpu.memory_space<hbm>> -> memref<1x1x64xf32, #tpu.memory_space<hbm>>
      %dma_wait3A_78 = tpu.memref_squeeze %dma_wait3A_77 : memref<1x1x64xf32, #tpu.memory_space<hbm>> -> memref<64xf32, #tpu.memory_space<hbm>>
      tpu.wait_dma2 semaphore(%run_scoped3A_60 : memref<!tpu.dma_semaphore, #tpu.memory_space<semaphore_mem>>) src(%dma_wait3A_78 : memref<64xf32, #tpu.memory_space<hbm>>) dst(%dma_wait3A_76 : memref<64xf32, #tpu.memory_space<vmem>>)
      tpu.yield
    }) : () -> ()
    %run_scoped3A_38 = arith.constant 1 : i32
    %run_scoped3A_39 = arith.constant 1 : i32
    "tpu.region"() ({
      %run_scoped3A_60 = tpu.sem_alloc : memref<!tpu.dma_semaphore, #tpu.memory_space<semaphore_mem>>
      %dma_start3A = arith.constant 0 : i32
      %dma_start3A_61 = tpu.memref_slice %arg10[%run_scoped3A_39, %dma_start3A] : memref<3x64xf32, #tpu.memory_space<vmem>> -> memref<1x64xf32, #tpu.memory_space<vmem>>
      %dma_start3A_62 = tpu.memref_squeeze %dma_start3A_61 : memref<1x64xf32, #tpu.memory_space<vmem>> -> memref<64xf32, #tpu.memory_space<vmem>>
      %dma_start3A_63 = tpu.memref_slice %arg2[%select_n3A, %run_scoped3A_38, %add3A_34] : memref<4x3x4096xf32, #tpu.memory_space<hbm>> -> memref<1x1x64xf32, #tpu.memory_space<hbm>>
      %dma_start3A_64 = tpu.memref_squeeze %dma_start3A_63 : memref<1x1x64xf32, #tpu.memory_space<hbm>> -> memref<64xf32, #tpu.memory_space<hbm>>
      %dma_start3A_65 = arith.constant 0 : i32
      %dma_start3A_66 = tpu.memref_slice %arg10[%run_scoped3A_39, %dma_start3A_65] : memref<3x64xf32, #tpu.memory_space<vmem>> -> memref<1x64xf32, #tpu.memory_space<vmem>>
      %dma_start3A_67 = tpu.memref_squeeze %dma_start3A_66 : memref<1x64xf32, #tpu.memory_space<vmem>> -> memref<64xf32, #tpu.memory_space<vmem>>
      %dma_start3A_68 = tpu.memref_slice %arg2[%select_n3A, %run_scoped3A_38, %add3A_34] : memref<4x3x4096xf32, #tpu.memory_space<hbm>> -> memref<1x1x64xf32, #tpu.memory_space<hbm>>
      %dma_start3A_69 = tpu.memref_squeeze %dma_start3A_68 : memref<1x1x64xf32, #tpu.memory_space<hbm>> -> memref<64xf32, #tpu.memory_space<hbm>>
      tpu.enqueue_dma source(%dma_start3A_69 : memref<64xf32, #tpu.memory_space<hbm>>) target(%dma_start3A_67 : memref<64xf32, #tpu.memory_space<vmem>>) target_semaphore(%run_scoped3A_60 : memref<!tpu.dma_semaphore, #tpu.memory_space<semaphore_mem>>)
      %dma_wait3A = arith.constant 0 : i32
      %dma_wait3A_70 = tpu.memref_slice %arg10[%run_scoped3A_39, %dma_wait3A] : memref<3x64xf32, #tpu.memory_space<vmem>> -> memref<1x64xf32, #tpu.memory_space<vmem>>
      %dma_wait3A_71 = tpu.memref_squeeze %dma_wait3A_70 : memref<1x64xf32, #tpu.memory_space<vmem>> -> memref<64xf32, #tpu.memory_space<vmem>>
      %dma_wait3A_72 = tpu.memref_slice %arg2[%select_n3A, %run_scoped3A_38, %add3A_34] : memref<4x3x4096xf32, #tpu.memory_space<hbm>> -> memref<1x1x64xf32, #tpu.memory_space<hbm>>
      %dma_wait3A_73 = tpu.memref_squeeze %dma_wait3A_72 : memref<1x1x64xf32, #tpu.memory_space<hbm>> -> memref<64xf32, #tpu.memory_space<hbm>>
      %dma_wait3A_74 = arith.constant 0 : i32
      %dma_wait3A_75 = tpu.memref_slice %arg10[%run_scoped3A_39, %dma_wait3A_74] : memref<3x64xf32, #tpu.memory_space<vmem>> -> memref<1x64xf32, #tpu.memory_space<vmem>>
      %dma_wait3A_76 = tpu.memref_squeeze %dma_wait3A_75 : memref<1x64xf32, #tpu.memory_space<vmem>> -> memref<64xf32, #tpu.memory_space<vmem>>
      %dma_wait3A_77 = tpu.memref_slice %arg2[%select_n3A, %run_scoped3A_38, %add3A_34] : memref<4x3x4096xf32, #tpu.memory_space<hbm>> -> memref<1x1x64xf32, #tpu.memory_space<hbm>>
      %dma_wait3A_78 = tpu.memref_squeeze %dma_wait3A_77 : memref<1x1x64xf32, #tpu.memory_space<hbm>> -> memref<64xf32, #tpu.memory_space<hbm>>
      tpu.wait_dma2 semaphore(%run_scoped3A_60 : memref<!tpu.dma_semaphore, #tpu.memory_space<semaphore_mem>>) src(%dma_wait3A_78 : memref<64xf32, #tpu.memory_space<hbm>>) dst(%dma_wait3A_76 : memref<64xf32, #tpu.memory_space<vmem>>)
      tpu.yield
    }) : () -> ()
    %run_scoped3A_40 = arith.constant 1 : i32
    %run_scoped3A_41 = arith.constant 1 : i32
    "tpu.region"() ({
      %run_scoped3A_60 = tpu.sem_alloc : memref<!tpu.dma_semaphore, #tpu.memory_space<semaphore_mem>>
      %dma_start3A = arith.constant 0 : i32
      %dma_start3A_61 = tpu.memref_slice %arg11[%run_scoped3A_41, %dma_start3A] : memref<3x64xf32, #tpu.memory_space<vmem>> -> memref<1x64xf32, #tpu.memory_space<vmem>>
      %dma_start3A_62 = tpu.memref_squeeze %dma_start3A_61 : memref<1x64xf32, #tpu.memory_space<vmem>> -> memref<64xf32, #tpu.memory_space<vmem>>
      %dma_start3A_63 = tpu.memref_slice %arg4[%select_n3A, %run_scoped3A_40, %add3A_34] : memref<4x3x4096xf32, #tpu.memory_space<hbm>> -> memref<1x1x64xf32, #tpu.memory_space<hbm>>
      %dma_start3A_64 = tpu.memref_squeeze %dma_start3A_63 : memref<1x1x64xf32, #tpu.memory_space<hbm>> -> memref<64xf32, #tpu.memory_space<hbm>>
      %dma_start3A_65 = arith.constant 0 : i32
      %dma_start3A_66 = tpu.memref_slice %arg11[%run_scoped3A_41, %dma_start3A_65] : memref<3x64xf32, #tpu.memory_space<vmem>> -> memref<1x64xf32, #tpu.memory_space<vmem>>
      %dma_start3A_67 = tpu.memref_squeeze %dma_start3A_66 : memref<1x64xf32, #tpu.memory_space<vmem>> -> memref<64xf32, #tpu.memory_space<vmem>>
      %dma_start3A_68 = tpu.memref_slice %arg4[%select_n3A, %run_scoped3A_40, %add3A_34] : memref<4x3x4096xf32, #tpu.memory_space<hbm>> -> memref<1x1x64xf32, #tpu.memory_space<hbm>>
      %dma_start3A_69 = tpu.memref_squeeze %dma_start3A_68 : memref<1x1x64xf32, #tpu.memory_space<hbm>> -> memref<64xf32, #tpu.memory_space<hbm>>
      tpu.enqueue_dma source(%dma_start3A_69 : memref<64xf32, #tpu.memory_space<hbm>>) target(%dma_start3A_67 : memref<64xf32, #tpu.memory_space<vmem>>) target_semaphore(%run_scoped3A_60 : memref<!tpu.dma_semaphore, #tpu.memory_space<semaphore_mem>>)
      %dma_wait3A = arith.constant 0 : i32
      %dma_wait3A_70 = tpu.memref_slice %arg11[%run_scoped3A_41, %dma_wait3A] : memref<3x64xf32, #tpu.memory_space<vmem>> -> memref<1x64xf32, #tpu.memory_space<vmem>>
      %dma_wait3A_71 = tpu.memref_squeeze %dma_wait3A_70 : memref<1x64xf32, #tpu.memory_space<vmem>> -> memref<64xf32, #tpu.memory_space<vmem>>
      %dma_wait3A_72 = tpu.memref_slice %arg4[%select_n3A, %run_scoped3A_40, %add3A_34] : memref<4x3x4096xf32, #tpu.memory_space<hbm>> -> memref<1x1x64xf32, #tpu.memory_space<hbm>>
      %dma_wait3A_73 = tpu.memref_squeeze %dma_wait3A_72 : memref<1x1x64xf32, #tpu.memory_space<hbm>> -> memref<64xf32, #tpu.memory_space<hbm>>
      %dma_wait3A_74 = arith.constant 0 : i32
      %dma_wait3A_75 = tpu.memref_slice %arg11[%run_scoped3A_41, %dma_wait3A_74] : memref<3x64xf32, #tpu.memory_space<vmem>> -> memref<1x64xf32, #tpu.memory_space<vmem>>
      %dma_wait3A_76 = tpu.memref_squeeze %dma_wait3A_75 : memref<1x64xf32, #tpu.memory_space<vmem>> -> memref<64xf32, #tpu.memory_space<vmem>>
      %dma_wait3A_77 = tpu.memref_slice %arg4[%select_n3A, %run_scoped3A_40, %add3A_34] : memref<4x3x4096xf32, #tpu.memory_space<hbm>> -> memref<1x1x64xf32, #tpu.memory_space<hbm>>
      %dma_wait3A_78 = tpu.memref_squeeze %dma_wait3A_77 : memref<1x1x64xf32, #tpu.memory_space<hbm>> -> memref<64xf32, #tpu.memory_space<hbm>>
      tpu.wait_dma2 semaphore(%run_scoped3A_60 : memref<!tpu.dma_semaphore, #tpu.memory_space<semaphore_mem>>) src(%dma_wait3A_78 : memref<64xf32, #tpu.memory_space<hbm>>) dst(%dma_wait3A_76 : memref<64xf32, #tpu.memory_space<vmem>>)
      tpu.yield
    }) : () -> ()
    %run_scoped3A_42 = arith.constant 2 : i32
    %run_scoped3A_43 = arith.constant 2 : i32
    "tpu.region"() ({
      %run_scoped3A_60 = tpu.sem_alloc : memref<!tpu.dma_semaphore, #tpu.memory_space<semaphore_mem>>
      %dma_start3A = arith.constant 0 : i32
      %dma_start3A_61 = tpu.memref_slice %arg10[%run_scoped3A_43, %dma_start3A] : memref<3x64xf32, #tpu.memory_space<vmem>> -> memref<1x64xf32, #tpu.memory_space<vmem>>
      %dma_start3A_62 = tpu.memref_squeeze %dma_start3A_61 : memref<1x64xf32, #tpu.memory_space<vmem>> -> memref<64xf32, #tpu.memory_space<vmem>>
      %dma_start3A_63 = tpu.memref_slice %arg2[%select_n3A, %run_scoped3A_42, %add3A_34] : memref<4x3x4096xf32, #tpu.memory_space<hbm>> -> memref<1x1x64xf32, #tpu.memory_space<hbm>>
      %dma_start3A_64 = tpu.memref_squeeze %dma_start3A_63 : memref<1x1x64xf32, #tpu.memory_space<hbm>> -> memref<64xf32, #tpu.memory_space<hbm>>
      %dma_start3A_65 = arith.constant 0 : i32
      %dma_start3A_66 = tpu.memref_slice %arg10[%run_scoped3A_43, %dma_start3A_65] : memref<3x64xf32, #tpu.memory_space<vmem>> -> memref<1x64xf32, #tpu.memory_space<vmem>>
      %dma_start3A_67 = tpu.memref_squeeze %dma_start3A_66 : memref<1x64xf32, #tpu.memory_space<vmem>> -> memref<64xf32, #tpu.memory_space<vmem>>
      %dma_start3A_68 = tpu.memref_slice %arg2[%select_n3A, %run_scoped3A_42, %add3A_34] : memref<4x3x4096xf32, #tpu.memory_space<hbm>> -> memref<1x1x64xf32, #tpu.memory_space<hbm>>
      %dma_start3A_69 = tpu.memref_squeeze %dma_start3A_68 : memref<1x1x64xf32, #tpu.memory_space<hbm>> -> memref<64xf32, #tpu.memory_space<hbm>>
      tpu.enqueue_dma source(%dma_start3A_69 : memref<64xf32, #tpu.memory_space<hbm>>) target(%dma_start3A_67 : memref<64xf32, #tpu.memory_space<vmem>>) target_semaphore(%run_scoped3A_60 : memref<!tpu.dma_semaphore, #tpu.memory_space<semaphore_mem>>)
      %dma_wait3A = arith.constant 0 : i32
      %dma_wait3A_70 = tpu.memref_slice %arg10[%run_scoped3A_43, %dma_wait3A] : memref<3x64xf32, #tpu.memory_space<vmem>> -> memref<1x64xf32, #tpu.memory_space<vmem>>
      %dma_wait3A_71 = tpu.memref_squeeze %dma_wait3A_70 : memref<1x64xf32, #tpu.memory_space<vmem>> -> memref<64xf32, #tpu.memory_space<vmem>>
      %dma_wait3A_72 = tpu.memref_slice %arg2[%select_n3A, %run_scoped3A_42, %add3A_34] : memref<4x3x4096xf32, #tpu.memory_space<hbm>> -> memref<1x1x64xf32, #tpu.memory_space<hbm>>
      %dma_wait3A_73 = tpu.memref_squeeze %dma_wait3A_72 : memref<1x1x64xf32, #tpu.memory_space<hbm>> -> memref<64xf32, #tpu.memory_space<hbm>>
      %dma_wait3A_74 = arith.constant 0 : i32
      %dma_wait3A_75 = tpu.memref_slice %arg10[%run_scoped3A_43, %dma_wait3A_74] : memref<3x64xf32, #tpu.memory_space<vmem>> -> memref<1x64xf32, #tpu.memory_space<vmem>>
      %dma_wait3A_76 = tpu.memref_squeeze %dma_wait3A_75 : memref<1x64xf32, #tpu.memory_space<vmem>> -> memref<64xf32, #tpu.memory_space<vmem>>
      %dma_wait3A_77 = tpu.memref_slice %arg2[%select_n3A, %run_scoped3A_42, %add3A_34] : memref<4x3x4096xf32, #tpu.memory_space<hbm>> -> memref<1x1x64xf32, #tpu.memory_space<hbm>>
      %dma_wait3A_78 = tpu.memref_squeeze %dma_wait3A_77 : memref<1x1x64xf32, #tpu.memory_space<hbm>> -> memref<64xf32, #tpu.memory_space<hbm>>
      tpu.wait_dma2 semaphore(%run_scoped3A_60 : memref<!tpu.dma_semaphore, #tpu.memory_space<semaphore_mem>>) src(%dma_wait3A_78 : memref<64xf32, #tpu.memory_space<hbm>>) dst(%dma_wait3A_76 : memref<64xf32, #tpu.memory_space<vmem>>)
      tpu.yield
    }) : () -> ()
    %run_scoped3A_44 = arith.constant 2 : i32
    %run_scoped3A_45 = arith.constant 2 : i32
    "tpu.region"() ({
      %run_scoped3A_60 = tpu.sem_alloc : memref<!tpu.dma_semaphore, #tpu.memory_space<semaphore_mem>>
      %dma_start3A = arith.constant 0 : i32
      %dma_start3A_61 = tpu.memref_slice %arg11[%run_scoped3A_45, %dma_start3A] : memref<3x64xf32, #tpu.memory_space<vmem>> -> memref<1x64xf32, #tpu.memory_space<vmem>>
      %dma_start3A_62 = tpu.memref_squeeze %dma_start3A_61 : memref<1x64xf32, #tpu.memory_space<vmem>> -> memref<64xf32, #tpu.memory_space<vmem>>
      %dma_start3A_63 = tpu.memref_slice %arg4[%select_n3A, %run_scoped3A_44, %add3A_34] : memref<4x3x4096xf32, #tpu.memory_space<hbm>> -> memref<1x1x64xf32, #tpu.memory_space<hbm>>
      %dma_start3A_64 = tpu.memref_squeeze %dma_start3A_63 : memref<1x1x64xf32, #tpu.memory_space<hbm>> -> memref<64xf32, #tpu.memory_space<hbm>>
      %dma_start3A_65 = arith.constant 0 : i32
      %dma_start3A_66 = tpu.memref_slice %arg11[%run_scoped3A_45, %dma_start3A_65] : memref<3x64xf32, #tpu.memory_space<vmem>> -> memref<1x64xf32, #tpu.memory_space<vmem>>
      %dma_start3A_67 = tpu.memref_squeeze %dma_start3A_66 : memref<1x64xf32, #tpu.memory_space<vmem>> -> memref<64xf32, #tpu.memory_space<vmem>>
      %dma_start3A_68 = tpu.memref_slice %arg4[%select_n3A, %run_scoped3A_44, %add3A_34] : memref<4x3x4096xf32, #tpu.memory_space<hbm>> -> memref<1x1x64xf32, #tpu.memory_space<hbm>>
      %dma_start3A_69 = tpu.memref_squeeze %dma_start3A_68 : memref<1x1x64xf32, #tpu.memory_space<hbm>> -> memref<64xf32, #tpu.memory_space<hbm>>
      tpu.enqueue_dma source(%dma_start3A_69 : memref<64xf32, #tpu.memory_space<hbm>>) target(%dma_start3A_67 : memref<64xf32, #tpu.memory_space<vmem>>) target_semaphore(%run_scoped3A_60 : memref<!tpu.dma_semaphore, #tpu.memory_space<semaphore_mem>>)
      %dma_wait3A = arith.constant 0 : i32
      %dma_wait3A_70 = tpu.memref_slice %arg11[%run_scoped3A_45, %dma_wait3A] : memref<3x64xf32, #tpu.memory_space<vmem>> -> memref<1x64xf32, #tpu.memory_space<vmem>>
      %dma_wait3A_71 = tpu.memref_squeeze %dma_wait3A_70 : memref<1x64xf32, #tpu.memory_space<vmem>> -> memref<64xf32, #tpu.memory_space<vmem>>
      %dma_wait3A_72 = tpu.memref_slice %arg4[%select_n3A, %run_scoped3A_44, %add3A_34] : memref<4x3x4096xf32, #tpu.memory_space<hbm>> -> memref<1x1x64xf32, #tpu.memory_space<hbm>>
      %dma_wait3A_73 = tpu.memref_squeeze %dma_wait3A_72 : memref<1x1x64xf32, #tpu.memory_space<hbm>> -> memref<64xf32, #tpu.memory_space<hbm>>
      %dma_wait3A_74 = arith.constant 0 : i32
      %dma_wait3A_75 = tpu.memref_slice %arg11[%run_scoped3A_45, %dma_wait3A_74] : memref<3x64xf32, #tpu.memory_space<vmem>> -> memref<1x64xf32, #tpu.memory_space<vmem>>
      %dma_wait3A_76 = tpu.memref_squeeze %dma_wait3A_75 : memref<1x64xf32, #tpu.memory_space<vmem>> -> memref<64xf32, #tpu.memory_space<vmem>>
      %dma_wait3A_77 = tpu.memref_slice %arg4[%select_n3A, %run_scoped3A_44, %add3A_34] : memref<4x3x4096xf32, #tpu.memory_space<hbm>> -> memref<1x1x64xf32, #tpu.memory_space<hbm>>
      %dma_wait3A_78 = tpu.memref_squeeze %dma_wait3A_77 : memref<1x1x64xf32, #tpu.memory_space<hbm>> -> memref<64xf32, #tpu.memory_space<hbm>>
      tpu.wait_dma2 semaphore(%run_scoped3A_60 : memref<!tpu.dma_semaphore, #tpu.memory_space<semaphore_mem>>) src(%dma_wait3A_78 : memref<64xf32, #tpu.memory_space<hbm>>) dst(%dma_wait3A_76 : memref<64xf32, #tpu.memory_space<vmem>>)
      tpu.yield
    }) : () -> ()
    %scan3A = arith.constant 0 : i32
    %scan3A_46 = arith.constant 0 : i32
    %scan3A_47 = arith.constant 256 : i32
    %scan3A_48 = arith.addi %scan3A_46, %scan3A_47 : i32
    %scan3A_49 = arith.constant 1 : i32
    scf.for %scan3A_60 = %scan3A_46 to %scan3A_48 step %scan3A_49  : i32 {
      %mul3A_61 = arith.constant 16 : i32
      %mul3A_62 = arith.muli %scan3A_60, %mul3A_61 : i32
      %get3A = arith.constant 0 : i32
      %get3A_63 = arith.index_cast %get3A : i32 to index
      %get3A_64 = arith.index_cast %mul3A_62 : i32 to index
      %get3A_65 = tpu.vector_load %arg7[%get3A_63, %get3A_64] {strides = array<i32>} : memref<3x4096xf32, #tpu.memory_space<vmem>>, vector<1x16xf32>,
      %get3A_66 = vector.shape_cast %get3A_65 : vector<1x16xf32> to vector<16xf32>
      %get3A_67 = arith.constant 1 : i32
      %get3A_68 = arith.index_cast %get3A_67 : i32 to index
      %get3A_69 = arith.index_cast %mul3A_62 : i32 to index
      %get3A_70 = tpu.vector_load %arg7[%get3A_68, %get3A_69] {strides = array<i32>} : memref<3x4096xf32, #tpu.memory_space<vmem>>, vector<1x16xf32>,
      %get3A_71 = vector.shape_cast %get3A_70 : vector<1x16xf32> to vector<16xf32>
      %get3A_72 = arith.constant 2 : i32
      %get3A_73 = arith.index_cast %get3A_72 : i32 to index
      %get3A_74 = arith.index_cast %mul3A_62 : i32 to index
      %get3A_75 = tpu.vector_load %arg7[%get3A_73, %get3A_74] {strides = array<i32>} : memref<3x4096xf32, #tpu.memory_space<vmem>>, vector<1x16xf32>,
      %get3A_76 = vector.shape_cast %get3A_75 : vector<1x16xf32> to vector<16xf32>
      %mul3A_77 = arith.mulf %get3A_66, %get3A_66 : vector<16xf32>
      %mul3A_78 = arith.mulf %get3A_71, %get3A_71 : vector<16xf32>
      %add3A_79 = arith.addf %mul3A_77, %mul3A_78 : vector<16xf32>
      %mul3A_80 = arith.mulf %get3A_76, %get3A_76 : vector<16xf32>
      %add3A_81 = arith.addf %add3A_79, %mul3A_80 : vector<16xf32>
      %swap3A = arith.index_cast %mul3A_62 : i32 to index
      %swap3A_82 = tpu.vector_load %arg8[%swap3A] {strides = array<i32>} : memref<4096xf32, #tpu.memory_space<vmem>>, vector<16xf32>,
      %swap3A_83 = vector.shape_cast %swap3A_82 : vector<16xf32> to vector<16xf32>
      %swap3A_84 = vector.shape_cast %add3A_81 : vector<16xf32> to vector<16xf32>
      tpu.vector_store %arg8[%swap3A], %swap3A_84 {strides = array<i32>} : memref<4096xf32, #tpu.memory_space<vmem>>, vector<16xf32>,
    }
    %scan3A_50 = arith.constant 256 : i32
    %scan3A_51 = arith.constant -2.000000e+00 : f32
    %scan3A_52 = arith.constant 3.000000e+38 : f32
    %scan3A_53 = arith.constant 0.000000e+00 : f32
    %scan3A_54 = arith.constant 0 : i32
    %scan3A_55 = arith.constant 4 : i32
    %scan3A_56 = arith.addi %scan3A_54, %scan3A_55 : i32
    %scan3A_57 = arith.constant 1 : i32
    %scan3A_58 = scf.for %scan3A_60 = %scan3A_54 to %scan3A_56 step %scan3A_57 iter_args(%scan3A_61 = %scan3A_53) -> (f32)  : i32 {
      %mul3A_62 = arith.constant 16 : i32
      %mul3A_63 = arith.muli %scan3A_60, %mul3A_62 : i32
      %get3A = arith.constant 0 : i32
      %get3A_64 = arith.index_cast %get3A : i32 to index
      %get3A_65 = arith.index_cast %mul3A_63 : i32 to index
      %get3A_66 = tpu.vector_load %arg10[%get3A_64, %get3A_65] {strides = array<i32>} : memref<3x64xf32, #tpu.memory_space<vmem>>, vector<1x16xf32>,
      %get3A_67 = vector.shape_cast %get3A_66 : vector<1x16xf32> to vector<16xf32>
      %get3A_68 = arith.constant 1 : i32
      %get3A_69 = arith.index_cast %get3A_68 : i32 to index
      %get3A_70 = arith.index_cast %mul3A_63 : i32 to index
      %get3A_71 = tpu.vector_load %arg10[%get3A_69, %get3A_70] {strides = array<i32>} : memref<3x64xf32, #tpu.memory_space<vmem>>, vector<1x16xf32>,
      %get3A_72 = vector.shape_cast %get3A_71 : vector<1x16xf32> to vector<16xf32>
      %get3A_73 = arith.constant 2 : i32
      %get3A_74 = arith.index_cast %get3A_73 : i32 to index
      %get3A_75 = arith.index_cast %mul3A_63 : i32 to index
      %get3A_76 = tpu.vector_load %arg10[%get3A_74, %get3A_75] {strides = array<i32>} : memref<3x64xf32, #tpu.memory_space<vmem>>, vector<1x16xf32>,
      %get3A_77 = vector.shape_cast %get3A_76 : vector<1x16xf32> to vector<16xf32>
      %mul3A_78 = arith.mulf %get3A_67, %get3A_67 : vector<16xf32>
      %mul3A_79 = arith.mulf %get3A_72, %get3A_72 : vector<16xf32>
      %add3A_80 = arith.addf %mul3A_78, %mul3A_79 : vector<16xf32>
      %mul3A_81 = arith.mulf %get3A_77, %get3A_77 : vector<16xf32>
      %add3A_82 = arith.addf %add3A_80, %mul3A_81 : vector<16xf32>
      %get3A_83 = arith.constant 0 : i32
      %get3A_84 = arith.index_cast %get3A_83 : i32 to index
      %get3A_85 = arith.index_cast %mul3A_63 : i32 to index
      %get3A_86 = tpu.vector_load %arg11[%get3A_84, %get3A_85] {strides = array<i32>} : memref<3x64xf32, #tpu.memory_space<vmem>>, vector<1x16xf32>,
      %get3A_87 = vector.shape_cast %get3A_86 : vector<1x16xf32> to vector<16xf32>
      %mul3A_88 = vector.broadcast %scan3A_51 : f32 to vector<16xf32>
      %mul3A_89 = arith.mulf %mul3A_88, %get3A_87 : vector<16xf32>
      %get3A_90 = arith.constant 1 : i32
      %get3A_91 = arith.index_cast %get3A_90 : i32 to index
      %get3A_92 = arith.index_cast %mul3A_63 : i32 to index
      %get3A_93 = tpu.vector_load %arg11[%get3A_91, %get3A_92] {strides = array<i32>} : memref<3x64xf32, #tpu.memory_space<vmem>>, vector<1x16xf32>,
      %get3A_94 = vector.shape_cast %get3A_93 : vector<1x16xf32> to vector<16xf32>
      %mul3A_95 = vector.broadcast %scan3A_51 : f32 to vector<16xf32>
      %mul3A_96 = arith.mulf %mul3A_95, %get3A_94 : vector<16xf32>
      %get3A_97 = arith.constant 2 : i32
      %get3A_98 = arith.index_cast %get3A_97 : i32 to index
      %get3A_99 = arith.index_cast %mul3A_63 : i32 to index
      %get3A_100 = tpu.vector_load %arg11[%get3A_98, %get3A_99] {strides = array<i32>} : memref<3x64xf32, #tpu.memory_space<vmem>>, vector<1x16xf32>,
      %get3A_101 = vector.shape_cast %get3A_100 : vector<1x16xf32> to vector<16xf32>
      %mul3A_102 = vector.broadcast %scan3A_51 : f32 to vector<16xf32>
      %mul3A_103 = arith.mulf %mul3A_102, %get3A_101 : vector<16xf32>
      %iota3A = tpu.iota {dimensions = array<i32: 0>} : vector<16xi32>
      %xor3A = arith.constant 8 : i32
      %xor3A_104 = vector.broadcast %xor3A : i32 to vector<16xi32>
      %xor3A_105 = arith.xori %iota3A, %xor3A_104 : vector<16xi32>
      %lt3A_106 = arith.constant 0 : i32
      %lt3A_107 = vector.broadcast %lt3A_106 : i32 to vector<16xi32>
      %lt3A_108 = arith.cmpi slt, %xor3A_105, %lt3A_107 : vector<16xi32>
      %add3A_109 = arith.constant 16 : i32
      %add3A_110 = vector.broadcast %add3A_109 : i32 to vector<16xi32>
      %add3A_111 = arith.addi %xor3A_105, %add3A_110 : vector<16xi32>
      %select_n3A_112 = arith.select %lt3A_108, %add3A_111, %xor3A_105 : vector<16xi1>, vector<16xi32>
      %broadcast_in_dim3A_113 = vector.shape_cast %select_n3A_112 : vector<16xi32> to vector<16x1xi32>
      %gather3A = vector.shape_cast %broadcast_in_dim3A_113 : vector<16x1xi32> to vector<16xi32>
      %gather3A_114 = tpu.dynamic_gather %add3A_82[%gather3A] in [0] : vector<16xf32>, vector<16xi32> -> vector<16xf32>
      %add3A_115 = arith.addf %add3A_82, %gather3A_114 : vector<16xf32>
      %xor3A_116 = arith.constant 4 : i32
      %xor3A_117 = vector.broadcast %xor3A_116 : i32 to vector<16xi32>
      %xor3A_118 = arith.xori %iota3A, %xor3A_117 : vector<16xi32>
      %lt3A_119 = arith.constant 0 : i32
      %lt3A_120 = vector.broadcast %lt3A_119 : i32 to vector<16xi32>
      %lt3A_121 = arith.cmpi slt, %xor3A_118, %lt3A_120 : vector<16xi32>
      %add3A_122 = arith.constant 16 : i32
      %add3A_123 = vector.broadcast %add3A_122 : i32 to vector<16xi32>
      %add3A_124 = arith.addi %xor3A_118, %add3A_123 : vector<16xi32>
      %select_n3A_125 = arith.select %lt3A_121, %add3A_124, %xor3A_118 : vector<16xi1>, vector<16xi32>
      %broadcast_in_dim3A_126 = vector.shape_cast %select_n3A_125 : vector<16xi32> to vector<16x1xi32>
      %gather3A_127 = vector.shape_cast %broadcast_in_dim3A_126 : vector<16x1xi32> to vector<16xi32>
      %gather3A_128 = tpu.dynamic_gather %add3A_115[%gather3A_127] in [0] : vector<16xf32>, vector<16xi32> -> vector<16xf32>
      %add3A_129 = arith.addf %add3A_115, %gather3A_128 : vector<16xf32>
      %xor3A_130 = arith.constant 2 : i32
      %xor3A_131 = vector.broadcast %xor3A_130 : i32 to vector<16xi32>
      %xor3A_132 = arith.xori %iota3A, %xor3A_131 : vector<16xi32>
      %lt3A_133 = arith.constant 0 : i32
      %lt3A_134 = vector.broadcast %lt3A_133 : i32 to vector<16xi32>
      %lt3A_135 = arith.cmpi slt, %xor3A_132, %lt3A_134 : vector<16xi32>
      %add3A_136 = arith.constant 16 : i32
      %add3A_137 = vector.broadcast %add3A_136 : i32 to vector<16xi32>
      %add3A_138 = arith.addi %xor3A_132, %add3A_137 : vector<16xi32>
      %select_n3A_139 = arith.select %lt3A_135, %add3A_138, %xor3A_132 : vector<16xi1>, vector<16xi32>
      %broadcast_in_dim3A_140 = vector.shape_cast %select_n3A_139 : vector<16xi32> to vector<16x1xi32>
      %gather3A_141 = vector.shape_cast %broadcast_in_dim3A_140 : vector<16x1xi32> to vector<16xi32>
      %gather3A_142 = tpu.dynamic_gather %add3A_129[%gather3A_141] in [0] : vector<16xf32>, vector<16xi32> -> vector<16xf32>
      %add3A_143 = arith.addf %add3A_129, %gather3A_142 : vector<16xf32>
      %xor3A_144 = arith.constant 1 : i32
      %xor3A_145 = vector.broadcast %xor3A_144 : i32 to vector<16xi32>
      %xor3A_146 = arith.xori %iota3A, %xor3A_145 : vector<16xi32>
      %lt3A_147 = arith.constant 0 : i32
      %lt3A_148 = vector.broadcast %lt3A_147 : i32 to vector<16xi32>
      %lt3A_149 = arith.cmpi slt, %xor3A_146, %lt3A_148 : vector<16xi32>
      %add3A_150 = arith.constant 16 : i32
      %add3A_151 = vector.broadcast %add3A_150 : i32 to vector<16xi32>
      %add3A_152 = arith.addi %xor3A_146, %add3A_151 : vector<16xi32>
      %select_n3A_153 = arith.select %lt3A_149, %add3A_152, %xor3A_146 : vector<16xi1>, vector<16xi32>
      %broadcast_in_dim3A_154 = vector.shape_cast %select_n3A_153 : vector<16xi32> to vector<16x1xi32>
      %gather3A_155 = vector.shape_cast %broadcast_in_dim3A_154 : vector<16x1xi32> to vector<16xi32>
      %gather3A_156 = tpu.dynamic_gather %add3A_143[%gather3A_155] in [0] : vector<16xf32>, vector<16xi32> -> vector<16xf32>
      %add3A_157 = arith.addf %add3A_143, %gather3A_156 : vector<16xf32>
      %slice3A = vector.extract_strided_slice %add3A_157 {offsets = [0], sizes = [1], strides = [1]} : vector<16xf32> to vector<1xf32>
      %squeeze3A = vector.extract %slice3A[0] : f32 from vector<1xf32>
      %add3A_158 = arith.addf %scan3A_61, %squeeze3A : f32
      %slice3A_159 = vector.extract_strided_slice %mul3A_89 {offsets = [0], sizes = [1], strides = [1]} : vector<16xf32> to vector<1xf32>
      %squeeze3A_160 = vector.extract %slice3A_159[0] : f32 from vector<1xf32>
      %slice3A_161 = vector.extract_strided_slice %mul3A_89 {offsets = [1], sizes = [1], strides = [1]} : vector<16xf32> to vector<1xf32>
      %squeeze3A_162 = vector.extract %slice3A_161[0] : f32 from vector<1xf32>
      %slice3A_163 = vector.extract_strided_slice %mul3A_89 {offsets = [2], sizes = [1], strides = [1]} : vector<16xf32> to vector<1xf32>
      %squeeze3A_164 = vector.extract %slice3A_163[0] : f32 from vector<1xf32>
      %slice3A_165 = vector.extract_strided_slice %mul3A_89 {offsets = [3], sizes = [1], strides = [1]} : vector<16xf32> to vector<1xf32>
      %squeeze3A_166 = vector.extract %slice3A_165[0] : f32 from vector<1xf32>
      %slice3A_167 = vector.extract_strided_slice %mul3A_89 {offsets = [4], sizes = [1], strides = [1]} : vector<16xf32> to vector<1xf32>
      %squeeze3A_168 = vector.extract %slice3A_167[0] : f32 from vector<1xf32>
      %slice3A_169 = vector.extract_strided_slice %mul3A_89 {offsets = [5], sizes = [1], strides = [1]} : vector<16xf32> to vector<1xf32>
      %squeeze3A_170 = vector.extract %slice3A_169[0] : f32 from vector<1xf32>
      %slice3A_171 = vector.extract_strided_slice %mul3A_89 {offsets = [6], sizes = [1], strides = [1]} : vector<16xf32> to vector<1xf32>
      %squeeze3A_172 = vector.extract %slice3A_171[0] : f32 from vector<1xf32>
      %slice3A_173 = vector.extract_strided_slice %mul3A_89 {offsets = [7], sizes = [1], strides = [1]} : vector<16xf32> to vector<1xf32>
      %squeeze3A_174 = vector.extract %slice3A_173[0] : f32 from vector<1xf32>
      %slice3A_175 = vector.extract_strided_slice %mul3A_96 {offsets = [0], sizes = [1], strides = [1]} : vector<16xf32> to vector<1xf32>
      %squeeze3A_176 = vector.extract %slice3A_175[0] : f32 from vector<1xf32>
      %slice3A_177 = vector.extract_strided_slice %mul3A_96 {offsets = [1], sizes = [1], strides = [1]} : vector<16xf32> to vector<1xf32>
      %squeeze3A_178 = vector.extract %slice3A_177[0] : f32 from vector<1xf32>
      %slice3A_179 = vector.extract_strided_slice %mul3A_96 {offsets = [2], sizes = [1], strides = [1]} : vector<16xf32> to vector<1xf32>
      %squeeze3A_180 = vector.extract %slice3A_179[0] : f32 from vector<1xf32>
      %slice3A_181 = vector.extract_strided_slice %mul3A_96 {offsets = [3], sizes = [1], strides = [1]} : vector<16xf32> to vector<1xf32>
      %squeeze3A_182 = vector.extract %slice3A_181[0] : f32 from vector<1xf32>
      %slice3A_183 = vector.extract_strided_slice %mul3A_96 {offsets = [4], sizes = [1], strides = [1]} : vector<16xf32> to vector<1xf32>
      %squeeze3A_184 = vector.extract %slice3A_183[0] : f32 from vector<1xf32>
      %slice3A_185 = vector.extract_strided_slice %mul3A_96 {offsets = [5], sizes = [1], strides = [1]} : vector<16xf32> to vector<1xf32>
      %squeeze3A_186 = vector.extract %slice3A_185[0] : f32 from vector<1xf32>
      %slice3A_187 = vector.extract_strided_slice %mul3A_96 {offsets = [6], sizes = [1], strides = [1]} : vector<16xf32> to vector<1xf32>
      %squeeze3A_188 = vector.extract %slice3A_187[0] : f32 from vector<1xf32>
      %slice3A_189 = vector.extract_strided_slice %mul3A_96 {offsets = [7], sizes = [1], strides = [1]} : vector<16xf32> to vector<1xf32>
      %squeeze3A_190 = vector.extract %slice3A_189[0] : f32 from vector<1xf32>
      %slice3A_191 = vector.extract_strided_slice %mul3A_103 {offsets = [0], sizes = [1], strides = [1]} : vector<16xf32> to vector<1xf32>
      %squeeze3A_192 = vector.extract %slice3A_191[0] : f32 from vector<1xf32>
      %slice3A_193 = vector.extract_strided_slice %mul3A_103 {offsets = [1], sizes = [1], strides = [1]} : vector<16xf32> to vector<1xf32>
      %squeeze3A_194 = vector.extract %slice3A_193[0] : f32 from vector<1xf32>
      %slice3A_195 = vector.extract_strided_slice %mul3A_103 {offsets = [2], sizes = [1], strides = [1]} : vector<16xf32> to vector<1xf32>
      %squeeze3A_196 = vector.extract %slice3A_195[0] : f32 from vector<1xf32>
      %slice3A_197 = vector.extract_strided_slice %mul3A_103 {offsets = [3], sizes = [1], strides = [1]} : vector<16xf32> to vector<1xf32>
      %squeeze3A_198 = vector.extract %slice3A_197[0] : f32 from vector<1xf32>
      %slice3A_199 = vector.extract_strided_slice %mul3A_103 {offsets = [4], sizes = [1], strides = [1]} : vector<16xf32> to vector<1xf32>
      %squeeze3A_200 = vector.extract %slice3A_199[0] : f32 from vector<1xf32>
      %slice3A_201 = vector.extract_strided_slice %mul3A_103 {offsets = [5], sizes = [1], strides = [1]} : vector<16xf32> to vector<1xf32>
      %squeeze3A_202 = vector.extract %slice3A_201[0] : f32 from vector<1xf32>
      %slice3A_203 = vector.extract_strided_slice %mul3A_103 {offsets = [6], sizes = [1], strides = [1]} : vector<16xf32> to vector<1xf32>
      %squeeze3A_204 = vector.extract %slice3A_203[0] : f32 from vector<1xf32>
      %slice3A_205 = vector.extract_strided_slice %mul3A_103 {offsets = [7], sizes = [1], strides = [1]} : vector<16xf32> to vector<1xf32>
      %squeeze3A_206 = vector.extract %slice3A_205[0] : f32 from vector<1xf32>
      %broadcast_in_dim3A_207 = vector.broadcast %scan3A_52 : f32 to vector<16xf32>
      %broadcast_in_dim3A_208 = vector.broadcast %scan3A_52 : f32 to vector<16xf32>
      %broadcast_in_dim3A_209 = vector.broadcast %scan3A_52 : f32 to vector<16xf32>
      %broadcast_in_dim3A_210 = vector.broadcast %scan3A_52 : f32 to vector<16xf32>
      %broadcast_in_dim3A_211 = vector.broadcast %scan3A_52 : f32 to vector<16xf32>
      %broadcast_in_dim3A_212 = vector.broadcast %scan3A_52 : f32 to vector<16xf32>
      %broadcast_in_dim3A_213 = vector.broadcast %scan3A_52 : f32 to vector<16xf32>
      %broadcast_in_dim3A_214 = vector.broadcast %scan3A_52 : f32 to vector<16xf32>
      %scan3A_215 = arith.constant 0 : i32
      %scan3A_216 = arith.constant 256 : i32
      %scan3A_217 = arith.addi %scan3A_215, %scan3A_216 : i32
      %scan3A_218 = arith.constant 1 : i32
      %scan3A_219:8 = scf.for %scan3A_1242 = %scan3A_215 to %scan3A_217 step %scan3A_218 iter_args(%scan3A_1243 = %broadcast_in_dim3A_207, %scan3A_1244 = %broadcast_in_dim3A_208, %scan3A_1245 = %broadcast_in_dim3A_209, %scan3A_1246 = %broadcast_in_dim3A_210, %scan3A_1247 = %broadcast_in_dim3A_211, %scan3A_1248 = %broadcast_in_dim3A_212, %scan3A_1249 = %broadcast_in_dim3A_213, %scan3A_1250 = %broadcast_in_dim3A_214) -> (vector<16xf32>, vector<16xf32>, vector<16xf32>, vector<16xf32>, vector<16xf32>, vector<16xf32>, vector<16xf32>, vector<16xf32>)  : i32 {
        %mul3A_1251 = arith.constant 16 : i32
        %mul3A_1252 = arith.muli %scan3A_1242, %mul3A_1251 : i32
        %get3A_1253 = arith.constant 0 : i32
        %get3A_1254 = arith.index_cast %get3A_1253 : i32 to index
        %get3A_1255 = arith.index_cast %mul3A_1252 : i32 to index
        %get3A_1256 = tpu.vector_load %arg9[%get3A_1254, %get3A_1255] {strides = array<i32>} : memref<3x4096xf32, #tpu.memory_space<vmem>>, vector<1x16xf32>,
        %get3A_1257 = vector.shape_cast %get3A_1256 : vector<1x16xf32> to vector<16xf32>
        %get3A_1258 = arith.constant 1 : i32
        %get3A_1259 = arith.index_cast %get3A_1258 : i32 to index
        %get3A_1260 = arith.index_cast %mul3A_1252 : i32 to index
        %get3A_1261 = tpu.vector_load %arg9[%get3A_1259, %get3A_1260] {strides = array<i32>} : memref<3x4096xf32, #tpu.memory_space<vmem>>, vector<1x16xf32>,
        %get3A_1262 = vector.shape_cast %get3A_1261 : vector<1x16xf32> to vector<16xf32>
        %get3A_1263 = arith.constant 2 : i32
        %get3A_1264 = arith.index_cast %get3A_1263 : i32 to index
        %get3A_1265 = arith.index_cast %mul3A_1252 : i32 to index
        %get3A_1266 = tpu.vector_load %arg9[%get3A_1264, %get3A_1265] {strides = array<i32>} : memref<3x4096xf32, #tpu.memory_space<vmem>>, vector<1x16xf32>,
        %get3A_1267 = vector.shape_cast %get3A_1266 : vector<1x16xf32> to vector<16xf32>
        %get3A_1268 = arith.index_cast %mul3A_1252 : i32 to index
        %get3A_1269 = tpu.vector_load %arg8[%get3A_1268] {strides = array<i32>} : memref<4096xf32, #tpu.memory_space<vmem>>, vector<16xf32>,
        %get3A_1270 = vector.shape_cast %get3A_1269 : vector<16xf32> to vector<16xf32>
        %mul3A_1271 = vector.broadcast %squeeze3A_160 : f32 to vector<16xf32>
        %mul3A_1272 = arith.mulf %mul3A_1271, %get3A_1257 : vector<16xf32>
        %add3A_1273 = arith.addf %get3A_1270, %mul3A_1272 : vector<16xf32>
        %mul3A_1274 = vector.broadcast %squeeze3A_176 : f32 to vector<16xf32>
        %mul3A_1275 = arith.mulf %mul3A_1274, %get3A_1262 : vector<16xf32>
        %add3A_1276 = arith.addf %add3A_1273, %mul3A_1275 : vector<16xf32>
        %mul3A_1277 = vector.broadcast %squeeze3A_192 : f32 to vector<16xf32>
        %mul3A_1278 = arith.mulf %mul3A_1277, %get3A_1267 : vector<16xf32>
        %add3A_1279 = arith.addf %add3A_1276, %mul3A_1278 : vector<16xf32>
        %min3A_1280 = arith.minimumf %scan3A_1243, %add3A_1279 : vector<16xf32>
        %mul3A_1281 = vector.broadcast %squeeze3A_162 : f32 to vector<16xf32>
        %mul3A_1282 = arith.mulf %mul3A_1281, %get3A_1257 : vector<16xf32>
        %add3A_1283 = arith.addf %get3A_1270, %mul3A_1282 : vector<16xf32>
        %mul3A_1284 = vector.broadcast %squeeze3A_178 : f32 to vector<16xf32>
        %mul3A_1285 = arith.mulf %mul3A_1284, %get3A_1262 : vector<16xf32>
        %add3A_1286 = arith.addf %add3A_1283, %mul3A_1285 : vector<16xf32>
        %mul3A_1287 = vector.broadcast %squeeze3A_194 : f32 to vector<16xf32>
        %mul3A_1288 = arith.mulf %mul3A_1287, %get3A_1267 : vector<16xf32>
        %add3A_1289 = arith.addf %add3A_1286, %mul3A_1288 : vector<16xf32>
        %min3A_1290 = arith.minimumf %scan3A_1244, %add3A_1289 : vector<16xf32>
        %mul3A_1291 = vector.broadcast %squeeze3A_164 : f32 to vector<16xf32>
        %mul3A_1292 = arith.mulf %mul3A_1291, %get3A_1257 : vector<16xf32>
        %add3A_1293 = arith.addf %get3A_1270, %mul3A_1292 : vector<16xf32>
        %mul3A_1294 = vector.broadcast %squeeze3A_180 : f32 to vector<16xf32>
        %mul3A_1295 = arith.mulf %mul3A_1294, %get3A_1262 : vector<16xf32>
        %add3A_1296 = arith.addf %add3A_1293, %mul3A_1295 : vector<16xf32>
        %mul3A_1297 = vector.broadcast %squeeze3A_196 : f32 to vector<16xf32>
        %mul3A_1298 = arith.mulf %mul3A_1297, %get3A_1267 : vector<16xf32>
        %add3A_1299 = arith.addf %add3A_1296, %mul3A_1298 : vector<16xf32>
        %min3A_1300 = arith.minimumf %scan3A_1245, %add3A_1299 : vector<16xf32>
        %mul3A_1301 = vector.broadcast %squeeze3A_166 : f32 to vector<16xf32>
        %mul3A_1302 = arith.mulf %mul3A_1301, %get3A_1257 : vector<16xf32>
        %add3A_1303 = arith.addf %get3A_1270, %mul3A_1302 : vector<16xf32>
        %mul3A_1304 = vector.broadcast %squeeze3A_182 : f32 to vector<16xf32>
        %mul3A_1305 = arith.mulf %mul3A_1304, %get3A_1262 : vector<16xf32>
        %add3A_1306 = arith.addf %add3A_1303, %mul3A_1305 : vector<16xf32>
        %mul3A_1307 = vector.broadcast %squeeze3A_198 : f32 to vector<16xf32>
        %mul3A_1308 = arith.mulf %mul3A_1307, %get3A_1267 : vector<16xf32>
        %add3A_1309 = arith.addf %add3A_1306, %mul3A_1308 : vector<16xf32>
        %min3A_1310 = arith.minimumf %scan3A_1246, %add3A_1309 : vector<16xf32>
        %mul3A_1311 = vector.broadcast %squeeze3A_168 : f32 to vector<16xf32>
        %mul3A_1312 = arith.mulf %mul3A_1311, %get3A_1257 : vector<16xf32>
        %add3A_1313 = arith.addf %get3A_1270, %mul3A_1312 : vector<16xf32>
        %mul3A_1314 = vector.broadcast %squeeze3A_184 : f32 to vector<16xf32>
        %mul3A_1315 = arith.mulf %mul3A_1314, %get3A_1262 : vector<16xf32>
        %add3A_1316 = arith.addf %add3A_1313, %mul3A_1315 : vector<16xf32>
        %mul3A_1317 = vector.broadcast %squeeze3A_200 : f32 to vector<16xf32>
        %mul3A_1318 = arith.mulf %mul3A_1317, %get3A_1267 : vector<16xf32>
        %add3A_1319 = arith.addf %add3A_1316, %mul3A_1318 : vector<16xf32>
        %min3A_1320 = arith.minimumf %scan3A_1247, %add3A_1319 : vector<16xf32>
        %mul3A_1321 = vector.broadcast %squeeze3A_170 : f32 to vector<16xf32>
        %mul3A_1322 = arith.mulf %mul3A_1321, %get3A_1257 : vector<16xf32>
        %add3A_1323 = arith.addf %get3A_1270, %mul3A_1322 : vector<16xf32>
        %mul3A_1324 = vector.broadcast %squeeze3A_186 : f32 to vector<16xf32>
        %mul3A_1325 = arith.mulf %mul3A_1324, %get3A_1262 : vector<16xf32>
        %add3A_1326 = arith.addf %add3A_1323, %mul3A_1325 : vector<16xf32>
        %mul3A_1327 = vector.broadcast %squeeze3A_202 : f32 to vector<16xf32>
        %mul3A_1328 = arith.mulf %mul3A_1327, %get3A_1267 : vector<16xf32>
        %add3A_1329 = arith.addf %add3A_1326, %mul3A_1328 : vector<16xf32>
        %min3A_1330 = arith.minimumf %scan3A_1248, %add3A_1329 : vector<16xf32>
        %mul3A_1331 = vector.broadcast %squeeze3A_172 : f32 to vector<16xf32>
        %mul3A_1332 = arith.mulf %mul3A_1331, %get3A_1257 : vector<16xf32>
        %add3A_1333 = arith.addf %get3A_1270, %mul3A_1332 : vector<16xf32>
        %mul3A_1334 = vector.broadcast %squeeze3A_188 : f32 to vector<16xf32>
        %mul3A_1335 = arith.mulf %mul3A_1334, %get3A_1262 : vector<16xf32>
        %add3A_1336 = arith.addf %add3A_1333, %mul3A_1335 : vector<16xf32>
        %mul3A_1337 = vector.broadcast %squeeze3A_204 : f32 to vector<16xf32>
        %mul3A_1338 = arith.mulf %mul3A_1337, %get3A_1267 : vector<16xf32>
        %add3A_1339 = arith.addf %add3A_1336, %mul3A_1338 : vector<16xf32>
        %min3A_1340 = arith.minimumf %scan3A_1249, %add3A_1339 : vector<16xf32>
        %mul3A_1341 = vector.broadcast %squeeze3A_174 : f32 to vector<16xf32>
        %mul3A_1342 = arith.mulf %mul3A_1341, %get3A_1257 : vector<16xf32>
        %add3A_1343 = arith.addf %get3A_1270, %mul3A_1342 : vector<16xf32>
        %mul3A_1344 = vector.broadcast %squeeze3A_190 : f32 to vector<16xf32>
        %mul3A_1345 = arith.mulf %mul3A_1344, %get3A_1262 : vector<16xf32>
        %add3A_1346 = arith.addf %add3A_1343, %mul3A_1345 : vector<16xf32>
        %mul3A_1347 = vector.broadcast %squeeze3A_206 : f32 to vector<16xf32>
        %mul3A_1348 = arith.mulf %mul3A_1347, %get3A_1267 : vector<16xf32>
        %add3A_1349 = arith.addf %add3A_1346, %mul3A_1348 : vector<16xf32>
        %min3A_1350 = arith.minimumf %scan3A_1250, %add3A_1349 : vector<16xf32>
        scf.yield %min3A_1280, %min3A_1290, %min3A_1300, %min3A_1310, %min3A_1320, %min3A_1330, %min3A_1340, %min3A_1350 : vector<16xf32>, vector<16xf32>, vector<16xf32>, vector<16xf32>, vector<16xf32>, vector<16xf32>, vector<16xf32>, vector<16xf32>
      }
      %scan3A_220 = arith.constant 256 : i32
      %iota3A_221 = tpu.iota {dimensions = array<i32: 0>} : vector<16xi32>
      %xor3A_222 = arith.constant 8 : i32
      %xor3A_223 = vector.broadcast %xor3A_222 : i32 to vector<16xi32>
      %xor3A_224 = arith.xori %iota3A_221, %xor3A_223 : vector<16xi32>
      %lt3A_225 = arith.constant 0 : i32
      %lt3A_226 = vector.broadcast %lt3A_225 : i32 to vector<16xi32>
      %lt3A_227 = arith.cmpi slt, %xor3A_224, %lt3A_226 : vector<16xi32>
      %add3A_228 = arith.constant 16 : i32
      %add3A_229 = vector.broadcast %add3A_228 : i32 to vector<16xi32>
      %add3A_230 = arith.addi %xor3A_224, %add3A_229 : vector<16xi32>
      %select_n3A_231 = arith.select %lt3A_227, %add3A_230, %xor3A_224 : vector<16xi1>, vector<16xi32>
      %broadcast_in_dim3A_232 = vector.shape_cast %select_n3A_231 : vector<16xi32> to vector<16x1xi32>
      %gather3A_233 = vector.shape_cast %broadcast_in_dim3A_232 : vector<16x1xi32> to vector<16xi32>
      %gather3A_234 = tpu.dynamic_gather %scan3A_219#0[%gather3A_233] in [0] : vector<16xf32>, vector<16xi32> -> vector<16xf32>
      %min3A = arith.minimumf %scan3A_219#0, %gather3A_234 : vector<16xf32>
      %xor3A_235 = arith.constant 4 : i32
      %xor3A_236 = vector.broadcast %xor3A_235 : i32 to vector<16xi32>
      %xor3A_237 = arith.xori %iota3A_221, %xor3A_236 : vector<16xi32>
      %lt3A_238 = arith.constant 0 : i32
      %lt3A_239 = vector.broadcast %lt3A_238 : i32 to vector<16xi32>
      %lt3A_240 = arith.cmpi slt, %xor3A_237, %lt3A_239 : vector<16xi32>
      %add3A_241 = arith.constant 16 : i32
      %add3A_242 = vector.broadcast %add3A_241 : i32 to vector<16xi32>
      %add3A_243 = arith.addi %xor3A_237, %add3A_242 : vector<16xi32>
      %select_n3A_244 = arith.select %lt3A_240, %add3A_243, %xor3A_237 : vector<16xi1>, vector<16xi32>
      %broadcast_in_dim3A_245 = vector.shape_cast %select_n3A_244 : vector<16xi32> to vector<16x1xi32>
      %gather3A_246 = vector.shape_cast %broadcast_in_dim3A_245 : vector<16x1xi32> to vector<16xi32>
      %gather3A_247 = tpu.dynamic_gather %min3A[%gather3A_246] in [0] : vector<16xf32>, vector<16xi32> -> vector<16xf32>
      %min3A_248 = arith.minimumf %min3A, %gather3A_247 : vector<16xf32>
      %xor3A_249 = arith.constant 2 : i32
      %xor3A_250 = vector.broadcast %xor3A_249 : i32 to vector<16xi32>
      %xor3A_251 = arith.xori %iota3A_221, %xor3A_250 : vector<16xi32>
      %lt3A_252 = arith.constant 0 : i32
      %lt3A_253 = vector.broadcast %lt3A_252 : i32 to vector<16xi32>
      %lt3A_254 = arith.cmpi slt, %xor3A_251, %lt3A_253 : vector<16xi32>
      %add3A_255 = arith.constant 16 : i32
      %add3A_256 = vector.broadcast %add3A_255 : i32 to vector<16xi32>
      %add3A_257 = arith.addi %xor3A_251, %add3A_256 : vector<16xi32>
      %select_n3A_258 = arith.select %lt3A_254, %add3A_257, %xor3A_251 : vector<16xi1>, vector<16xi32>
      %broadcast_in_dim3A_259 = vector.shape_cast %select_n3A_258 : vector<16xi32> to vector<16x1xi32>
      %gather3A_260 = vector.shape_cast %broadcast_in_dim3A_259 : vector<16x1xi32> to vector<16xi32>
      %gather3A_261 = tpu.dynamic_gather %min3A_248[%gather3A_260] in [0] : vector<16xf32>, vector<16xi32> -> vector<16xf32>
      %min3A_262 = arith.minimumf %min3A_248, %gather3A_261 : vector<16xf32>
      %xor3A_263 = arith.constant 1 : i32
      %xor3A_264 = vector.broadcast %xor3A_263 : i32 to vector<16xi32>
      %xor3A_265 = arith.xori %iota3A_221, %xor3A_264 : vector<16xi32>
      %lt3A_266 = arith.constant 0 : i32
      %lt3A_267 = vector.broadcast %lt3A_266 : i32 to vector<16xi32>
      %lt3A_268 = arith.cmpi slt, %xor3A_265, %lt3A_267 : vector<16xi32>
      %add3A_269 = arith.constant 16 : i32
      %add3A_270 = vector.broadcast %add3A_269 : i32 to vector<16xi32>
      %add3A_271 = arith.addi %xor3A_265, %add3A_270 : vector<16xi32>
      %select_n3A_272 = arith.select %lt3A_268, %add3A_271, %xor3A_265 : vector<16xi1>, vector<16xi32>
      %broadcast_in_dim3A_273 = vector.shape_cast %select_n3A_272 : vector<16xi32> to vector<16x1xi32>
      %gather3A_274 = vector.shape_cast %broadcast_in_dim3A_273 : vector<16x1xi32> to vector<16xi32>
      %gather3A_275 = tpu.dynamic_gather %min3A_262[%gather3A_274] in [0] : vector<16xf32>, vector<16xi32> -> vector<16xf32>
      %min3A_276 = arith.minimumf %min3A_262, %gather3A_275 : vector<16xf32>
      %slice3A_277 = vector.extract_strided_slice %min3A_276 {offsets = [0], sizes = [1], strides = [1]} : vector<16xf32> to vector<1xf32>
      %squeeze3A_278 = vector.extract %slice3A_277[0] : f32 from vector<1xf32>
      %add3A_279 = arith.addf %add3A_158, %squeeze3A_278 : f32
      %iota3A_280 = tpu.iota {dimensions = array<i32: 0>} : vector<16xi32>
      %xor3A_281 = arith.constant 8 : i32
      %xor3A_282 = vector.broadcast %xor3A_281 : i32 to vector<16xi32>
      %xor3A_283 = arith.xori %iota3A_280, %xor3A_282 : vector<16xi32>
      %lt3A_284 = arith.constant 0 : i32
      %lt3A_285 = vector.broadcast %lt3A_284 : i32 to vector<16xi32>
      %lt3A_286 = arith.cmpi slt, %xor3A_283, %lt3A_285 : vector<16xi32>
      %add3A_287 = arith.constant 16 : i32
      %add3A_288 = vector.broadcast %add3A_287 : i32 to vector<16xi32>
      %add3A_289 = arith.addi %xor3A_283, %add3A_288 : vector<16xi32>
      %select_n3A_290 = arith.select %lt3A_286, %add3A_289, %xor3A_283 : vector<16xi1>, vector<16xi32>
      %broadcast_in_dim3A_291 = vector.shape_cast %select_n3A_290 : vector<16xi32> to vector<16x1xi32>
      %gather3A_292 = vector.shape_cast %broadcast_in_dim3A_291 : vector<16x1xi32> to vector<16xi32>
      %gather3A_293 = tpu.dynamic_gather %scan3A_219#1[%gather3A_292] in [0] : vector<16xf32>, vector<16xi32> -> vector<16xf32>
      %min3A_294 = arith.minimumf %scan3A_219#1, %gather3A_293 : vector<16xf32>
      %xor3A_295 = arith.constant 4 : i32
      %xor3A_296 = vector.broadcast %xor3A_295 : i32 to vector<16xi32>
      %xor3A_297 = arith.xori %iota3A_280, %xor3A_296 : vector<16xi32>
      %lt3A_298 = arith.constant 0 : i32
      %lt3A_299 = vector.broadcast %lt3A_298 : i32 to vector<16xi32>
      %lt3A_300 = arith.cmpi slt, %xor3A_297, %lt3A_299 : vector<16xi32>
      %add3A_301 = arith.constant 16 : i32
      %add3A_302 = vector.broadcast %add3A_301 : i32 to vector<16xi32>
      %add3A_303 = arith.addi %xor3A_297, %add3A_302 : vector<16xi32>
      %select_n3A_304 = arith.select %lt3A_300, %add3A_303, %xor3A_297 : vector<16xi1>, vector<16xi32>
      %broadcast_in_dim3A_305 = vector.shape_cast %select_n3A_304 : vector<16xi32> to vector<16x1xi32>
      %gather3A_306 = vector.shape_cast %broadcast_in_dim3A_305 : vector<16x1xi32> to vector<16xi32>
      %gather3A_307 = tpu.dynamic_gather %min3A_294[%gather3A_306] in [0] : vector<16xf32>, vector<16xi32> -> vector<16xf32>
      %min3A_308 = arith.minimumf %min3A_294, %gather3A_307 : vector<16xf32>
      %xor3A_309 = arith.constant 2 : i32
      %xor3A_310 = vector.broadcast %xor3A_309 : i32 to vector<16xi32>
      %xor3A_311 = arith.xori %iota3A_280, %xor3A_310 : vector<16xi32>
      %lt3A_312 = arith.constant 0 : i32
      %lt3A_313 = vector.broadcast %lt3A_312 : i32 to vector<16xi32>
      %lt3A_314 = arith.cmpi slt, %xor3A_311, %lt3A_313 : vector<16xi32>
      %add3A_315 = arith.constant 16 : i32
      %add3A_316 = vector.broadcast %add3A_315 : i32 to vector<16xi32>
      %add3A_317 = arith.addi %xor3A_311, %add3A_316 : vector<16xi32>
      %select_n3A_318 = arith.select %lt3A_314, %add3A_317, %xor3A_311 : vector<16xi1>, vector<16xi32>
      %broadcast_in_dim3A_319 = vector.shape_cast %select_n3A_318 : vector<16xi32> to vector<16x1xi32>
      %gather3A_320 = vector.shape_cast %broadcast_in_dim3A_319 : vector<16x1xi32> to vector<16xi32>
      %gather3A_321 = tpu.dynamic_gather %min3A_308[%gather3A_320] in [0] : vector<16xf32>, vector<16xi32> -> vector<16xf32>
      %min3A_322 = arith.minimumf %min3A_308, %gather3A_321 : vector<16xf32>
      %xor3A_323 = arith.constant 1 : i32
      %xor3A_324 = vector.broadcast %xor3A_323 : i32 to vector<16xi32>
      %xor3A_325 = arith.xori %iota3A_280, %xor3A_324 : vector<16xi32>
      %lt3A_326 = arith.constant 0 : i32
      %lt3A_327 = vector.broadcast %lt3A_326 : i32 to vector<16xi32>
      %lt3A_328 = arith.cmpi slt, %xor3A_325, %lt3A_327 : vector<16xi32>
      %add3A_329 = arith.constant 16 : i32
      %add3A_330 = vector.broadcast %add3A_329 : i32 to vector<16xi32>
      %add3A_331 = arith.addi %xor3A_325, %add3A_330 : vector<16xi32>
      %select_n3A_332 = arith.select %lt3A_328, %add3A_331, %xor3A_325 : vector<16xi1>, vector<16xi32>
      %broadcast_in_dim3A_333 = vector.shape_cast %select_n3A_332 : vector<16xi32> to vector<16x1xi32>
      %gather3A_334 = vector.shape_cast %broadcast_in_dim3A_333 : vector<16x1xi32> to vector<16xi32>
      %gather3A_335 = tpu.dynamic_gather %min3A_322[%gather3A_334] in [0] : vector<16xf32>, vector<16xi32> -> vector<16xf32>
      %min3A_336 = arith.minimumf %min3A_322, %gather3A_335 : vector<16xf32>
      %slice3A_337 = vector.extract_strided_slice %min3A_336 {offsets = [0], sizes = [1], strides = [1]} : vector<16xf32> to vector<1xf32>
      %squeeze3A_338 = vector.extract %slice3A_337[0] : f32 from vector<1xf32>
      %add3A_339 = arith.addf %add3A_279, %squeeze3A_338 : f32
      %iota3A_340 = tpu.iota {dimensions = array<i32: 0>} : vector<16xi32>
      %xor3A_341 = arith.constant 8 : i32
      %xor3A_342 = vector.broadcast %xor3A_341 : i32 to vector<16xi32>
      %xor3A_343 = arith.xori %iota3A_340, %xor3A_342 : vector<16xi32>
      %lt3A_344 = arith.constant 0 : i32
      %lt3A_345 = vector.broadcast %lt3A_344 : i32 to vector<16xi32>
      %lt3A_346 = arith.cmpi slt, %xor3A_343, %lt3A_345 : vector<16xi32>
      %add3A_347 = arith.constant 16 : i32
      %add3A_348 = vector.broadcast %add3A_347 : i32 to vector<16xi32>
      %add3A_349 = arith.addi %xor3A_343, %add3A_348 : vector<16xi32>
      %select_n3A_350 = arith.select %lt3A_346, %add3A_349, %xor3A_343 : vector<16xi1>, vector<16xi32>
      %broadcast_in_dim3A_351 = vector.shape_cast %select_n3A_350 : vector<16xi32> to vector<16x1xi32>
      %gather3A_352 = vector.shape_cast %broadcast_in_dim3A_351 : vector<16x1xi32> to vector<16xi32>
      %gather3A_353 = tpu.dynamic_gather %scan3A_219#2[%gather3A_352] in [0] : vector<16xf32>, vector<16xi32> -> vector<16xf32>
      %min3A_354 = arith.minimumf %scan3A_219#2, %gather3A_353 : vector<16xf32>
      %xor3A_355 = arith.constant 4 : i32
      %xor3A_356 = vector.broadcast %xor3A_355 : i32 to vector<16xi32>
      %xor3A_357 = arith.xori %iota3A_340, %xor3A_356 : vector<16xi32>
      %lt3A_358 = arith.constant 0 : i32
      %lt3A_359 = vector.broadcast %lt3A_358 : i32 to vector<16xi32>
      %lt3A_360 = arith.cmpi slt, %xor3A_357, %lt3A_359 : vector<16xi32>
      %add3A_361 = arith.constant 16 : i32
      %add3A_362 = vector.broadcast %add3A_361 : i32 to vector<16xi32>
      %add3A_363 = arith.addi %xor3A_357, %add3A_362 : vector<16xi32>
      %select_n3A_364 = arith.select %lt3A_360, %add3A_363, %xor3A_357 : vector<16xi1>, vector<16xi32>
      %broadcast_in_dim3A_365 = vector.shape_cast %select_n3A_364 : vector<16xi32> to vector<16x1xi32>
      %gather3A_366 = vector.shape_cast %broadcast_in_dim3A_365 : vector<16x1xi32> to vector<16xi32>
      %gather3A_367 = tpu.dynamic_gather %min3A_354[%gather3A_366] in [0] : vector<16xf32>, vector<16xi32> -> vector<16xf32>
      %min3A_368 = arith.minimumf %min3A_354, %gather3A_367 : vector<16xf32>
      %xor3A_369 = arith.constant 2 : i32
      %xor3A_370 = vector.broadcast %xor3A_369 : i32 to vector<16xi32>
      %xor3A_371 = arith.xori %iota3A_340, %xor3A_370 : vector<16xi32>
      %lt3A_372 = arith.constant 0 : i32
      %lt3A_373 = vector.broadcast %lt3A_372 : i32 to vector<16xi32>
      %lt3A_374 = arith.cmpi slt, %xor3A_371, %lt3A_373 : vector<16xi32>
      %add3A_375 = arith.constant 16 : i32
      %add3A_376 = vector.broadcast %add3A_375 : i32 to vector<16xi32>
      %add3A_377 = arith.addi %xor3A_371, %add3A_376 : vector<16xi32>
      %select_n3A_378 = arith.select %lt3A_374, %add3A_377, %xor3A_371 : vector<16xi1>, vector<16xi32>
      %broadcast_in_dim3A_379 = vector.shape_cast %select_n3A_378 : vector<16xi32> to vector<16x1xi32>
      %gather3A_380 = vector.shape_cast %broadcast_in_dim3A_379 : vector<16x1xi32> to vector<16xi32>
      %gather3A_381 = tpu.dynamic_gather %min3A_368[%gather3A_380] in [0] : vector<16xf32>, vector<16xi32> -> vector<16xf32>
      %min3A_382 = arith.minimumf %min3A_368, %gather3A_381 : vector<16xf32>
      %xor3A_383 = arith.constant 1 : i32
      %xor3A_384 = vector.broadcast %xor3A_383 : i32 to vector<16xi32>
      %xor3A_385 = arith.xori %iota3A_340, %xor3A_384 : vector<16xi32>
      %lt3A_386 = arith.constant 0 : i32
      %lt3A_387 = vector.broadcast %lt3A_386 : i32 to vector<16xi32>
      %lt3A_388 = arith.cmpi slt, %xor3A_385, %lt3A_387 : vector<16xi32>
      %add3A_389 = arith.constant 16 : i32
      %add3A_390 = vector.broadcast %add3A_389 : i32 to vector<16xi32>
      %add3A_391 = arith.addi %xor3A_385, %add3A_390 : vector<16xi32>
      %select_n3A_392 = arith.select %lt3A_388, %add3A_391, %xor3A_385 : vector<16xi1>, vector<16xi32>
      %broadcast_in_dim3A_393 = vector.shape_cast %select_n3A_392 : vector<16xi32> to vector<16x1xi32>
      %gather3A_394 = vector.shape_cast %broadcast_in_dim3A_393 : vector<16x1xi32> to vector<16xi32>
      %gather3A_395 = tpu.dynamic_gather %min3A_382[%gather3A_394] in [0] : vector<16xf32>, vector<16xi32> -> vector<16xf32>
      %min3A_396 = arith.minimumf %min3A_382, %gather3A_395 : vector<16xf32>
      %slice3A_397 = vector.extract_strided_slice %min3A_396 {offsets = [0], sizes = [1], strides = [1]} : vector<16xf32> to vector<1xf32>
      %squeeze3A_398 = vector.extract %slice3A_397[0] : f32 from vector<1xf32>
      %add3A_399 = arith.addf %add3A_339, %squeeze3A_398 : f32
      %iota3A_400 = tpu.iota {dimensions = array<i32: 0>} : vector<16xi32>
      %xor3A_401 = arith.constant 8 : i32
      %xor3A_402 = vector.broadcast %xor3A_401 : i32 to vector<16xi32>
      %xor3A_403 = arith.xori %iota3A_400, %xor3A_402 : vector<16xi32>
      %lt3A_404 = arith.constant 0 : i32
      %lt3A_405 = vector.broadcast %lt3A_404 : i32 to vector<16xi32>
      %lt3A_406 = arith.cmpi slt, %xor3A_403, %lt3A_405 : vector<16xi32>
      %add3A_407 = arith.constant 16 : i32
      %add3A_408 = vector.broadcast %add3A_407 : i32 to vector<16xi32>
      %add3A_409 = arith.addi %xor3A_403, %add3A_408 : vector<16xi32>
      %select_n3A_410 = arith.select %lt3A_406, %add3A_409, %xor3A_403 : vector<16xi1>, vector<16xi32>
      %broadcast_in_dim3A_411 = vector.shape_cast %select_n3A_410 : vector<16xi32> to vector<16x1xi32>
      %gather3A_412 = vector.shape_cast %broadcast_in_dim3A_411 : vector<16x1xi32> to vector<16xi32>
      %gather3A_413 = tpu.dynamic_gather %scan3A_219#3[%gather3A_412] in [0] : vector<16xf32>, vector<16xi32> -> vector<16xf32>
      %min3A_414 = arith.minimumf %scan3A_219#3, %gather3A_413 : vector<16xf32>
      %xor3A_415 = arith.constant 4 : i32
      %xor3A_416 = vector.broadcast %xor3A_415 : i32 to vector<16xi32>
      %xor3A_417 = arith.xori %iota3A_400, %xor3A_416 : vector<16xi32>
      %lt3A_418 = arith.constant 0 : i32
      %lt3A_419 = vector.broadcast %lt3A_418 : i32 to vector<16xi32>
      %lt3A_420 = arith.cmpi slt, %xor3A_417, %lt3A_419 : vector<16xi32>
      %add3A_421 = arith.constant 16 : i32
      %add3A_422 = vector.broadcast %add3A_421 : i32 to vector<16xi32>
      %add3A_423 = arith.addi %xor3A_417, %add3A_422 : vector<16xi32>
      %select_n3A_424 = arith.select %lt3A_420, %add3A_423, %xor3A_417 : vector<16xi1>, vector<16xi32>
      %broadcast_in_dim3A_425 = vector.shape_cast %select_n3A_424 : vector<16xi32> to vector<16x1xi32>
      %gather3A_426 = vector.shape_cast %broadcast_in_dim3A_425 : vector<16x1xi32> to vector<16xi32>
      %gather3A_427 = tpu.dynamic_gather %min3A_414[%gather3A_426] in [0] : vector<16xf32>, vector<16xi32> -> vector<16xf32>
      %min3A_428 = arith.minimumf %min3A_414, %gather3A_427 : vector<16xf32>
      %xor3A_429 = arith.constant 2 : i32
      %xor3A_430 = vector.broadcast %xor3A_429 : i32 to vector<16xi32>
      %xor3A_431 = arith.xori %iota3A_400, %xor3A_430 : vector<16xi32>
      %lt3A_432 = arith.constant 0 : i32
      %lt3A_433 = vector.broadcast %lt3A_432 : i32 to vector<16xi32>
      %lt3A_434 = arith.cmpi slt, %xor3A_431, %lt3A_433 : vector<16xi32>
      %add3A_435 = arith.constant 16 : i32
      %add3A_436 = vector.broadcast %add3A_435 : i32 to vector<16xi32>
      %add3A_437 = arith.addi %xor3A_431, %add3A_436 : vector<16xi32>
      %select_n3A_438 = arith.select %lt3A_434, %add3A_437, %xor3A_431 : vector<16xi1>, vector<16xi32>
      %broadcast_in_dim3A_439 = vector.shape_cast %select_n3A_438 : vector<16xi32> to vector<16x1xi32>
      %gather3A_440 = vector.shape_cast %broadcast_in_dim3A_439 : vector<16x1xi32> to vector<16xi32>
      %gather3A_441 = tpu.dynamic_gather %min3A_428[%gather3A_440] in [0] : vector<16xf32>, vector<16xi32> -> vector<16xf32>
      %min3A_442 = arith.minimumf %min3A_428, %gather3A_441 : vector<16xf32>
      %xor3A_443 = arith.constant 1 : i32
      %xor3A_444 = vector.broadcast %xor3A_443 : i32 to vector<16xi32>
      %xor3A_445 = arith.xori %iota3A_400, %xor3A_444 : vector<16xi32>
      %lt3A_446 = arith.constant 0 : i32
      %lt3A_447 = vector.broadcast %lt3A_446 : i32 to vector<16xi32>
      %lt3A_448 = arith.cmpi slt, %xor3A_445, %lt3A_447 : vector<16xi32>
      %add3A_449 = arith.constant 16 : i32
      %add3A_450 = vector.broadcast %add3A_449 : i32 to vector<16xi32>
      %add3A_451 = arith.addi %xor3A_445, %add3A_450 : vector<16xi32>
      %select_n3A_452 = arith.select %lt3A_448, %add3A_451, %xor3A_445 : vector<16xi1>, vector<16xi32>
      %broadcast_in_dim3A_453 = vector.shape_cast %select_n3A_452 : vector<16xi32> to vector<16x1xi32>
      %gather3A_454 = vector.shape_cast %broadcast_in_dim3A_453 : vector<16x1xi32> to vector<16xi32>
      %gather3A_455 = tpu.dynamic_gather %min3A_442[%gather3A_454] in [0] : vector<16xf32>, vector<16xi32> -> vector<16xf32>
      %min3A_456 = arith.minimumf %min3A_442, %gather3A_455 : vector<16xf32>
      %slice3A_457 = vector.extract_strided_slice %min3A_456 {offsets = [0], sizes = [1], strides = [1]} : vector<16xf32> to vector<1xf32>
      %squeeze3A_458 = vector.extract %slice3A_457[0] : f32 from vector<1xf32>
      %add3A_459 = arith.addf %add3A_399, %squeeze3A_458 : f32
      %iota3A_460 = tpu.iota {dimensions = array<i32: 0>} : vector<16xi32>
      %xor3A_461 = arith.constant 8 : i32
      %xor3A_462 = vector.broadcast %xor3A_461 : i32 to vector<16xi32>
      %xor3A_463 = arith.xori %iota3A_460, %xor3A_462 : vector<16xi32>
      %lt3A_464 = arith.constant 0 : i32
      %lt3A_465 = vector.broadcast %lt3A_464 : i32 to vector<16xi32>
      %lt3A_466 = arith.cmpi slt, %xor3A_463, %lt3A_465 : vector<16xi32>
      %add3A_467 = arith.constant 16 : i32
      %add3A_468 = vector.broadcast %add3A_467 : i32 to vector<16xi32>
      %add3A_469 = arith.addi %xor3A_463, %add3A_468 : vector<16xi32>
      %select_n3A_470 = arith.select %lt3A_466, %add3A_469, %xor3A_463 : vector<16xi1>, vector<16xi32>
      %broadcast_in_dim3A_471 = vector.shape_cast %select_n3A_470 : vector<16xi32> to vector<16x1xi32>
      %gather3A_472 = vector.shape_cast %broadcast_in_dim3A_471 : vector<16x1xi32> to vector<16xi32>
      %gather3A_473 = tpu.dynamic_gather %scan3A_219#4[%gather3A_472] in [0] : vector<16xf32>, vector<16xi32> -> vector<16xf32>
      %min3A_474 = arith.minimumf %scan3A_219#4, %gather3A_473 : vector<16xf32>
      %xor3A_475 = arith.constant 4 : i32
      %xor3A_476 = vector.broadcast %xor3A_475 : i32 to vector<16xi32>
      %xor3A_477 = arith.xori %iota3A_460, %xor3A_476 : vector<16xi32>
      %lt3A_478 = arith.constant 0 : i32
      %lt3A_479 = vector.broadcast %lt3A_478 : i32 to vector<16xi32>
      %lt3A_480 = arith.cmpi slt, %xor3A_477, %lt3A_479 : vector<16xi32>
      %add3A_481 = arith.constant 16 : i32
      %add3A_482 = vector.broadcast %add3A_481 : i32 to vector<16xi32>
      %add3A_483 = arith.addi %xor3A_477, %add3A_482 : vector<16xi32>
      %select_n3A_484 = arith.select %lt3A_480, %add3A_483, %xor3A_477 : vector<16xi1>, vector<16xi32>
      %broadcast_in_dim3A_485 = vector.shape_cast %select_n3A_484 : vector<16xi32> to vector<16x1xi32>
      %gather3A_486 = vector.shape_cast %broadcast_in_dim3A_485 : vector<16x1xi32> to vector<16xi32>
      %gather3A_487 = tpu.dynamic_gather %min3A_474[%gather3A_486] in [0] : vector<16xf32>, vector<16xi32> -> vector<16xf32>
      %min3A_488 = arith.minimumf %min3A_474, %gather3A_487 : vector<16xf32>
      %xor3A_489 = arith.constant 2 : i32
      %xor3A_490 = vector.broadcast %xor3A_489 : i32 to vector<16xi32>
      %xor3A_491 = arith.xori %iota3A_460, %xor3A_490 : vector<16xi32>
      %lt3A_492 = arith.constant 0 : i32
      %lt3A_493 = vector.broadcast %lt3A_492 : i32 to vector<16xi32>
      %lt3A_494 = arith.cmpi slt, %xor3A_491, %lt3A_493 : vector<16xi32>
      %add3A_495 = arith.constant 16 : i32
      %add3A_496 = vector.broadcast %add3A_495 : i32 to vector<16xi32>
      %add3A_497 = arith.addi %xor3A_491, %add3A_496 : vector<16xi32>
      %select_n3A_498 = arith.select %lt3A_494, %add3A_497, %xor3A_491 : vector<16xi1>, vector<16xi32>
      %broadcast_in_dim3A_499 = vector.shape_cast %select_n3A_498 : vector<16xi32> to vector<16x1xi32>
      %gather3A_500 = vector.shape_cast %broadcast_in_dim3A_499 : vector<16x1xi32> to vector<16xi32>
      %gather3A_501 = tpu.dynamic_gather %min3A_488[%gather3A_500] in [0] : vector<16xf32>, vector<16xi32> -> vector<16xf32>
      %min3A_502 = arith.minimumf %min3A_488, %gather3A_501 : vector<16xf32>
      %xor3A_503 = arith.constant 1 : i32
      %xor3A_504 = vector.broadcast %xor3A_503 : i32 to vector<16xi32>
      %xor3A_505 = arith.xori %iota3A_460, %xor3A_504 : vector<16xi32>
      %lt3A_506 = arith.constant 0 : i32
      %lt3A_507 = vector.broadcast %lt3A_506 : i32 to vector<16xi32>
      %lt3A_508 = arith.cmpi slt, %xor3A_505, %lt3A_507 : vector<16xi32>
      %add3A_509 = arith.constant 16 : i32
      %add3A_510 = vector.broadcast %add3A_509 : i32 to vector<16xi32>
      %add3A_511 = arith.addi %xor3A_505, %add3A_510 : vector<16xi32>
      %select_n3A_512 = arith.select %lt3A_508, %add3A_511, %xor3A_505 : vector<16xi1>, vector<16xi32>
      %broadcast_in_dim3A_513 = vector.shape_cast %select_n3A_512 : vector<16xi32> to vector<16x1xi32>
      %gather3A_514 = vector.shape_cast %broadcast_in_dim3A_513 : vector<16x1xi32> to vector<16xi32>
      %gather3A_515 = tpu.dynamic_gather %min3A_502[%gather3A_514] in [0] : vector<16xf32>, vector<16xi32> -> vector<16xf32>
      %min3A_516 = arith.minimumf %min3A_502, %gather3A_515 : vector<16xf32>
      %slice3A_517 = vector.extract_strided_slice %min3A_516 {offsets = [0], sizes = [1], strides = [1]} : vector<16xf32> to vector<1xf32>
      %squeeze3A_518 = vector.extract %slice3A_517[0] : f32 from vector<1xf32>
      %add3A_519 = arith.addf %add3A_459, %squeeze3A_518 : f32
      %iota3A_520 = tpu.iota {dimensions = array<i32: 0>} : vector<16xi32>
      %xor3A_521 = arith.constant 8 : i32
      %xor3A_522 = vector.broadcast %xor3A_521 : i32 to vector<16xi32>
      %xor3A_523 = arith.xori %iota3A_520, %xor3A_522 : vector<16xi32>
      %lt3A_524 = arith.constant 0 : i32
      %lt3A_525 = vector.broadcast %lt3A_524 : i32 to vector<16xi32>
      %lt3A_526 = arith.cmpi slt, %xor3A_523, %lt3A_525 : vector<16xi32>
      %add3A_527 = arith.constant 16 : i32
      %add3A_528 = vector.broadcast %add3A_527 : i32 to vector<16xi32>
      %add3A_529 = arith.addi %xor3A_523, %add3A_528 : vector<16xi32>
      %select_n3A_530 = arith.select %lt3A_526, %add3A_529, %xor3A_523 : vector<16xi1>, vector<16xi32>
      %broadcast_in_dim3A_531 = vector.shape_cast %select_n3A_530 : vector<16xi32> to vector<16x1xi32>
      %gather3A_532 = vector.shape_cast %broadcast_in_dim3A_531 : vector<16x1xi32> to vector<16xi32>
      %gather3A_533 = tpu.dynamic_gather %scan3A_219#5[%gather3A_532] in [0] : vector<16xf32>, vector<16xi32> -> vector<16xf32>
      %min3A_534 = arith.minimumf %scan3A_219#5, %gather3A_533 : vector<16xf32>
      %xor3A_535 = arith.constant 4 : i32
      %xor3A_536 = vector.broadcast %xor3A_535 : i32 to vector<16xi32>
      %xor3A_537 = arith.xori %iota3A_520, %xor3A_536 : vector<16xi32>
      %lt3A_538 = arith.constant 0 : i32
      %lt3A_539 = vector.broadcast %lt3A_538 : i32 to vector<16xi32>
      %lt3A_540 = arith.cmpi slt, %xor3A_537, %lt3A_539 : vector<16xi32>
      %add3A_541 = arith.constant 16 : i32
      %add3A_542 = vector.broadcast %add3A_541 : i32 to vector<16xi32>
      %add3A_543 = arith.addi %xor3A_537, %add3A_542 : vector<16xi32>
      %select_n3A_544 = arith.select %lt3A_540, %add3A_543, %xor3A_537 : vector<16xi1>, vector<16xi32>
      %broadcast_in_dim3A_545 = vector.shape_cast %select_n3A_544 : vector<16xi32> to vector<16x1xi32>
      %gather3A_546 = vector.shape_cast %broadcast_in_dim3A_545 : vector<16x1xi32> to vector<16xi32>
      %gather3A_547 = tpu.dynamic_gather %min3A_534[%gather3A_546] in [0] : vector<16xf32>, vector<16xi32> -> vector<16xf32>
      %min3A_548 = arith.minimumf %min3A_534, %gather3A_547 : vector<16xf32>
      %xor3A_549 = arith.constant 2 : i32
      %xor3A_550 = vector.broadcast %xor3A_549 : i32 to vector<16xi32>
      %xor3A_551 = arith.xori %iota3A_520, %xor3A_550 : vector<16xi32>
      %lt3A_552 = arith.constant 0 : i32
      %lt3A_553 = vector.broadcast %lt3A_552 : i32 to vector<16xi32>
      %lt3A_554 = arith.cmpi slt, %xor3A_551, %lt3A_553 : vector<16xi32>
      %add3A_555 = arith.constant 16 : i32
      %add3A_556 = vector.broadcast %add3A_555 : i32 to vector<16xi32>
      %add3A_557 = arith.addi %xor3A_551, %add3A_556 : vector<16xi32>
      %select_n3A_558 = arith.select %lt3A_554, %add3A_557, %xor3A_551 : vector<16xi1>, vector<16xi32>
      %broadcast_in_dim3A_559 = vector.shape_cast %select_n3A_558 : vector<16xi32> to vector<16x1xi32>
      %gather3A_560 = vector.shape_cast %broadcast_in_dim3A_559 : vector<16x1xi32> to vector<16xi32>
      %gather3A_561 = tpu.dynamic_gather %min3A_548[%gather3A_560] in [0] : vector<16xf32>, vector<16xi32> -> vector<16xf32>
      %min3A_562 = arith.minimumf %min3A_548, %gather3A_561 : vector<16xf32>
      %xor3A_563 = arith.constant 1 : i32
      %xor3A_564 = vector.broadcast %xor3A_563 : i32 to vector<16xi32>
      %xor3A_565 = arith.xori %iota3A_520, %xor3A_564 : vector<16xi32>
      %lt3A_566 = arith.constant 0 : i32
      %lt3A_567 = vector.broadcast %lt3A_566 : i32 to vector<16xi32>
      %lt3A_568 = arith.cmpi slt, %xor3A_565, %lt3A_567 : vector<16xi32>
      %add3A_569 = arith.constant 16 : i32
      %add3A_570 = vector.broadcast %add3A_569 : i32 to vector<16xi32>
      %add3A_571 = arith.addi %xor3A_565, %add3A_570 : vector<16xi32>
      %select_n3A_572 = arith.select %lt3A_568, %add3A_571, %xor3A_565 : vector<16xi1>, vector<16xi32>
      %broadcast_in_dim3A_573 = vector.shape_cast %select_n3A_572 : vector<16xi32> to vector<16x1xi32>
      %gather3A_574 = vector.shape_cast %broadcast_in_dim3A_573 : vector<16x1xi32> to vector<16xi32>
      %gather3A_575 = tpu.dynamic_gather %min3A_562[%gather3A_574] in [0] : vector<16xf32>, vector<16xi32> -> vector<16xf32>
      %min3A_576 = arith.minimumf %min3A_562, %gather3A_575 : vector<16xf32>
      %slice3A_577 = vector.extract_strided_slice %min3A_576 {offsets = [0], sizes = [1], strides = [1]} : vector<16xf32> to vector<1xf32>
      %squeeze3A_578 = vector.extract %slice3A_577[0] : f32 from vector<1xf32>
      %add3A_579 = arith.addf %add3A_519, %squeeze3A_578 : f32
      %iota3A_580 = tpu.iota {dimensions = array<i32: 0>} : vector<16xi32>
      %xor3A_581 = arith.constant 8 : i32
      %xor3A_582 = vector.broadcast %xor3A_581 : i32 to vector<16xi32>
      %xor3A_583 = arith.xori %iota3A_580, %xor3A_582 : vector<16xi32>
      %lt3A_584 = arith.constant 0 : i32
      %lt3A_585 = vector.broadcast %lt3A_584 : i32 to vector<16xi32>
      %lt3A_586 = arith.cmpi slt, %xor3A_583, %lt3A_585 : vector<16xi32>
      %add3A_587 = arith.constant 16 : i32
      %add3A_588 = vector.broadcast %add3A_587 : i32 to vector<16xi32>
      %add3A_589 = arith.addi %xor3A_583, %add3A_588 : vector<16xi32>
      %select_n3A_590 = arith.select %lt3A_586, %add3A_589, %xor3A_583 : vector<16xi1>, vector<16xi32>
      %broadcast_in_dim3A_591 = vector.shape_cast %select_n3A_590 : vector<16xi32> to vector<16x1xi32>
      %gather3A_592 = vector.shape_cast %broadcast_in_dim3A_591 : vector<16x1xi32> to vector<16xi32>
      %gather3A_593 = tpu.dynamic_gather %scan3A_219#6[%gather3A_592] in [0] : vector<16xf32>, vector<16xi32> -> vector<16xf32>
      %min3A_594 = arith.minimumf %scan3A_219#6, %gather3A_593 : vector<16xf32>
      %xor3A_595 = arith.constant 4 : i32
      %xor3A_596 = vector.broadcast %xor3A_595 : i32 to vector<16xi32>
      %xor3A_597 = arith.xori %iota3A_580, %xor3A_596 : vector<16xi32>
      %lt3A_598 = arith.constant 0 : i32
      %lt3A_599 = vector.broadcast %lt3A_598 : i32 to vector<16xi32>
      %lt3A_600 = arith.cmpi slt, %xor3A_597, %lt3A_599 : vector<16xi32>
      %add3A_601 = arith.constant 16 : i32
      %add3A_602 = vector.broadcast %add3A_601 : i32 to vector<16xi32>
      %add3A_603 = arith.addi %xor3A_597, %add3A_602 : vector<16xi32>
      %select_n3A_604 = arith.select %lt3A_600, %add3A_603, %xor3A_597 : vector<16xi1>, vector<16xi32>
      %broadcast_in_dim3A_605 = vector.shape_cast %select_n3A_604 : vector<16xi32> to vector<16x1xi32>
      %gather3A_606 = vector.shape_cast %broadcast_in_dim3A_605 : vector<16x1xi32> to vector<16xi32>
      %gather3A_607 = tpu.dynamic_gather %min3A_594[%gather3A_606] in [0] : vector<16xf32>, vector<16xi32> -> vector<16xf32>
      %min3A_608 = arith.minimumf %min3A_594, %gather3A_607 : vector<16xf32>
      %xor3A_609 = arith.constant 2 : i32
      %xor3A_610 = vector.broadcast %xor3A_609 : i32 to vector<16xi32>
      %xor3A_611 = arith.xori %iota3A_580, %xor3A_610 : vector<16xi32>
      %lt3A_612 = arith.constant 0 : i32
      %lt3A_613 = vector.broadcast %lt3A_612 : i32 to vector<16xi32>
      %lt3A_614 = arith.cmpi slt, %xor3A_611, %lt3A_613 : vector<16xi32>
      %add3A_615 = arith.constant 16 : i32
      %add3A_616 = vector.broadcast %add3A_615 : i32 to vector<16xi32>
      %add3A_617 = arith.addi %xor3A_611, %add3A_616 : vector<16xi32>
      %select_n3A_618 = arith.select %lt3A_614, %add3A_617, %xor3A_611 : vector<16xi1>, vector<16xi32>
      %broadcast_in_dim3A_619 = vector.shape_cast %select_n3A_618 : vector<16xi32> to vector<16x1xi32>
      %gather3A_620 = vector.shape_cast %broadcast_in_dim3A_619 : vector<16x1xi32> to vector<16xi32>
      %gather3A_621 = tpu.dynamic_gather %min3A_608[%gather3A_620] in [0] : vector<16xf32>, vector<16xi32> -> vector<16xf32>
      %min3A_622 = arith.minimumf %min3A_608, %gather3A_621 : vector<16xf32>
      %xor3A_623 = arith.constant 1 : i32
      %xor3A_624 = vector.broadcast %xor3A_623 : i32 to vector<16xi32>
      %xor3A_625 = arith.xori %iota3A_580, %xor3A_624 : vector<16xi32>
      %lt3A_626 = arith.constant 0 : i32
      %lt3A_627 = vector.broadcast %lt3A_626 : i32 to vector<16xi32>
      %lt3A_628 = arith.cmpi slt, %xor3A_625, %lt3A_627 : vector<16xi32>
      %add3A_629 = arith.constant 16 : i32
      %add3A_630 = vector.broadcast %add3A_629 : i32 to vector<16xi32>
      %add3A_631 = arith.addi %xor3A_625, %add3A_630 : vector<16xi32>
      %select_n3A_632 = arith.select %lt3A_628, %add3A_631, %xor3A_625 : vector<16xi1>, vector<16xi32>
      %broadcast_in_dim3A_633 = vector.shape_cast %select_n3A_632 : vector<16xi32> to vector<16x1xi32>
      %gather3A_634 = vector.shape_cast %broadcast_in_dim3A_633 : vector<16x1xi32> to vector<16xi32>
      %gather3A_635 = tpu.dynamic_gather %min3A_622[%gather3A_634] in [0] : vector<16xf32>, vector<16xi32> -> vector<16xf32>
      %min3A_636 = arith.minimumf %min3A_622, %gather3A_635 : vector<16xf32>
      %slice3A_637 = vector.extract_strided_slice %min3A_636 {offsets = [0], sizes = [1], strides = [1]} : vector<16xf32> to vector<1xf32>
      %squeeze3A_638 = vector.extract %slice3A_637[0] : f32 from vector<1xf32>
      %add3A_639 = arith.addf %add3A_579, %squeeze3A_638 : f32
      %iota3A_640 = tpu.iota {dimensions = array<i32: 0>} : vector<16xi32>
      %xor3A_641 = arith.constant 8 : i32
      %xor3A_642 = vector.broadcast %xor3A_641 : i32 to vector<16xi32>
      %xor3A_643 = arith.xori %iota3A_640, %xor3A_642 : vector<16xi32>
      %lt3A_644 = arith.constant 0 : i32
      %lt3A_645 = vector.broadcast %lt3A_644 : i32 to vector<16xi32>
      %lt3A_646 = arith.cmpi slt, %xor3A_643, %lt3A_645 : vector<16xi32>
      %add3A_647 = arith.constant 16 : i32
      %add3A_648 = vector.broadcast %add3A_647 : i32 to vector<16xi32>
      %add3A_649 = arith.addi %xor3A_643, %add3A_648 : vector<16xi32>
      %select_n3A_650 = arith.select %lt3A_646, %add3A_649, %xor3A_643 : vector<16xi1>, vector<16xi32>
      %broadcast_in_dim3A_651 = vector.shape_cast %select_n3A_650 : vector<16xi32> to vector<16x1xi32>
      %gather3A_652 = vector.shape_cast %broadcast_in_dim3A_651 : vector<16x1xi32> to vector<16xi32>
      %gather3A_653 = tpu.dynamic_gather %scan3A_219#7[%gather3A_652] in [0] : vector<16xf32>, vector<16xi32> -> vector<16xf32>
      %min3A_654 = arith.minimumf %scan3A_219#7, %gather3A_653 : vector<16xf32>
      %xor3A_655 = arith.constant 4 : i32
      %xor3A_656 = vector.broadcast %xor3A_655 : i32 to vector<16xi32>
      %xor3A_657 = arith.xori %iota3A_640, %xor3A_656 : vector<16xi32>
      %lt3A_658 = arith.constant 0 : i32
      %lt3A_659 = vector.broadcast %lt3A_658 : i32 to vector<16xi32>
      %lt3A_660 = arith.cmpi slt, %xor3A_657, %lt3A_659 : vector<16xi32>
      %add3A_661 = arith.constant 16 : i32
      %add3A_662 = vector.broadcast %add3A_661 : i32 to vector<16xi32>
      %add3A_663 = arith.addi %xor3A_657, %add3A_662 : vector<16xi32>
      %select_n3A_664 = arith.select %lt3A_660, %add3A_663, %xor3A_657 : vector<16xi1>, vector<16xi32>
      %broadcast_in_dim3A_665 = vector.shape_cast %select_n3A_664 : vector<16xi32> to vector<16x1xi32>
      %gather3A_666 = vector.shape_cast %broadcast_in_dim3A_665 : vector<16x1xi32> to vector<16xi32>
      %gather3A_667 = tpu.dynamic_gather %min3A_654[%gather3A_666] in [0] : vector<16xf32>, vector<16xi32> -> vector<16xf32>
      %min3A_668 = arith.minimumf %min3A_654, %gather3A_667 : vector<16xf32>
      %xor3A_669 = arith.constant 2 : i32
      %xor3A_670 = vector.broadcast %xor3A_669 : i32 to vector<16xi32>
      %xor3A_671 = arith.xori %iota3A_640, %xor3A_670 : vector<16xi32>
      %lt3A_672 = arith.constant 0 : i32
      %lt3A_673 = vector.broadcast %lt3A_672 : i32 to vector<16xi32>
      %lt3A_674 = arith.cmpi slt, %xor3A_671, %lt3A_673 : vector<16xi32>
      %add3A_675 = arith.constant 16 : i32
      %add3A_676 = vector.broadcast %add3A_675 : i32 to vector<16xi32>
      %add3A_677 = arith.addi %xor3A_671, %add3A_676 : vector<16xi32>
      %select_n3A_678 = arith.select %lt3A_674, %add3A_677, %xor3A_671 : vector<16xi1>, vector<16xi32>
      %broadcast_in_dim3A_679 = vector.shape_cast %select_n3A_678 : vector<16xi32> to vector<16x1xi32>
      %gather3A_680 = vector.shape_cast %broadcast_in_dim3A_679 : vector<16x1xi32> to vector<16xi32>
      %gather3A_681 = tpu.dynamic_gather %min3A_668[%gather3A_680] in [0] : vector<16xf32>, vector<16xi32> -> vector<16xf32>
      %min3A_682 = arith.minimumf %min3A_668, %gather3A_681 : vector<16xf32>
      %xor3A_683 = arith.constant 1 : i32
      %xor3A_684 = vector.broadcast %xor3A_683 : i32 to vector<16xi32>
      %xor3A_685 = arith.xori %iota3A_640, %xor3A_684 : vector<16xi32>
      %lt3A_686 = arith.constant 0 : i32
      %lt3A_687 = vector.broadcast %lt3A_686 : i32 to vector<16xi32>
      %lt3A_688 = arith.cmpi slt, %xor3A_685, %lt3A_687 : vector<16xi32>
      %add3A_689 = arith.constant 16 : i32
      %add3A_690 = vector.broadcast %add3A_689 : i32 to vector<16xi32>
      %add3A_691 = arith.addi %xor3A_685, %add3A_690 : vector<16xi32>
      %select_n3A_692 = arith.select %lt3A_688, %add3A_691, %xor3A_685 : vector<16xi1>, vector<16xi32>
      %broadcast_in_dim3A_693 = vector.shape_cast %select_n3A_692 : vector<16xi32> to vector<16x1xi32>
      %gather3A_694 = vector.shape_cast %broadcast_in_dim3A_693 : vector<16x1xi32> to vector<16xi32>
      %gather3A_695 = tpu.dynamic_gather %min3A_682[%gather3A_694] in [0] : vector<16xf32>, vector<16xi32> -> vector<16xf32>
      %min3A_696 = arith.minimumf %min3A_682, %gather3A_695 : vector<16xf32>
      %slice3A_697 = vector.extract_strided_slice %min3A_696 {offsets = [0], sizes = [1], strides = [1]} : vector<16xf32> to vector<1xf32>
      %squeeze3A_698 = vector.extract %slice3A_697[0] : f32 from vector<1xf32>
      %add3A_699 = arith.addf %add3A_639, %squeeze3A_698 : f32
      %slice3A_700 = vector.extract_strided_slice %mul3A_89 {offsets = [8], sizes = [1], strides = [1]} : vector<16xf32> to vector<1xf32>
      %squeeze3A_701 = vector.extract %slice3A_700[0] : f32 from vector<1xf32>
      %slice3A_702 = vector.extract_strided_slice %mul3A_89 {offsets = [9], sizes = [1], strides = [1]} : vector<16xf32> to vector<1xf32>
      %squeeze3A_703 = vector.extract %slice3A_702[0] : f32 from vector<1xf32>
      %slice3A_704 = vector.extract_strided_slice %mul3A_89 {offsets = [10], sizes = [1], strides = [1]} : vector<16xf32> to vector<1xf32>
      %squeeze3A_705 = vector.extract %slice3A_704[0] : f32 from vector<1xf32>
      %slice3A_706 = vector.extract_strided_slice %mul3A_89 {offsets = [11], sizes = [1], strides = [1]} : vector<16xf32> to vector<1xf32>
      %squeeze3A_707 = vector.extract %slice3A_706[0] : f32 from vector<1xf32>
      %slice3A_708 = vector.extract_strided_slice %mul3A_89 {offsets = [12], sizes = [1], strides = [1]} : vector<16xf32> to vector<1xf32>
      %squeeze3A_709 = vector.extract %slice3A_708[0] : f32 from vector<1xf32>
      %slice3A_710 = vector.extract_strided_slice %mul3A_89 {offsets = [13], sizes = [1], strides = [1]} : vector<16xf32> to vector<1xf32>
      %squeeze3A_711 = vector.extract %slice3A_710[0] : f32 from vector<1xf32>
      %slice3A_712 = vector.extract_strided_slice %mul3A_89 {offsets = [14], sizes = [1], strides = [1]} : vector<16xf32> to vector<1xf32>
      %squeeze3A_713 = vector.extract %slice3A_712[0] : f32 from vector<1xf32>
      %slice3A_714 = vector.extract_strided_slice %mul3A_89 {offsets = [15], sizes = [1], strides = [1]} : vector<16xf32> to vector<1xf32>
      %squeeze3A_715 = vector.extract %slice3A_714[0] : f32 from vector<1xf32>
      %slice3A_716 = vector.extract_strided_slice %mul3A_96 {offsets = [8], sizes = [1], strides = [1]} : vector<16xf32> to vector<1xf32>
      %squeeze3A_717 = vector.extract %slice3A_716[0] : f32 from vector<1xf32>
      %slice3A_718 = vector.extract_strided_slice %mul3A_96 {offsets = [9], sizes = [1], strides = [1]} : vector<16xf32> to vector<1xf32>
      %squeeze3A_719 = vector.extract %slice3A_718[0] : f32 from vector<1xf32>
      %slice3A_720 = vector.extract_strided_slice %mul3A_96 {offsets = [10], sizes = [1], strides = [1]} : vector<16xf32> to vector<1xf32>
      %squeeze3A_721 = vector.extract %slice3A_720[0] : f32 from vector<1xf32>
      %slice3A_722 = vector.extract_strided_slice %mul3A_96 {offsets = [11], sizes = [1], strides = [1]} : vector<16xf32> to vector<1xf32>
      %squeeze3A_723 = vector.extract %slice3A_722[0] : f32 from vector<1xf32>
      %slice3A_724 = vector.extract_strided_slice %mul3A_96 {offsets = [12], sizes = [1], strides = [1]} : vector<16xf32> to vector<1xf32>
      %squeeze3A_725 = vector.extract %slice3A_724[0] : f32 from vector<1xf32>
      %slice3A_726 = vector.extract_strided_slice %mul3A_96 {offsets = [13], sizes = [1], strides = [1]} : vector<16xf32> to vector<1xf32>
      %squeeze3A_727 = vector.extract %slice3A_726[0] : f32 from vector<1xf32>
      %slice3A_728 = vector.extract_strided_slice %mul3A_96 {offsets = [14], sizes = [1], strides = [1]} : vector<16xf32> to vector<1xf32>
      %squeeze3A_729 = vector.extract %slice3A_728[0] : f32 from vector<1xf32>
      %slice3A_730 = vector.extract_strided_slice %mul3A_96 {offsets = [15], sizes = [1], strides = [1]} : vector<16xf32> to vector<1xf32>
      %squeeze3A_731 = vector.extract %slice3A_730[0] : f32 from vector<1xf32>
      %slice3A_732 = vector.extract_strided_slice %mul3A_103 {offsets = [8], sizes = [1], strides = [1]} : vector<16xf32> to vector<1xf32>
      %squeeze3A_733 = vector.extract %slice3A_732[0] : f32 from vector<1xf32>
      %slice3A_734 = vector.extract_strided_slice %mul3A_103 {offsets = [9], sizes = [1], strides = [1]} : vector<16xf32> to vector<1xf32>
      %squeeze3A_735 = vector.extract %slice3A_734[0] : f32 from vector<1xf32>
      %slice3A_736 = vector.extract_strided_slice %mul3A_103 {offsets = [10], sizes = [1], strides = [1]} : vector<16xf32> to vector<1xf32>
      %squeeze3A_737 = vector.extract %slice3A_736[0] : f32 from vector<1xf32>
      %slice3A_738 = vector.extract_strided_slice %mul3A_103 {offsets = [11], sizes = [1], strides = [1]} : vector<16xf32> to vector<1xf32>
      %squeeze3A_739 = vector.extract %slice3A_738[0] : f32 from vector<1xf32>
      %slice3A_740 = vector.extract_strided_slice %mul3A_103 {offsets = [12], sizes = [1], strides = [1]} : vector<16xf32> to vector<1xf32>
      %squeeze3A_741 = vector.extract %slice3A_740[0] : f32 from vector<1xf32>
      %slice3A_742 = vector.extract_strided_slice %mul3A_103 {offsets = [13], sizes = [1], strides = [1]} : vector<16xf32> to vector<1xf32>
      %squeeze3A_743 = vector.extract %slice3A_742[0] : f32 from vector<1xf32>
      %slice3A_744 = vector.extract_strided_slice %mul3A_103 {offsets = [14], sizes = [1], strides = [1]} : vector<16xf32> to vector<1xf32>
      %squeeze3A_745 = vector.extract %slice3A_744[0] : f32 from vector<1xf32>
      %slice3A_746 = vector.extract_strided_slice %mul3A_103 {offsets = [15], sizes = [1], strides = [1]} : vector<16xf32> to vector<1xf32>
      %squeeze3A_747 = vector.extract %slice3A_746[0] : f32 from vector<1xf32>
      %broadcast_in_dim3A_748 = vector.broadcast %scan3A_52 : f32 to vector<16xf32>
      %broadcast_in_dim3A_749 = vector.broadcast %scan3A_52 : f32 to vector<16xf32>
      %broadcast_in_dim3A_750 = vector.broadcast %scan3A_52 : f32 to vector<16xf32>
      %broadcast_in_dim3A_751 = vector.broadcast %scan3A_52 : f32 to vector<16xf32>
      %broadcast_in_dim3A_752 = vector.broadcast %scan3A_52 : f32 to vector<16xf32>
      %broadcast_in_dim3A_753 = vector.broadcast %scan3A_52 : f32 to vector<16xf32>
      %broadcast_in_dim3A_754 = vector.broadcast %scan3A_52 : f32 to vector<16xf32>
      %broadcast_in_dim3A_755 = vector.broadcast %scan3A_52 : f32 to vector<16xf32>
      %scan3A_756 = arith.constant 0 : i32
      %scan3A_757 = arith.constant 256 : i32
      %scan3A_758 = arith.addi %scan3A_756, %scan3A_757 : i32
      %scan3A_759 = arith.constant 1 : i32
      %scan3A_760:8 = scf.for %scan3A_1242 = %scan3A_756 to %scan3A_758 step %scan3A_759 iter_args(%scan3A_1243 = %broadcast_in_dim3A_748, %scan3A_1244 = %broadcast_in_dim3A_749, %scan3A_1245 = %broadcast_in_dim3A_750, %scan3A_1246 = %broadcast_in_dim3A_751, %scan3A_1247 = %broadcast_in_dim3A_752, %scan3A_1248 = %broadcast_in_dim3A_753, %scan3A_1249 = %broadcast_in_dim3A_754, %scan3A_1250 = %broadcast_in_dim3A_755) -> (vector<16xf32>, vector<16xf32>, vector<16xf32>, vector<16xf32>, vector<16xf32>, vector<16xf32>, vector<16xf32>, vector<16xf32>)  : i32 {
        %mul3A_1251 = arith.constant 16 : i32
        %mul3A_1252 = arith.muli %scan3A_1242, %mul3A_1251 : i32
        %get3A_1253 = arith.constant 0 : i32
        %get3A_1254 = arith.index_cast %get3A_1253 : i32 to index
        %get3A_1255 = arith.index_cast %mul3A_1252 : i32 to index
        %get3A_1256 = tpu.vector_load %arg9[%get3A_1254, %get3A_1255] {strides = array<i32>} : memref<3x4096xf32, #tpu.memory_space<vmem>>, vector<1x16xf32>,
        %get3A_1257 = vector.shape_cast %get3A_1256 : vector<1x16xf32> to vector<16xf32>
        %get3A_1258 = arith.constant 1 : i32
        %get3A_1259 = arith.index_cast %get3A_1258 : i32 to index
        %get3A_1260 = arith.index_cast %mul3A_1252 : i32 to index
        %get3A_1261 = tpu.vector_load %arg9[%get3A_1259, %get3A_1260] {strides = array<i32>} : memref<3x4096xf32, #tpu.memory_space<vmem>>, vector<1x16xf32>,
        %get3A_1262 = vector.shape_cast %get3A_1261 : vector<1x16xf32> to vector<16xf32>
        %get3A_1263 = arith.constant 2 : i32
        %get3A_1264 = arith.index_cast %get3A_1263 : i32 to index
        %get3A_1265 = arith.index_cast %mul3A_1252 : i32 to index
        %get3A_1266 = tpu.vector_load %arg9[%get3A_1264, %get3A_1265] {strides = array<i32>} : memref<3x4096xf32, #tpu.memory_space<vmem>>, vector<1x16xf32>,
        %get3A_1267 = vector.shape_cast %get3A_1266 : vector<1x16xf32> to vector<16xf32>
        %get3A_1268 = arith.index_cast %mul3A_1252 : i32 to index
        %get3A_1269 = tpu.vector_load %arg8[%get3A_1268] {strides = array<i32>} : memref<4096xf32, #tpu.memory_space<vmem>>, vector<16xf32>,
        %get3A_1270 = vector.shape_cast %get3A_1269 : vector<16xf32> to vector<16xf32>
        %mul3A_1271 = vector.broadcast %squeeze3A_701 : f32 to vector<16xf32>
        %mul3A_1272 = arith.mulf %mul3A_1271, %get3A_1257 : vector<16xf32>
        %add3A_1273 = arith.addf %get3A_1270, %mul3A_1272 : vector<16xf32>
        %mul3A_1274 = vector.broadcast %squeeze3A_717 : f32 to vector<16xf32>
        %mul3A_1275 = arith.mulf %mul3A_1274, %get3A_1262 : vector<16xf32>
        %add3A_1276 = arith.addf %add3A_1273, %mul3A_1275 : vector<16xf32>
        %mul3A_1277 = vector.broadcast %squeeze3A_733 : f32 to vector<16xf32>
        %mul3A_1278 = arith.mulf %mul3A_1277, %get3A_1267 : vector<16xf32>
        %add3A_1279 = arith.addf %add3A_1276, %mul3A_1278 : vector<16xf32>
        %min3A_1280 = arith.minimumf %scan3A_1243, %add3A_1279 : vector<16xf32>
        %mul3A_1281 = vector.broadcast %squeeze3A_703 : f32 to vector<16xf32>
        %mul3A_1282 = arith.mulf %mul3A_1281, %get3A_1257 : vector<16xf32>
        %add3A_1283 = arith.addf %get3A_1270, %mul3A_1282 : vector<16xf32>
        %mul3A_1284 = vector.broadcast %squeeze3A_719 : f32 to vector<16xf32>
        %mul3A_1285 = arith.mulf %mul3A_1284, %get3A_1262 : vector<16xf32>
        %add3A_1286 = arith.addf %add3A_1283, %mul3A_1285 : vector<16xf32>
        %mul3A_1287 = vector.broadcast %squeeze3A_735 : f32 to vector<16xf32>
        %mul3A_1288 = arith.mulf %mul3A_1287, %get3A_1267 : vector<16xf32>
        %add3A_1289 = arith.addf %add3A_1286, %mul3A_1288 : vector<16xf32>
        %min3A_1290 = arith.minimumf %scan3A_1244, %add3A_1289 : vector<16xf32>
        %mul3A_1291 = vector.broadcast %squeeze3A_705 : f32 to vector<16xf32>
        %mul3A_1292 = arith.mulf %mul3A_1291, %get3A_1257 : vector<16xf32>
        %add3A_1293 = arith.addf %get3A_1270, %mul3A_1292 : vector<16xf32>
        %mul3A_1294 = vector.broadcast %squeeze3A_721 : f32 to vector<16xf32>
        %mul3A_1295 = arith.mulf %mul3A_1294, %get3A_1262 : vector<16xf32>
        %add3A_1296 = arith.addf %add3A_1293, %mul3A_1295 : vector<16xf32>
        %mul3A_1297 = vector.broadcast %squeeze3A_737 : f32 to vector<16xf32>
        %mul3A_1298 = arith.mulf %mul3A_1297, %get3A_1267 : vector<16xf32>
        %add3A_1299 = arith.addf %add3A_1296, %mul3A_1298 : vector<16xf32>
        %min3A_1300 = arith.minimumf %scan3A_1245, %add3A_1299 : vector<16xf32>
        %mul3A_1301 = vector.broadcast %squeeze3A_707 : f32 to vector<16xf32>
        %mul3A_1302 = arith.mulf %mul3A_1301, %get3A_1257 : vector<16xf32>
        %add3A_1303 = arith.addf %get3A_1270, %mul3A_1302 : vector<16xf32>
        %mul3A_1304 = vector.broadcast %squeeze3A_723 : f32 to vector<16xf32>
        %mul3A_1305 = arith.mulf %mul3A_1304, %get3A_1262 : vector<16xf32>
        %add3A_1306 = arith.addf %add3A_1303, %mul3A_1305 : vector<16xf32>
        %mul3A_1307 = vector.broadcast %squeeze3A_739 : f32 to vector<16xf32>
        %mul3A_1308 = arith.mulf %mul3A_1307, %get3A_1267 : vector<16xf32>
        %add3A_1309 = arith.addf %add3A_1306, %mul3A_1308 : vector<16xf32>
        %min3A_1310 = arith.minimumf %scan3A_1246, %add3A_1309 : vector<16xf32>
        %mul3A_1311 = vector.broadcast %squeeze3A_709 : f32 to vector<16xf32>
        %mul3A_1312 = arith.mulf %mul3A_1311, %get3A_1257 : vector<16xf32>
        %add3A_1313 = arith.addf %get3A_1270, %mul3A_1312 : vector<16xf32>
        %mul3A_1314 = vector.broadcast %squeeze3A_725 : f32 to vector<16xf32>
        %mul3A_1315 = arith.mulf %mul3A_1314, %get3A_1262 : vector<16xf32>
        %add3A_1316 = arith.addf %add3A_1313, %mul3A_1315 : vector<16xf32>
        %mul3A_1317 = vector.broadcast %squeeze3A_741 : f32 to vector<16xf32>
        %mul3A_1318 = arith.mulf %mul3A_1317, %get3A_1267 : vector<16xf32>
        %add3A_1319 = arith.addf %add3A_1316, %mul3A_1318 : vector<16xf32>
        %min3A_1320 = arith.minimumf %scan3A_1247, %add3A_1319 : vector<16xf32>
        %mul3A_1321 = vector.broadcast %squeeze3A_711 : f32 to vector<16xf32>
        %mul3A_1322 = arith.mulf %mul3A_1321, %get3A_1257 : vector<16xf32>
        %add3A_1323 = arith.addf %get3A_1270, %mul3A_1322 : vector<16xf32>
        %mul3A_1324 = vector.broadcast %squeeze3A_727 : f32 to vector<16xf32>
        %mul3A_1325 = arith.mulf %mul3A_1324, %get3A_1262 : vector<16xf32>
        %add3A_1326 = arith.addf %add3A_1323, %mul3A_1325 : vector<16xf32>
        %mul3A_1327 = vector.broadcast %squeeze3A_743 : f32 to vector<16xf32>
        %mul3A_1328 = arith.mulf %mul3A_1327, %get3A_1267 : vector<16xf32>
        %add3A_1329 = arith.addf %add3A_1326, %mul3A_1328 : vector<16xf32>
        %min3A_1330 = arith.minimumf %scan3A_1248, %add3A_1329 : vector<16xf32>
        %mul3A_1331 = vector.broadcast %squeeze3A_713 : f32 to vector<16xf32>
        %mul3A_1332 = arith.mulf %mul3A_1331, %get3A_1257 : vector<16xf32>
        %add3A_1333 = arith.addf %get3A_1270, %mul3A_1332 : vector<16xf32>
        %mul3A_1334 = vector.broadcast %squeeze3A_729 : f32 to vector<16xf32>
        %mul3A_1335 = arith.mulf %mul3A_1334, %get3A_1262 : vector<16xf32>
        %add3A_1336 = arith.addf %add3A_1333, %mul3A_1335 : vector<16xf32>
        %mul3A_1337 = vector.broadcast %squeeze3A_745 : f32 to vector<16xf32>
        %mul3A_1338 = arith.mulf %mul3A_1337, %get3A_1267 : vector<16xf32>
        %add3A_1339 = arith.addf %add3A_1336, %mul3A_1338 : vector<16xf32>
        %min3A_1340 = arith.minimumf %scan3A_1249, %add3A_1339 : vector<16xf32>
        %mul3A_1341 = vector.broadcast %squeeze3A_715 : f32 to vector<16xf32>
        %mul3A_1342 = arith.mulf %mul3A_1341, %get3A_1257 : vector<16xf32>
        %add3A_1343 = arith.addf %get3A_1270, %mul3A_1342 : vector<16xf32>
        %mul3A_1344 = vector.broadcast %squeeze3A_731 : f32 to vector<16xf32>
        %mul3A_1345 = arith.mulf %mul3A_1344, %get3A_1262 : vector<16xf32>
        %add3A_1346 = arith.addf %add3A_1343, %mul3A_1345 : vector<16xf32>
        %mul3A_1347 = vector.broadcast %squeeze3A_747 : f32 to vector<16xf32>
        %mul3A_1348 = arith.mulf %mul3A_1347, %get3A_1267 : vector<16xf32>
        %add3A_1349 = arith.addf %add3A_1346, %mul3A_1348 : vector<16xf32>
        %min3A_1350 = arith.minimumf %scan3A_1250, %add3A_1349 : vector<16xf32>
        scf.yield %min3A_1280, %min3A_1290, %min3A_1300, %min3A_1310, %min3A_1320, %min3A_1330, %min3A_1340, %min3A_1350 : vector<16xf32>, vector<16xf32>, vector<16xf32>, vector<16xf32>, vector<16xf32>, vector<16xf32>, vector<16xf32>, vector<16xf32>
      }
      %scan3A_761 = arith.constant 256 : i32
      %iota3A_762 = tpu.iota {dimensions = array<i32: 0>} : vector<16xi32>
      %xor3A_763 = arith.constant 8 : i32
      %xor3A_764 = vector.broadcast %xor3A_763 : i32 to vector<16xi32>
      %xor3A_765 = arith.xori %iota3A_762, %xor3A_764 : vector<16xi32>
      %lt3A_766 = arith.constant 0 : i32
      %lt3A_767 = vector.broadcast %lt3A_766 : i32 to vector<16xi32>
      %lt3A_768 = arith.cmpi slt, %xor3A_765, %lt3A_767 : vector<16xi32>
      %add3A_769 = arith.constant 16 : i32
      %add3A_770 = vector.broadcast %add3A_769 : i32 to vector<16xi32>
      %add3A_771 = arith.addi %xor3A_765, %add3A_770 : vector<16xi32>
      %select_n3A_772 = arith.select %lt3A_768, %add3A_771, %xor3A_765 : vector<16xi1>, vector<16xi32>
      %broadcast_in_dim3A_773 = vector.shape_cast %select_n3A_772 : vector<16xi32> to vector<16x1xi32>
      %gather3A_774 = vector.shape_cast %broadcast_in_dim3A_773 : vector<16x1xi32> to vector<16xi32>
      %gather3A_775 = tpu.dynamic_gather %scan3A_760#0[%gather3A_774] in [0] : vector<16xf32>, vector<16xi32> -> vector<16xf32>
      %min3A_776 = arith.minimumf %scan3A_760#0, %gather3A_775 : vector<16xf32>
      %xor3A_777 = arith.constant 4 : i32
      %xor3A_778 = vector.broadcast %xor3A_777 : i32 to vector<16xi32>
      %xor3A_779 = arith.xori %iota3A_762, %xor3A_778 : vector<16xi32>
      %lt3A_780 = arith.constant 0 : i32
      %lt3A_781 = vector.broadcast %lt3A_780 : i32 to vector<16xi32>
      %lt3A_782 = arith.cmpi slt, %xor3A_779, %lt3A_781 : vector<16xi32>
      %add3A_783 = arith.constant 16 : i32
      %add3A_784 = vector.broadcast %add3A_783 : i32 to vector<16xi32>
      %add3A_785 = arith.addi %xor3A_779, %add3A_784 : vector<16xi32>
      %select_n3A_786 = arith.select %lt3A_782, %add3A_785, %xor3A_779 : vector<16xi1>, vector<16xi32>
      %broadcast_in_dim3A_787 = vector.shape_cast %select_n3A_786 : vector<16xi32> to vector<16x1xi32>
      %gather3A_788 = vector.shape_cast %broadcast_in_dim3A_787 : vector<16x1xi32> to vector<16xi32>
      %gather3A_789 = tpu.dynamic_gather %min3A_776[%gather3A_788] in [0] : vector<16xf32>, vector<16xi32> -> vector<16xf32>
      %min3A_790 = arith.minimumf %min3A_776, %gather3A_789 : vector<16xf32>
      %xor3A_791 = arith.constant 2 : i32
      %xor3A_792 = vector.broadcast %xor3A_791 : i32 to vector<16xi32>
      %xor3A_793 = arith.xori %iota3A_762, %xor3A_792 : vector<16xi32>
      %lt3A_794 = arith.constant 0 : i32
      %lt3A_795 = vector.broadcast %lt3A_794 : i32 to vector<16xi32>
      %lt3A_796 = arith.cmpi slt, %xor3A_793, %lt3A_795 : vector<16xi32>
      %add3A_797 = arith.constant 16 : i32
      %add3A_798 = vector.broadcast %add3A_797 : i32 to vector<16xi32>
      %add3A_799 = arith.addi %xor3A_793, %add3A_798 : vector<16xi32>
      %select_n3A_800 = arith.select %lt3A_796, %add3A_799, %xor3A_793 : vector<16xi1>, vector<16xi32>
      %broadcast_in_dim3A_801 = vector.shape_cast %select_n3A_800 : vector<16xi32> to vector<16x1xi32>
      %gather3A_802 = vector.shape_cast %broadcast_in_dim3A_801 : vector<16x1xi32> to vector<16xi32>
      %gather3A_803 = tpu.dynamic_gather %min3A_790[%gather3A_802] in [0] : vector<16xf32>, vector<16xi32> -> vector<16xf32>
      %min3A_804 = arith.minimumf %min3A_790, %gather3A_803 : vector<16xf32>
      %xor3A_805 = arith.constant 1 : i32
      %xor3A_806 = vector.broadcast %xor3A_805 : i32 to vector<16xi32>
      %xor3A_807 = arith.xori %iota3A_762, %xor3A_806 : vector<16xi32>
      %lt3A_808 = arith.constant 0 : i32
      %lt3A_809 = vector.broadcast %lt3A_808 : i32 to vector<16xi32>
      %lt3A_810 = arith.cmpi slt, %xor3A_807, %lt3A_809 : vector<16xi32>
      %add3A_811 = arith.constant 16 : i32
      %add3A_812 = vector.broadcast %add3A_811 : i32 to vector<16xi32>
      %add3A_813 = arith.addi %xor3A_807, %add3A_812 : vector<16xi32>
      %select_n3A_814 = arith.select %lt3A_810, %add3A_813, %xor3A_807 : vector<16xi1>, vector<16xi32>
      %broadcast_in_dim3A_815 = vector.shape_cast %select_n3A_814 : vector<16xi32> to vector<16x1xi32>
      %gather3A_816 = vector.shape_cast %broadcast_in_dim3A_815 : vector<16x1xi32> to vector<16xi32>
      %gather3A_817 = tpu.dynamic_gather %min3A_804[%gather3A_816] in [0] : vector<16xf32>, vector<16xi32> -> vector<16xf32>
      %min3A_818 = arith.minimumf %min3A_804, %gather3A_817 : vector<16xf32>
      %slice3A_819 = vector.extract_strided_slice %min3A_818 {offsets = [0], sizes = [1], strides = [1]} : vector<16xf32> to vector<1xf32>
      %squeeze3A_820 = vector.extract %slice3A_819[0] : f32 from vector<1xf32>
      %add3A_821 = arith.addf %add3A_699, %squeeze3A_820 : f32
      %iota3A_822 = tpu.iota {dimensions = array<i32: 0>} : vector<16xi32>
      %xor3A_823 = arith.constant 8 : i32
      %xor3A_824 = vector.broadcast %xor3A_823 : i32 to vector<16xi32>
      %xor3A_825 = arith.xori %iota3A_822, %xor3A_824 : vector<16xi32>
      %lt3A_826 = arith.constant 0 : i32
      %lt3A_827 = vector.broadcast %lt3A_826 : i32 to vector<16xi32>
      %lt3A_828 = arith.cmpi slt, %xor3A_825, %lt3A_827 : vector<16xi32>
      %add3A_829 = arith.constant 16 : i32
      %add3A_830 = vector.broadcast %add3A_829 : i32 to vector<16xi32>
      %add3A_831 = arith.addi %xor3A_825, %add3A_830 : vector<16xi32>
      %select_n3A_832 = arith.select %lt3A_828, %add3A_831, %xor3A_825 : vector<16xi1>, vector<16xi32>
      %broadcast_in_dim3A_833 = vector.shape_cast %select_n3A_832 : vector<16xi32> to vector<16x1xi32>
      %gather3A_834 = vector.shape_cast %broadcast_in_dim3A_833 : vector<16x1xi32> to vector<16xi32>
      %gather3A_835 = tpu.dynamic_gather %scan3A_760#1[%gather3A_834] in [0] : vector<16xf32>, vector<16xi32> -> vector<16xf32>
      %min3A_836 = arith.minimumf %scan3A_760#1, %gather3A_835 : vector<16xf32>
      %xor3A_837 = arith.constant 4 : i32
      %xor3A_838 = vector.broadcast %xor3A_837 : i32 to vector<16xi32>
      %xor3A_839 = arith.xori %iota3A_822, %xor3A_838 : vector<16xi32>
      %lt3A_840 = arith.constant 0 : i32
      %lt3A_841 = vector.broadcast %lt3A_840 : i32 to vector<16xi32>
      %lt3A_842 = arith.cmpi slt, %xor3A_839, %lt3A_841 : vector<16xi32>
      %add3A_843 = arith.constant 16 : i32
      %add3A_844 = vector.broadcast %add3A_843 : i32 to vector<16xi32>
      %add3A_845 = arith.addi %xor3A_839, %add3A_844 : vector<16xi32>
      %select_n3A_846 = arith.select %lt3A_842, %add3A_845, %xor3A_839 : vector<16xi1>, vector<16xi32>
      %broadcast_in_dim3A_847 = vector.shape_cast %select_n3A_846 : vector<16xi32> to vector<16x1xi32>
      %gather3A_848 = vector.shape_cast %broadcast_in_dim3A_847 : vector<16x1xi32> to vector<16xi32>
      %gather3A_849 = tpu.dynamic_gather %min3A_836[%gather3A_848] in [0] : vector<16xf32>, vector<16xi32> -> vector<16xf32>
      %min3A_850 = arith.minimumf %min3A_836, %gather3A_849 : vector<16xf32>
      %xor3A_851 = arith.constant 2 : i32
      %xor3A_852 = vector.broadcast %xor3A_851 : i32 to vector<16xi32>
      %xor3A_853 = arith.xori %iota3A_822, %xor3A_852 : vector<16xi32>
      %lt3A_854 = arith.constant 0 : i32
      %lt3A_855 = vector.broadcast %lt3A_854 : i32 to vector<16xi32>
      %lt3A_856 = arith.cmpi slt, %xor3A_853, %lt3A_855 : vector<16xi32>
      %add3A_857 = arith.constant 16 : i32
      %add3A_858 = vector.broadcast %add3A_857 : i32 to vector<16xi32>
      %add3A_859 = arith.addi %xor3A_853, %add3A_858 : vector<16xi32>
      %select_n3A_860 = arith.select %lt3A_856, %add3A_859, %xor3A_853 : vector<16xi1>, vector<16xi32>
      %broadcast_in_dim3A_861 = vector.shape_cast %select_n3A_860 : vector<16xi32> to vector<16x1xi32>
      %gather3A_862 = vector.shape_cast %broadcast_in_dim3A_861 : vector<16x1xi32> to vector<16xi32>
      %gather3A_863 = tpu.dynamic_gather %min3A_850[%gather3A_862] in [0] : vector<16xf32>, vector<16xi32> -> vector<16xf32>
      %min3A_864 = arith.minimumf %min3A_850, %gather3A_863 : vector<16xf32>
      %xor3A_865 = arith.constant 1 : i32
      %xor3A_866 = vector.broadcast %xor3A_865 : i32 to vector<16xi32>
      %xor3A_867 = arith.xori %iota3A_822, %xor3A_866 : vector<16xi32>
      %lt3A_868 = arith.constant 0 : i32
      %lt3A_869 = vector.broadcast %lt3A_868 : i32 to vector<16xi32>
      %lt3A_870 = arith.cmpi slt, %xor3A_867, %lt3A_869 : vector<16xi32>
      %add3A_871 = arith.constant 16 : i32
      %add3A_872 = vector.broadcast %add3A_871 : i32 to vector<16xi32>
      %add3A_873 = arith.addi %xor3A_867, %add3A_872 : vector<16xi32>
      %select_n3A_874 = arith.select %lt3A_870, %add3A_873, %xor3A_867 : vector<16xi1>, vector<16xi32>
      %broadcast_in_dim3A_875 = vector.shape_cast %select_n3A_874 : vector<16xi32> to vector<16x1xi32>
      %gather3A_876 = vector.shape_cast %broadcast_in_dim3A_875 : vector<16x1xi32> to vector<16xi32>
      %gather3A_877 = tpu.dynamic_gather %min3A_864[%gather3A_876] in [0] : vector<16xf32>, vector<16xi32> -> vector<16xf32>
      %min3A_878 = arith.minimumf %min3A_864, %gather3A_877 : vector<16xf32>
      %slice3A_879 = vector.extract_strided_slice %min3A_878 {offsets = [0], sizes = [1], strides = [1]} : vector<16xf32> to vector<1xf32>
      %squeeze3A_880 = vector.extract %slice3A_879[0] : f32 from vector<1xf32>
      %add3A_881 = arith.addf %add3A_821, %squeeze3A_880 : f32
      %iota3A_882 = tpu.iota {dimensions = array<i32: 0>} : vector<16xi32>
      %xor3A_883 = arith.constant 8 : i32
      %xor3A_884 = vector.broadcast %xor3A_883 : i32 to vector<16xi32>
      %xor3A_885 = arith.xori %iota3A_882, %xor3A_884 : vector<16xi32>
      %lt3A_886 = arith.constant 0 : i32
      %lt3A_887 = vector.broadcast %lt3A_886 : i32 to vector<16xi32>
      %lt3A_888 = arith.cmpi slt, %xor3A_885, %lt3A_887 : vector<16xi32>
      %add3A_889 = arith.constant 16 : i32
      %add3A_890 = vector.broadcast %add3A_889 : i32 to vector<16xi32>
      %add3A_891 = arith.addi %xor3A_885, %add3A_890 : vector<16xi32>
      %select_n3A_892 = arith.select %lt3A_888, %add3A_891, %xor3A_885 : vector<16xi1>, vector<16xi32>
      %broadcast_in_dim3A_893 = vector.shape_cast %select_n3A_892 : vector<16xi32> to vector<16x1xi32>
      %gather3A_894 = vector.shape_cast %broadcast_in_dim3A_893 : vector<16x1xi32> to vector<16xi32>
      %gather3A_895 = tpu.dynamic_gather %scan3A_760#2[%gather3A_894] in [0] : vector<16xf32>, vector<16xi32> -> vector<16xf32>
      %min3A_896 = arith.minimumf %scan3A_760#2, %gather3A_895 : vector<16xf32>
      %xor3A_897 = arith.constant 4 : i32
      %xor3A_898 = vector.broadcast %xor3A_897 : i32 to vector<16xi32>
      %xor3A_899 = arith.xori %iota3A_882, %xor3A_898 : vector<16xi32>
      %lt3A_900 = arith.constant 0 : i32
      %lt3A_901 = vector.broadcast %lt3A_900 : i32 to vector<16xi32>
      %lt3A_902 = arith.cmpi slt, %xor3A_899, %lt3A_901 : vector<16xi32>
      %add3A_903 = arith.constant 16 : i32
      %add3A_904 = vector.broadcast %add3A_903 : i32 to vector<16xi32>
      %add3A_905 = arith.addi %xor3A_899, %add3A_904 : vector<16xi32>
      %select_n3A_906 = arith.select %lt3A_902, %add3A_905, %xor3A_899 : vector<16xi1>, vector<16xi32>
      %broadcast_in_dim3A_907 = vector.shape_cast %select_n3A_906 : vector<16xi32> to vector<16x1xi32>
      %gather3A_908 = vector.shape_cast %broadcast_in_dim3A_907 : vector<16x1xi32> to vector<16xi32>
      %gather3A_909 = tpu.dynamic_gather %min3A_896[%gather3A_908] in [0] : vector<16xf32>, vector<16xi32> -> vector<16xf32>
      %min3A_910 = arith.minimumf %min3A_896, %gather3A_909 : vector<16xf32>
      %xor3A_911 = arith.constant 2 : i32
      %xor3A_912 = vector.broadcast %xor3A_911 : i32 to vector<16xi32>
      %xor3A_913 = arith.xori %iota3A_882, %xor3A_912 : vector<16xi32>
      %lt3A_914 = arith.constant 0 : i32
      %lt3A_915 = vector.broadcast %lt3A_914 : i32 to vector<16xi32>
      %lt3A_916 = arith.cmpi slt, %xor3A_913, %lt3A_915 : vector<16xi32>
      %add3A_917 = arith.constant 16 : i32
      %add3A_918 = vector.broadcast %add3A_917 : i32 to vector<16xi32>
      %add3A_919 = arith.addi %xor3A_913, %add3A_918 : vector<16xi32>
      %select_n3A_920 = arith.select %lt3A_916, %add3A_919, %xor3A_913 : vector<16xi1>, vector<16xi32>
      %broadcast_in_dim3A_921 = vector.shape_cast %select_n3A_920 : vector<16xi32> to vector<16x1xi32>
      %gather3A_922 = vector.shape_cast %broadcast_in_dim3A_921 : vector<16x1xi32> to vector<16xi32>
      %gather3A_923 = tpu.dynamic_gather %min3A_910[%gather3A_922] in [0] : vector<16xf32>, vector<16xi32> -> vector<16xf32>
      %min3A_924 = arith.minimumf %min3A_910, %gather3A_923 : vector<16xf32>
      %xor3A_925 = arith.constant 1 : i32
      %xor3A_926 = vector.broadcast %xor3A_925 : i32 to vector<16xi32>
      %xor3A_927 = arith.xori %iota3A_882, %xor3A_926 : vector<16xi32>
      %lt3A_928 = arith.constant 0 : i32
      %lt3A_929 = vector.broadcast %lt3A_928 : i32 to vector<16xi32>
      %lt3A_930 = arith.cmpi slt, %xor3A_927, %lt3A_929 : vector<16xi32>
      %add3A_931 = arith.constant 16 : i32
      %add3A_932 = vector.broadcast %add3A_931 : i32 to vector<16xi32>
      %add3A_933 = arith.addi %xor3A_927, %add3A_932 : vector<16xi32>
      %select_n3A_934 = arith.select %lt3A_930, %add3A_933, %xor3A_927 : vector<16xi1>, vector<16xi32>
      %broadcast_in_dim3A_935 = vector.shape_cast %select_n3A_934 : vector<16xi32> to vector<16x1xi32>
      %gather3A_936 = vector.shape_cast %broadcast_in_dim3A_935 : vector<16x1xi32> to vector<16xi32>
      %gather3A_937 = tpu.dynamic_gather %min3A_924[%gather3A_936] in [0] : vector<16xf32>, vector<16xi32> -> vector<16xf32>
      %min3A_938 = arith.minimumf %min3A_924, %gather3A_937 : vector<16xf32>
      %slice3A_939 = vector.extract_strided_slice %min3A_938 {offsets = [0], sizes = [1], strides = [1]} : vector<16xf32> to vector<1xf32>
      %squeeze3A_940 = vector.extract %slice3A_939[0] : f32 from vector<1xf32>
      %add3A_941 = arith.addf %add3A_881, %squeeze3A_940 : f32
      %iota3A_942 = tpu.iota {dimensions = array<i32: 0>} : vector<16xi32>
      %xor3A_943 = arith.constant 8 : i32
      %xor3A_944 = vector.broadcast %xor3A_943 : i32 to vector<16xi32>
      %xor3A_945 = arith.xori %iota3A_942, %xor3A_944 : vector<16xi32>
      %lt3A_946 = arith.constant 0 : i32
      %lt3A_947 = vector.broadcast %lt3A_946 : i32 to vector<16xi32>
      %lt3A_948 = arith.cmpi slt, %xor3A_945, %lt3A_947 : vector<16xi32>
      %add3A_949 = arith.constant 16 : i32
      %add3A_950 = vector.broadcast %add3A_949 : i32 to vector<16xi32>
      %add3A_951 = arith.addi %xor3A_945, %add3A_950 : vector<16xi32>
      %select_n3A_952 = arith.select %lt3A_948, %add3A_951, %xor3A_945 : vector<16xi1>, vector<16xi32>
      %broadcast_in_dim3A_953 = vector.shape_cast %select_n3A_952 : vector<16xi32> to vector<16x1xi32>
      %gather3A_954 = vector.shape_cast %broadcast_in_dim3A_953 : vector<16x1xi32> to vector<16xi32>
      %gather3A_955 = tpu.dynamic_gather %scan3A_760#3[%gather3A_954] in [0] : vector<16xf32>, vector<16xi32> -> vector<16xf32>
      %min3A_956 = arith.minimumf %scan3A_760#3, %gather3A_955 : vector<16xf32>
      %xor3A_957 = arith.constant 4 : i32
      %xor3A_958 = vector.broadcast %xor3A_957 : i32 to vector<16xi32>
      %xor3A_959 = arith.xori %iota3A_942, %xor3A_958 : vector<16xi32>
      %lt3A_960 = arith.constant 0 : i32
      %lt3A_961 = vector.broadcast %lt3A_960 : i32 to vector<16xi32>
      %lt3A_962 = arith.cmpi slt, %xor3A_959, %lt3A_961 : vector<16xi32>
      %add3A_963 = arith.constant 16 : i32
      %add3A_964 = vector.broadcast %add3A_963 : i32 to vector<16xi32>
      %add3A_965 = arith.addi %xor3A_959, %add3A_964 : vector<16xi32>
      %select_n3A_966 = arith.select %lt3A_962, %add3A_965, %xor3A_959 : vector<16xi1>, vector<16xi32>
      %broadcast_in_dim3A_967 = vector.shape_cast %select_n3A_966 : vector<16xi32> to vector<16x1xi32>
      %gather3A_968 = vector.shape_cast %broadcast_in_dim3A_967 : vector<16x1xi32> to vector<16xi32>
      %gather3A_969 = tpu.dynamic_gather %min3A_956[%gather3A_968] in [0] : vector<16xf32>, vector<16xi32> -> vector<16xf32>
      %min3A_970 = arith.minimumf %min3A_956, %gather3A_969 : vector<16xf32>
      %xor3A_971 = arith.constant 2 : i32
      %xor3A_972 = vector.broadcast %xor3A_971 : i32 to vector<16xi32>
      %xor3A_973 = arith.xori %iota3A_942, %xor3A_972 : vector<16xi32>
      %lt3A_974 = arith.constant 0 : i32
      %lt3A_975 = vector.broadcast %lt3A_974 : i32 to vector<16xi32>
      %lt3A_976 = arith.cmpi slt, %xor3A_973, %lt3A_975 : vector<16xi32>
      %add3A_977 = arith.constant 16 : i32
      %add3A_978 = vector.broadcast %add3A_977 : i32 to vector<16xi32>
      %add3A_979 = arith.addi %xor3A_973, %add3A_978 : vector<16xi32>
      %select_n3A_980 = arith.select %lt3A_976, %add3A_979, %xor3A_973 : vector<16xi1>, vector<16xi32>
      %broadcast_in_dim3A_981 = vector.shape_cast %select_n3A_980 : vector<16xi32> to vector<16x1xi32>
      %gather3A_982 = vector.shape_cast %broadcast_in_dim3A_981 : vector<16x1xi32> to vector<16xi32>
      %gather3A_983 = tpu.dynamic_gather %min3A_970[%gather3A_982] in [0] : vector<16xf32>, vector<16xi32> -> vector<16xf32>
      %min3A_984 = arith.minimumf %min3A_970, %gather3A_983 : vector<16xf32>
      %xor3A_985 = arith.constant 1 : i32
      %xor3A_986 = vector.broadcast %xor3A_985 : i32 to vector<16xi32>
      %xor3A_987 = arith.xori %iota3A_942, %xor3A_986 : vector<16xi32>
      %lt3A_988 = arith.constant 0 : i32
      %lt3A_989 = vector.broadcast %lt3A_988 : i32 to vector<16xi32>
      %lt3A_990 = arith.cmpi slt, %xor3A_987, %lt3A_989 : vector<16xi32>
      %add3A_991 = arith.constant 16 : i32
      %add3A_992 = vector.broadcast %add3A_991 : i32 to vector<16xi32>
      %add3A_993 = arith.addi %xor3A_987, %add3A_992 : vector<16xi32>
      %select_n3A_994 = arith.select %lt3A_990, %add3A_993, %xor3A_987 : vector<16xi1>, vector<16xi32>
      %broadcast_in_dim3A_995 = vector.shape_cast %select_n3A_994 : vector<16xi32> to vector<16x1xi32>
      %gather3A_996 = vector.shape_cast %broadcast_in_dim3A_995 : vector<16x1xi32> to vector<16xi32>
      %gather3A_997 = tpu.dynamic_gather %min3A_984[%gather3A_996] in [0] : vector<16xf32>, vector<16xi32> -> vector<16xf32>
      %min3A_998 = arith.minimumf %min3A_984, %gather3A_997 : vector<16xf32>
      %slice3A_999 = vector.extract_strided_slice %min3A_998 {offsets = [0], sizes = [1], strides = [1]} : vector<16xf32> to vector<1xf32>
      %squeeze3A_1000 = vector.extract %slice3A_999[0] : f32 from vector<1xf32>
      %add3A_1001 = arith.addf %add3A_941, %squeeze3A_1000 : f32
      %iota3A_1002 = tpu.iota {dimensions = array<i32: 0>} : vector<16xi32>
      %xor3A_1003 = arith.constant 8 : i32
      %xor3A_1004 = vector.broadcast %xor3A_1003 : i32 to vector<16xi32>
      %xor3A_1005 = arith.xori %iota3A_1002, %xor3A_1004 : vector<16xi32>
      %lt3A_1006 = arith.constant 0 : i32
      %lt3A_1007 = vector.broadcast %lt3A_1006 : i32 to vector<16xi32>
      %lt3A_1008 = arith.cmpi slt, %xor3A_1005, %lt3A_1007 : vector<16xi32>
      %add3A_1009 = arith.constant 16 : i32
      %add3A_1010 = vector.broadcast %add3A_1009 : i32 to vector<16xi32>
      %add3A_1011 = arith.addi %xor3A_1005, %add3A_1010 : vector<16xi32>
      %select_n3A_1012 = arith.select %lt3A_1008, %add3A_1011, %xor3A_1005 : vector<16xi1>, vector<16xi32>
      %broadcast_in_dim3A_1013 = vector.shape_cast %select_n3A_1012 : vector<16xi32> to vector<16x1xi32>
      %gather3A_1014 = vector.shape_cast %broadcast_in_dim3A_1013 : vector<16x1xi32> to vector<16xi32>
      %gather3A_1015 = tpu.dynamic_gather %scan3A_760#4[%gather3A_1014] in [0] : vector<16xf32>, vector<16xi32> -> vector<16xf32>
      %min3A_1016 = arith.minimumf %scan3A_760#4, %gather3A_1015 : vector<16xf32>
      %xor3A_1017 = arith.constant 4 : i32
      %xor3A_1018 = vector.broadcast %xor3A_1017 : i32 to vector<16xi32>
      %xor3A_1019 = arith.xori %iota3A_1002, %xor3A_1018 : vector<16xi32>
      %lt3A_1020 = arith.constant 0 : i32
      %lt3A_1021 = vector.broadcast %lt3A_1020 : i32 to vector<16xi32>
      %lt3A_1022 = arith.cmpi slt, %xor3A_1019, %lt3A_1021 : vector<16xi32>
      %add3A_1023 = arith.constant 16 : i32
      %add3A_1024 = vector.broadcast %add3A_1023 : i32 to vector<16xi32>
      %add3A_1025 = arith.addi %xor3A_1019, %add3A_1024 : vector<16xi32>
      %select_n3A_1026 = arith.select %lt3A_1022, %add3A_1025, %xor3A_1019 : vector<16xi1>, vector<16xi32>
      %broadcast_in_dim3A_1027 = vector.shape_cast %select_n3A_1026 : vector<16xi32> to vector<16x1xi32>
      %gather3A_1028 = vector.shape_cast %broadcast_in_dim3A_1027 : vector<16x1xi32> to vector<16xi32>
      %gather3A_1029 = tpu.dynamic_gather %min3A_1016[%gather3A_1028] in [0] : vector<16xf32>, vector<16xi32> -> vector<16xf32>
      %min3A_1030 = arith.minimumf %min3A_1016, %gather3A_1029 : vector<16xf32>
      %xor3A_1031 = arith.constant 2 : i32
      %xor3A_1032 = vector.broadcast %xor3A_1031 : i32 to vector<16xi32>
      %xor3A_1033 = arith.xori %iota3A_1002, %xor3A_1032 : vector<16xi32>
      %lt3A_1034 = arith.constant 0 : i32
      %lt3A_1035 = vector.broadcast %lt3A_1034 : i32 to vector<16xi32>
      %lt3A_1036 = arith.cmpi slt, %xor3A_1033, %lt3A_1035 : vector<16xi32>
      %add3A_1037 = arith.constant 16 : i32
      %add3A_1038 = vector.broadcast %add3A_1037 : i32 to vector<16xi32>
      %add3A_1039 = arith.addi %xor3A_1033, %add3A_1038 : vector<16xi32>
      %select_n3A_1040 = arith.select %lt3A_1036, %add3A_1039, %xor3A_1033 : vector<16xi1>, vector<16xi32>
      %broadcast_in_dim3A_1041 = vector.shape_cast %select_n3A_1040 : vector<16xi32> to vector<16x1xi32>
      %gather3A_1042 = vector.shape_cast %broadcast_in_dim3A_1041 : vector<16x1xi32> to vector<16xi32>
      %gather3A_1043 = tpu.dynamic_gather %min3A_1030[%gather3A_1042] in [0] : vector<16xf32>, vector<16xi32> -> vector<16xf32>
      %min3A_1044 = arith.minimumf %min3A_1030, %gather3A_1043 : vector<16xf32>
      %xor3A_1045 = arith.constant 1 : i32
      %xor3A_1046 = vector.broadcast %xor3A_1045 : i32 to vector<16xi32>
      %xor3A_1047 = arith.xori %iota3A_1002, %xor3A_1046 : vector<16xi32>
      %lt3A_1048 = arith.constant 0 : i32
      %lt3A_1049 = vector.broadcast %lt3A_1048 : i32 to vector<16xi32>
      %lt3A_1050 = arith.cmpi slt, %xor3A_1047, %lt3A_1049 : vector<16xi32>
      %add3A_1051 = arith.constant 16 : i32
      %add3A_1052 = vector.broadcast %add3A_1051 : i32 to vector<16xi32>
      %add3A_1053 = arith.addi %xor3A_1047, %add3A_1052 : vector<16xi32>
      %select_n3A_1054 = arith.select %lt3A_1050, %add3A_1053, %xor3A_1047 : vector<16xi1>, vector<16xi32>
      %broadcast_in_dim3A_1055 = vector.shape_cast %select_n3A_1054 : vector<16xi32> to vector<16x1xi32>
      %gather3A_1056 = vector.shape_cast %broadcast_in_dim3A_1055 : vector<16x1xi32> to vector<16xi32>
      %gather3A_1057 = tpu.dynamic_gather %min3A_1044[%gather3A_1056] in [0] : vector<16xf32>, vector<16xi32> -> vector<16xf32>
      %min3A_1058 = arith.minimumf %min3A_1044, %gather3A_1057 : vector<16xf32>
      %slice3A_1059 = vector.extract_strided_slice %min3A_1058 {offsets = [0], sizes = [1], strides = [1]} : vector<16xf32> to vector<1xf32>
      %squeeze3A_1060 = vector.extract %slice3A_1059[0] : f32 from vector<1xf32>
      %add3A_1061 = arith.addf %add3A_1001, %squeeze3A_1060 : f32
      %iota3A_1062 = tpu.iota {dimensions = array<i32: 0>} : vector<16xi32>
      %xor3A_1063 = arith.constant 8 : i32
      %xor3A_1064 = vector.broadcast %xor3A_1063 : i32 to vector<16xi32>
      %xor3A_1065 = arith.xori %iota3A_1062, %xor3A_1064 : vector<16xi32>
      %lt3A_1066 = arith.constant 0 : i32
      %lt3A_1067 = vector.broadcast %lt3A_1066 : i32 to vector<16xi32>
      %lt3A_1068 = arith.cmpi slt, %xor3A_1065, %lt3A_1067 : vector<16xi32>
      %add3A_1069 = arith.constant 16 : i32
      %add3A_1070 = vector.broadcast %add3A_1069 : i32 to vector<16xi32>
      %add3A_1071 = arith.addi %xor3A_1065, %add3A_1070 : vector<16xi32>
      %select_n3A_1072 = arith.select %lt3A_1068, %add3A_1071, %xor3A_1065 : vector<16xi1>, vector<16xi32>
      %broadcast_in_dim3A_1073 = vector.shape_cast %select_n3A_1072 : vector<16xi32> to vector<16x1xi32>
      %gather3A_1074 = vector.shape_cast %broadcast_in_dim3A_1073 : vector<16x1xi32> to vector<16xi32>
      %gather3A_1075 = tpu.dynamic_gather %scan3A_760#5[%gather3A_1074] in [0] : vector<16xf32>, vector<16xi32> -> vector<16xf32>
      %min3A_1076 = arith.minimumf %scan3A_760#5, %gather3A_1075 : vector<16xf32>
      %xor3A_1077 = arith.constant 4 : i32
      %xor3A_1078 = vector.broadcast %xor3A_1077 : i32 to vector<16xi32>
      %xor3A_1079 = arith.xori %iota3A_1062, %xor3A_1078 : vector<16xi32>
      %lt3A_1080 = arith.constant 0 : i32
      %lt3A_1081 = vector.broadcast %lt3A_1080 : i32 to vector<16xi32>
      %lt3A_1082 = arith.cmpi slt, %xor3A_1079, %lt3A_1081 : vector<16xi32>
      %add3A_1083 = arith.constant 16 : i32
      %add3A_1084 = vector.broadcast %add3A_1083 : i32 to vector<16xi32>
      %add3A_1085 = arith.addi %xor3A_1079, %add3A_1084 : vector<16xi32>
      %select_n3A_1086 = arith.select %lt3A_1082, %add3A_1085, %xor3A_1079 : vector<16xi1>, vector<16xi32>
      %broadcast_in_dim3A_1087 = vector.shape_cast %select_n3A_1086 : vector<16xi32> to vector<16x1xi32>
      %gather3A_1088 = vector.shape_cast %broadcast_in_dim3A_1087 : vector<16x1xi32> to vector<16xi32>
      %gather3A_1089 = tpu.dynamic_gather %min3A_1076[%gather3A_1088] in [0] : vector<16xf32>, vector<16xi32> -> vector<16xf32>
      %min3A_1090 = arith.minimumf %min3A_1076, %gather3A_1089 : vector<16xf32>
      %xor3A_1091 = arith.constant 2 : i32
      %xor3A_1092 = vector.broadcast %xor3A_1091 : i32 to vector<16xi32>
      %xor3A_1093 = arith.xori %iota3A_1062, %xor3A_1092 : vector<16xi32>
      %lt3A_1094 = arith.constant 0 : i32
      %lt3A_1095 = vector.broadcast %lt3A_1094 : i32 to vector<16xi32>
      %lt3A_1096 = arith.cmpi slt, %xor3A_1093, %lt3A_1095 : vector<16xi32>
      %add3A_1097 = arith.constant 16 : i32
      %add3A_1098 = vector.broadcast %add3A_1097 : i32 to vector<16xi32>
      %add3A_1099 = arith.addi %xor3A_1093, %add3A_1098 : vector<16xi32>
      %select_n3A_1100 = arith.select %lt3A_1096, %add3A_1099, %xor3A_1093 : vector<16xi1>, vector<16xi32>
      %broadcast_in_dim3A_1101 = vector.shape_cast %select_n3A_1100 : vector<16xi32> to vector<16x1xi32>
      %gather3A_1102 = vector.shape_cast %broadcast_in_dim3A_1101 : vector<16x1xi32> to vector<16xi32>
      %gather3A_1103 = tpu.dynamic_gather %min3A_1090[%gather3A_1102] in [0] : vector<16xf32>, vector<16xi32> -> vector<16xf32>
      %min3A_1104 = arith.minimumf %min3A_1090, %gather3A_1103 : vector<16xf32>
      %xor3A_1105 = arith.constant 1 : i32
      %xor3A_1106 = vector.broadcast %xor3A_1105 : i32 to vector<16xi32>
      %xor3A_1107 = arith.xori %iota3A_1062, %xor3A_1106 : vector<16xi32>
      %lt3A_1108 = arith.constant 0 : i32
      %lt3A_1109 = vector.broadcast %lt3A_1108 : i32 to vector<16xi32>
      %lt3A_1110 = arith.cmpi slt, %xor3A_1107, %lt3A_1109 : vector<16xi32>
      %add3A_1111 = arith.constant 16 : i32
      %add3A_1112 = vector.broadcast %add3A_1111 : i32 to vector<16xi32>
      %add3A_1113 = arith.addi %xor3A_1107, %add3A_1112 : vector<16xi32>
      %select_n3A_1114 = arith.select %lt3A_1110, %add3A_1113, %xor3A_1107 : vector<16xi1>, vector<16xi32>
      %broadcast_in_dim3A_1115 = vector.shape_cast %select_n3A_1114 : vector<16xi32> to vector<16x1xi32>
      %gather3A_1116 = vector.shape_cast %broadcast_in_dim3A_1115 : vector<16x1xi32> to vector<16xi32>
      %gather3A_1117 = tpu.dynamic_gather %min3A_1104[%gather3A_1116] in [0] : vector<16xf32>, vector<16xi32> -> vector<16xf32>
      %min3A_1118 = arith.minimumf %min3A_1104, %gather3A_1117 : vector<16xf32>
      %slice3A_1119 = vector.extract_strided_slice %min3A_1118 {offsets = [0], sizes = [1], strides = [1]} : vector<16xf32> to vector<1xf32>
      %squeeze3A_1120 = vector.extract %slice3A_1119[0] : f32 from vector<1xf32>
      %add3A_1121 = arith.addf %add3A_1061, %squeeze3A_1120 : f32
      %iota3A_1122 = tpu.iota {dimensions = array<i32: 0>} : vector<16xi32>
      %xor3A_1123 = arith.constant 8 : i32
      %xor3A_1124 = vector.broadcast %xor3A_1123 : i32 to vector<16xi32>
      %xor3A_1125 = arith.xori %iota3A_1122, %xor3A_1124 : vector<16xi32>
      %lt3A_1126 = arith.constant 0 : i32
      %lt3A_1127 = vector.broadcast %lt3A_1126 : i32 to vector<16xi32>
      %lt3A_1128 = arith.cmpi slt, %xor3A_1125, %lt3A_1127 : vector<16xi32>
      %add3A_1129 = arith.constant 16 : i32
      %add3A_1130 = vector.broadcast %add3A_1129 : i32 to vector<16xi32>
      %add3A_1131 = arith.addi %xor3A_1125, %add3A_1130 : vector<16xi32>
      %select_n3A_1132 = arith.select %lt3A_1128, %add3A_1131, %xor3A_1125 : vector<16xi1>, vector<16xi32>
      %broadcast_in_dim3A_1133 = vector.shape_cast %select_n3A_1132 : vector<16xi32> to vector<16x1xi32>
      %gather3A_1134 = vector.shape_cast %broadcast_in_dim3A_1133 : vector<16x1xi32> to vector<16xi32>
      %gather3A_1135 = tpu.dynamic_gather %scan3A_760#6[%gather3A_1134] in [0] : vector<16xf32>, vector<16xi32> -> vector<16xf32>
      %min3A_1136 = arith.minimumf %scan3A_760#6, %gather3A_1135 : vector<16xf32>
      %xor3A_1137 = arith.constant 4 : i32
      %xor3A_1138 = vector.broadcast %xor3A_1137 : i32 to vector<16xi32>
      %xor3A_1139 = arith.xori %iota3A_1122, %xor3A_1138 : vector<16xi32>
      %lt3A_1140 = arith.constant 0 : i32
      %lt3A_1141 = vector.broadcast %lt3A_1140 : i32 to vector<16xi32>
      %lt3A_1142 = arith.cmpi slt, %xor3A_1139, %lt3A_1141 : vector<16xi32>
      %add3A_1143 = arith.constant 16 : i32
      %add3A_1144 = vector.broadcast %add3A_1143 : i32 to vector<16xi32>
      %add3A_1145 = arith.addi %xor3A_1139, %add3A_1144 : vector<16xi32>
      %select_n3A_1146 = arith.select %lt3A_1142, %add3A_1145, %xor3A_1139 : vector<16xi1>, vector<16xi32>
      %broadcast_in_dim3A_1147 = vector.shape_cast %select_n3A_1146 : vector<16xi32> to vector<16x1xi32>
      %gather3A_1148 = vector.shape_cast %broadcast_in_dim3A_1147 : vector<16x1xi32> to vector<16xi32>
      %gather3A_1149 = tpu.dynamic_gather %min3A_1136[%gather3A_1148] in [0] : vector<16xf32>, vector<16xi32> -> vector<16xf32>
      %min3A_1150 = arith.minimumf %min3A_1136, %gather3A_1149 : vector<16xf32>
      %xor3A_1151 = arith.constant 2 : i32
      %xor3A_1152 = vector.broadcast %xor3A_1151 : i32 to vector<16xi32>
      %xor3A_1153 = arith.xori %iota3A_1122, %xor3A_1152 : vector<16xi32>
      %lt3A_1154 = arith.constant 0 : i32
      %lt3A_1155 = vector.broadcast %lt3A_1154 : i32 to vector<16xi32>
      %lt3A_1156 = arith.cmpi slt, %xor3A_1153, %lt3A_1155 : vector<16xi32>
      %add3A_1157 = arith.constant 16 : i32
      %add3A_1158 = vector.broadcast %add3A_1157 : i32 to vector<16xi32>
      %add3A_1159 = arith.addi %xor3A_1153, %add3A_1158 : vector<16xi32>
      %select_n3A_1160 = arith.select %lt3A_1156, %add3A_1159, %xor3A_1153 : vector<16xi1>, vector<16xi32>
      %broadcast_in_dim3A_1161 = vector.shape_cast %select_n3A_1160 : vector<16xi32> to vector<16x1xi32>
      %gather3A_1162 = vector.shape_cast %broadcast_in_dim3A_1161 : vector<16x1xi32> to vector<16xi32>
      %gather3A_1163 = tpu.dynamic_gather %min3A_1150[%gather3A_1162] in [0] : vector<16xf32>, vector<16xi32> -> vector<16xf32>
      %min3A_1164 = arith.minimumf %min3A_1150, %gather3A_1163 : vector<16xf32>
      %xor3A_1165 = arith.constant 1 : i32
      %xor3A_1166 = vector.broadcast %xor3A_1165 : i32 to vector<16xi32>
      %xor3A_1167 = arith.xori %iota3A_1122, %xor3A_1166 : vector<16xi32>
      %lt3A_1168 = arith.constant 0 : i32
      %lt3A_1169 = vector.broadcast %lt3A_1168 : i32 to vector<16xi32>
      %lt3A_1170 = arith.cmpi slt, %xor3A_1167, %lt3A_1169 : vector<16xi32>
      %add3A_1171 = arith.constant 16 : i32
      %add3A_1172 = vector.broadcast %add3A_1171 : i32 to vector<16xi32>
      %add3A_1173 = arith.addi %xor3A_1167, %add3A_1172 : vector<16xi32>
      %select_n3A_1174 = arith.select %lt3A_1170, %add3A_1173, %xor3A_1167 : vector<16xi1>, vector<16xi32>
      %broadcast_in_dim3A_1175 = vector.shape_cast %select_n3A_1174 : vector<16xi32> to vector<16x1xi32>
      %gather3A_1176 = vector.shape_cast %broadcast_in_dim3A_1175 : vector<16x1xi32> to vector<16xi32>
      %gather3A_1177 = tpu.dynamic_gather %min3A_1164[%gather3A_1176] in [0] : vector<16xf32>, vector<16xi32> -> vector<16xf32>
      %min3A_1178 = arith.minimumf %min3A_1164, %gather3A_1177 : vector<16xf32>
      %slice3A_1179 = vector.extract_strided_slice %min3A_1178 {offsets = [0], sizes = [1], strides = [1]} : vector<16xf32> to vector<1xf32>
      %squeeze3A_1180 = vector.extract %slice3A_1179[0] : f32 from vector<1xf32>
      %add3A_1181 = arith.addf %add3A_1121, %squeeze3A_1180 : f32
      %iota3A_1182 = tpu.iota {dimensions = array<i32: 0>} : vector<16xi32>
      %xor3A_1183 = arith.constant 8 : i32
      %xor3A_1184 = vector.broadcast %xor3A_1183 : i32 to vector<16xi32>
      %xor3A_1185 = arith.xori %iota3A_1182, %xor3A_1184 : vector<16xi32>
      %lt3A_1186 = arith.constant 0 : i32
      %lt3A_1187 = vector.broadcast %lt3A_1186 : i32 to vector<16xi32>
      %lt3A_1188 = arith.cmpi slt, %xor3A_1185, %lt3A_1187 : vector<16xi32>
      %add3A_1189 = arith.constant 16 : i32
      %add3A_1190 = vector.broadcast %add3A_1189 : i32 to vector<16xi32>
      %add3A_1191 = arith.addi %xor3A_1185, %add3A_1190 : vector<16xi32>
      %select_n3A_1192 = arith.select %lt3A_1188, %add3A_1191, %xor3A_1185 : vector<16xi1>, vector<16xi32>
      %broadcast_in_dim3A_1193 = vector.shape_cast %select_n3A_1192 : vector<16xi32> to vector<16x1xi32>
      %gather3A_1194 = vector.shape_cast %broadcast_in_dim3A_1193 : vector<16x1xi32> to vector<16xi32>
      %gather3A_1195 = tpu.dynamic_gather %scan3A_760#7[%gather3A_1194] in [0] : vector<16xf32>, vector<16xi32> -> vector<16xf32>
      %min3A_1196 = arith.minimumf %scan3A_760#7, %gather3A_1195 : vector<16xf32>
      %xor3A_1197 = arith.constant 4 : i32
      %xor3A_1198 = vector.broadcast %xor3A_1197 : i32 to vector<16xi32>
      %xor3A_1199 = arith.xori %iota3A_1182, %xor3A_1198 : vector<16xi32>
      %lt3A_1200 = arith.constant 0 : i32
      %lt3A_1201 = vector.broadcast %lt3A_1200 : i32 to vector<16xi32>
      %lt3A_1202 = arith.cmpi slt, %xor3A_1199, %lt3A_1201 : vector<16xi32>
      %add3A_1203 = arith.constant 16 : i32
      %add3A_1204 = vector.broadcast %add3A_1203 : i32 to vector<16xi32>
      %add3A_1205 = arith.addi %xor3A_1199, %add3A_1204 : vector<16xi32>
      %select_n3A_1206 = arith.select %lt3A_1202, %add3A_1205, %xor3A_1199 : vector<16xi1>, vector<16xi32>
      %broadcast_in_dim3A_1207 = vector.shape_cast %select_n3A_1206 : vector<16xi32> to vector<16x1xi32>
      %gather3A_1208 = vector.shape_cast %broadcast_in_dim3A_1207 : vector<16x1xi32> to vector<16xi32>
      %gather3A_1209 = tpu.dynamic_gather %min3A_1196[%gather3A_1208] in [0] : vector<16xf32>, vector<16xi32> -> vector<16xf32>
      %min3A_1210 = arith.minimumf %min3A_1196, %gather3A_1209 : vector<16xf32>
      %xor3A_1211 = arith.constant 2 : i32
      %xor3A_1212 = vector.broadcast %xor3A_1211 : i32 to vector<16xi32>
      %xor3A_1213 = arith.xori %iota3A_1182, %xor3A_1212 : vector<16xi32>
      %lt3A_1214 = arith.constant 0 : i32
      %lt3A_1215 = vector.broadcast %lt3A_1214 : i32 to vector<16xi32>
      %lt3A_1216 = arith.cmpi slt, %xor3A_1213, %lt3A_1215 : vector<16xi32>
      %add3A_1217 = arith.constant 16 : i32
      %add3A_1218 = vector.broadcast %add3A_1217 : i32 to vector<16xi32>
      %add3A_1219 = arith.addi %xor3A_1213, %add3A_1218 : vector<16xi32>
      %select_n3A_1220 = arith.select %lt3A_1216, %add3A_1219, %xor3A_1213 : vector<16xi1>, vector<16xi32>
      %broadcast_in_dim3A_1221 = vector.shape_cast %select_n3A_1220 : vector<16xi32> to vector<16x1xi32>
      %gather3A_1222 = vector.shape_cast %broadcast_in_dim3A_1221 : vector<16x1xi32> to vector<16xi32>
      %gather3A_1223 = tpu.dynamic_gather %min3A_1210[%gather3A_1222] in [0] : vector<16xf32>, vector<16xi32> -> vector<16xf32>
      %min3A_1224 = arith.minimumf %min3A_1210, %gather3A_1223 : vector<16xf32>
      %xor3A_1225 = arith.constant 1 : i32
      %xor3A_1226 = vector.broadcast %xor3A_1225 : i32 to vector<16xi32>
      %xor3A_1227 = arith.xori %iota3A_1182, %xor3A_1226 : vector<16xi32>
      %lt3A_1228 = arith.constant 0 : i32
      %lt3A_1229 = vector.broadcast %lt3A_1228 : i32 to vector<16xi32>
      %lt3A_1230 = arith.cmpi slt, %xor3A_1227, %lt3A_1229 : vector<16xi32>
      %add3A_1231 = arith.constant 16 : i32
      %add3A_1232 = vector.broadcast %add3A_1231 : i32 to vector<16xi32>
      %add3A_1233 = arith.addi %xor3A_1227, %add3A_1232 : vector<16xi32>
      %select_n3A_1234 = arith.select %lt3A_1230, %add3A_1233, %xor3A_1227 : vector<16xi1>, vector<16xi32>
      %broadcast_in_dim3A_1235 = vector.shape_cast %select_n3A_1234 : vector<16xi32> to vector<16x1xi32>
      %gather3A_1236 = vector.shape_cast %broadcast_in_dim3A_1235 : vector<16x1xi32> to vector<16xi32>
      %gather3A_1237 = tpu.dynamic_gather %min3A_1224[%gather3A_1236] in [0] : vector<16xf32>, vector<16xi32> -> vector<16xf32>
      %min3A_1238 = arith.minimumf %min3A_1224, %gather3A_1237 : vector<16xf32>
      %slice3A_1239 = vector.extract_strided_slice %min3A_1238 {offsets = [0], sizes = [1], strides = [1]} : vector<16xf32> to vector<1xf32>
      %squeeze3A_1240 = vector.extract %slice3A_1239[0] : f32 from vector<1xf32>
      %add3A_1241 = arith.addf %add3A_1181, %squeeze3A_1240 : f32
      scf.yield %add3A_1241 : f32
    }
    %scan3A_59 = arith.constant 4 : i32
    %broadcast_in_dim3A = vector.broadcast %scan3A_58 : f32 to vector<16xf32>
    "tpu.region"() ({
      %run_scoped3A_60 = memref.alloca() : memref<16xf32, #tpu.memory_space<vmem>>
      %swap3A = arith.constant 0 : index
      %swap3A_61 = tpu.vector_load %run_scoped3A_60[%swap3A] {strides = array<i32>} : memref<16xf32, #tpu.memory_space<vmem>>, vector<16xf32>,
      %swap3A_62 = vector.shape_cast %swap3A_61 : vector<16xf32> to vector<16xf32>
      %swap3A_63 = vector.shape_cast %broadcast_in_dim3A : vector<16xf32> to vector<16xf32>
      tpu.vector_store %run_scoped3A_60[%swap3A], %swap3A_63 {strides = array<i32>} : memref<16xf32, #tpu.memory_space<vmem>>, vector<16xf32>,
      "tpu.region"() ({
        %run_scoped3A_64 = tpu.sem_alloc : memref<!tpu.dma_semaphore, #tpu.memory_space<semaphore_mem>>
        %dma_start3A = arith.constant 0 : i32
        %dma_start3A_65 = tpu.memref_slice %arg6[%add3A, %dma_start3A] : memref<32x16xf32, #tpu.memory_space<hbm>> -> memref<1x16xf32, #tpu.memory_space<hbm>>
        %dma_start3A_66 = tpu.memref_squeeze %dma_start3A_65 : memref<1x16xf32, #tpu.memory_space<hbm>> -> memref<16xf32, #tpu.memory_space<hbm>>
        %dma_start3A_67 = arith.constant 0 : i32
        %dma_start3A_68 = tpu.memref_slice %arg6[%add3A, %dma_start3A_67] : memref<32x16xf32, #tpu.memory_space<hbm>> -> memref<1x16xf32, #tpu.memory_space<hbm>>
        %dma_start3A_69 = tpu.memref_squeeze %dma_start3A_68 : memref<1x16xf32, #tpu.memory_space<hbm>> -> memref<16xf32, #tpu.memory_space<hbm>>
        tpu.enqueue_dma source(%run_scoped3A_60 : memref<16xf32, #tpu.memory_space<vmem>>) target(%dma_start3A_69 : memref<16xf32, #tpu.memory_space<hbm>>) target_semaphore(%run_scoped3A_64 : memref<!tpu.dma_semaphore, #tpu.memory_space<semaphore_mem>>)
        %dma_wait3A = arith.constant 0 : i32
        %dma_wait3A_70 = tpu.memref_slice %arg6[%add3A, %dma_wait3A] : memref<32x16xf32, #tpu.memory_space<hbm>> -> memref<1x16xf32, #tpu.memory_space<hbm>>
        %dma_wait3A_71 = tpu.memref_squeeze %dma_wait3A_70 : memref<1x16xf32, #tpu.memory_space<hbm>> -> memref<16xf32, #tpu.memory_space<hbm>>
        %dma_wait3A_72 = arith.constant 0 : i32
        %dma_wait3A_73 = tpu.memref_slice %arg6[%add3A, %dma_wait3A_72] : memref<32x16xf32, #tpu.memory_space<hbm>> -> memref<1x16xf32, #tpu.memory_space<hbm>>
        %dma_wait3A_74 = tpu.memref_squeeze %dma_wait3A_73 : memref<1x16xf32, #tpu.memory_space<hbm>> -> memref<16xf32, #tpu.memory_space<hbm>>
        tpu.wait_dma2 semaphore(%run_scoped3A_64 : memref<!tpu.dma_semaphore, #tpu.memory_space<semaphore_mem>>) src(%run_scoped3A_60 : memref<16xf32, #tpu.memory_space<vmem>>) dst(%dma_wait3A_74 : memref<16xf32, #tpu.memory_space<hbm>>)
        tpu.yield
      }) : () -> ()
      tpu.yield
    }) : () -> ()
    return
  }
}

module attributes {stable_mosaic.version = 14 : i64} {
  func.func @_chamfer_tc_body(%arg0: memref<4x3x4096xf32, #tpu.memory_space<vmem>>, %arg1: memref<4x3x4096xf32, #tpu.memory_space<vmem>>, %arg2: memref<4xf32, #tpu.memory_space<smem>>) attributes {dimension_semantics = [], scalar_prefetch = 0 : i64, scratch_operands = 0 : i64, tpu.core_type = #tpu.core_type<tc>} {
    %get3A = arith.constant 0 : index
    %get3A_0 = arith.constant 0 : index
    %get3A_1 = arith.constant 0 : index
    %get3A_2 = vector.load %arg0[%get3A, %get3A_0, %get3A_1] : memref<4x3x4096xf32, #tpu.memory_space<vmem>>, vector<1x3x4096xf32>
    %get3A_3 = vector.shape_cast %get3A_2 : vector<1x3x4096xf32> to vector<3x4096xf32>
    %get3A_4 = arith.constant 0 : index
    %get3A_5 = arith.constant 0 : index
    %get3A_6 = arith.constant 0 : index
    %get3A_7 = vector.load %arg1[%get3A_4, %get3A_5, %get3A_6] : memref<4x3x4096xf32, #tpu.memory_space<vmem>>, vector<1x3x4096xf32>
    %get3A_8 = vector.shape_cast %get3A_7 : vector<1x3x4096xf32> to vector<3x4096xf32>
    %mul3A = arith.mulf %get3A_8, %get3A_8 : vector<3x4096xf32>
    %reduce_sum3A = arith.constant dense<0.000000e+00> : vector<4096xf32>
    %reduce_sum3A_9 = vector.multi_reduction <add>, %mul3A, %reduce_sum3A [0] : vector<3x4096xf32> to vector<4096xf32>
    %broadcast_in_dim3A = vector.shape_cast %reduce_sum3A_9 : vector<4096xf32> to vector<1x4096xf32>
    %bitcast_convert_type3A = tpu.bitcast %broadcast_in_dim3A : vector<1x4096xf32> -> vector<1x4096xi32>
    %shift_right_logical3A = arith.constant 16 : i32
    %shift_right_logical3A_10 = vector.broadcast %shift_right_logical3A : i32 to vector<1x4096xi32>
    %shift_right_logical3A_11 = arith.shrui %bitcast_convert_type3A, %shift_right_logical3A_10 : vector<1x4096xi32>
    %and3A = arith.constant 1 : i32
    %and3A_12 = vector.broadcast %and3A : i32 to vector<1x4096xi32>
    %and3A_13 = arith.andi %shift_right_logical3A_11, %and3A_12 : vector<1x4096xi32>
    %add3A = arith.constant 32767 : i32
    %add3A_14 = vector.broadcast %add3A : i32 to vector<1x4096xi32>
    %add3A_15 = arith.addi %bitcast_convert_type3A, %add3A_14 : vector<1x4096xi32>
    %add3A_16 = arith.addi %add3A_15, %and3A_13 : vector<1x4096xi32>
    %and3A_17 = arith.constant -65536 : i32
    %and3A_18 = vector.broadcast %and3A_17 : i32 to vector<1x4096xi32>
    %and3A_19 = arith.andi %add3A_16, %and3A_18 : vector<1x4096xi32>
    %bitcast_convert_type3A_20 = tpu.bitcast %and3A_19 : vector<1x4096xi32> -> vector<1x4096xf32>
    %sub3A = arith.subf %broadcast_in_dim3A, %bitcast_convert_type3A_20 : vector<1x4096xf32>
    %bitcast_convert_type3A_21 = tpu.bitcast %sub3A : vector<1x4096xf32> -> vector<1x4096xi32>
    %shift_right_logical3A_22 = arith.constant 16 : i32
    %shift_right_logical3A_23 = vector.broadcast %shift_right_logical3A_22 : i32 to vector<1x4096xi32>
    %shift_right_logical3A_24 = arith.shrui %bitcast_convert_type3A_21, %shift_right_logical3A_23 : vector<1x4096xi32>
    %and3A_25 = arith.constant 1 : i32
    %and3A_26 = vector.broadcast %and3A_25 : i32 to vector<1x4096xi32>
    %and3A_27 = arith.andi %shift_right_logical3A_24, %and3A_26 : vector<1x4096xi32>
    %add3A_28 = arith.constant 32767 : i32
    %add3A_29 = vector.broadcast %add3A_28 : i32 to vector<1x4096xi32>
    %add3A_30 = arith.addi %bitcast_convert_type3A_21, %add3A_29 : vector<1x4096xi32>
    %add3A_31 = arith.addi %add3A_30, %and3A_27 : vector<1x4096xi32>
    %and3A_32 = arith.constant -65536 : i32
    %and3A_33 = vector.broadcast %and3A_32 : i32 to vector<1x4096xi32>
    %and3A_34 = arith.andi %add3A_31, %and3A_33 : vector<1x4096xi32>
    %bitcast_convert_type3A_35 = tpu.bitcast %and3A_34 : vector<1x4096xi32> -> vector<1x4096xf32>
    %sub3A_36 = arith.subf %broadcast_in_dim3A, %bitcast_convert_type3A_20 : vector<1x4096xf32>
    %sub3A_37 = arith.subf %sub3A_36, %bitcast_convert_type3A_35 : vector<1x4096xf32>
    %concatenate3A = tpu.concatenate %get3A_8, %bitcast_convert_type3A_20, %bitcast_convert_type3A_35, %sub3A_37 in 0 : vector<3x4096xf32>, vector<1x4096xf32>, vector<1x4096xf32>, vector<1x4096xf32> -> vector<6x4096xf32>
    %mul3A_38 = arith.constant -2.000000e+00 : f32
    %mul3A_39 = vector.broadcast %mul3A_38 : f32 to vector<3x4096xf32>
    %mul3A_40 = arith.mulf %get3A_3, %mul3A_39 : vector<3x4096xf32>
    %broadcast_in_dim3A_41 = arith.constant 1.000000e+00 : f32
    %broadcast_in_dim3A_42 = vector.broadcast %broadcast_in_dim3A_41 : f32 to vector<3x4096xf32>
    %concatenate3A_43 = tpu.concatenate %mul3A_40, %broadcast_in_dim3A_42 in 0 : vector<3x4096xf32>, vector<3x4096xf32> -> vector<6x4096xf32>
    %mul3A_44 = arith.mulf %get3A_3, %get3A_3 : vector<3x4096xf32>
    %reduce_sum3A_45 = arith.constant dense<0.000000e+00> : vector<4096xf32>
    %reduce_sum3A_46 = vector.multi_reduction <add>, %mul3A_44, %reduce_sum3A_45 [0] : vector<3x4096xf32> to vector<4096xf32>
    %broadcast_in_dim3A_47 = vector.shape_cast %reduce_sum3A_46 : vector<4096xf32> to vector<1x4096xf32>
    %slice3A = vector.extract_strided_slice %concatenate3A_43 {offsets = [0, 0], sizes = [6, 1792], strides = [1, 1]} : vector<6x4096xf32> to vector<6x1792xf32>
    %dot_general3A = arith.constant dense<0.000000e+00> : vector<4096x1792xf32>
    %dot_general3A_48 = tpu.matmul %concatenate3A, %slice3A, %dot_general3A {dimension_numbers = #tpu.dot_dimension_numbers<[0], [0], [1], [1], [0, 1, 1, 1], [], []>, transpose_lhs_hint = false} : vector<6x4096xf32>, vector<6x1792xf32>, vector<4096x1792xf32> -> vector<4096x1792xf32>
    %reduce_min3A = arith.constant dense<0x7F800000> : vector<1792xf32>
    %reduce_min3A_49 = vector.multi_reduction <minimumf>, %dot_general3A_48, %reduce_min3A [0] : vector<4096x1792xf32> to vector<1792xf32>
    %broadcast_in_dim3A_50 = vector.shape_cast %reduce_min3A_49 : vector<1792xf32> to vector<1x1792xf32>
    %reduce_sum3A_51 = vector.shape_cast %broadcast_in_dim3A_50 : vector<1x1792xf32> to vector<1x1x1792xf32>
    %reduce_sum3A_52 = arith.constant dense<0.000000e+00> : vector<1xf32>
    %reduce_sum3A_53 = vector.multi_reduction <add>, %reduce_sum3A_51, %reduce_sum3A_52 [1, 2] : vector<1x1x1792xf32> to vector<1xf32>
    %reduce_sum3A_54 = vector.shape_cast %reduce_sum3A_53 : vector<1xf32> to vector<1x1x1xf32>
    %reduce_sum3A_55 = vector.extract %reduce_sum3A_54[0, 0, 0] : f32 from vector<1x1x1xf32>
    %add3A_56 = arith.constant 0.000000e+00 : f32
    %add3A_57 = arith.addf %add3A_56, %reduce_sum3A_55 : f32
    %slice3A_58 = vector.extract_strided_slice %broadcast_in_dim3A_47 {offsets = [0, 0], sizes = [1, 1792], strides = [1, 1]} : vector<1x4096xf32> to vector<1x1792xf32>
    %reduce_sum3A_59 = vector.shape_cast %slice3A_58 : vector<1x1792xf32> to vector<1x1x1792xf32>
    %reduce_sum3A_60 = arith.constant dense<0.000000e+00> : vector<1xf32>
    %reduce_sum3A_61 = vector.multi_reduction <add>, %reduce_sum3A_59, %reduce_sum3A_60 [1, 2] : vector<1x1x1792xf32> to vector<1xf32>
    %reduce_sum3A_62 = vector.shape_cast %reduce_sum3A_61 : vector<1xf32> to vector<1x1x1xf32>
    %reduce_sum3A_63 = vector.extract %reduce_sum3A_62[0, 0, 0] : f32 from vector<1x1x1xf32>
    %add3A_64 = arith.addf %add3A_57, %reduce_sum3A_63 : f32
    %slice3A_65 = vector.extract_strided_slice %concatenate3A_43 {offsets = [0, 1792], sizes = [6, 1792], strides = [1, 1]} : vector<6x4096xf32> to vector<6x1792xf32>
    %dot_general3A_66 = arith.constant dense<0.000000e+00> : vector<4096x1792xf32>
    %dot_general3A_67 = tpu.matmul %concatenate3A, %slice3A_65, %dot_general3A_66 {dimension_numbers = #tpu.dot_dimension_numbers<[0], [0], [1], [1], [0, 1, 1, 1], [], []>, transpose_lhs_hint = false} : vector<6x4096xf32>, vector<6x1792xf32>, vector<4096x1792xf32> -> vector<4096x1792xf32>
    %reduce_min3A_68 = arith.constant dense<0x7F800000> : vector<1792xf32>
    %reduce_min3A_69 = vector.multi_reduction <minimumf>, %dot_general3A_67, %reduce_min3A_68 [0] : vector<4096x1792xf32> to vector<1792xf32>
    %broadcast_in_dim3A_70 = vector.shape_cast %reduce_min3A_69 : vector<1792xf32> to vector<1x1792xf32>
    %reduce_sum3A_71 = vector.shape_cast %broadcast_in_dim3A_70 : vector<1x1792xf32> to vector<1x1x1792xf32>
    %reduce_sum3A_72 = arith.constant dense<0.000000e+00> : vector<1xf32>
    %reduce_sum3A_73 = vector.multi_reduction <add>, %reduce_sum3A_71, %reduce_sum3A_72 [1, 2] : vector<1x1x1792xf32> to vector<1xf32>
    %reduce_sum3A_74 = vector.shape_cast %reduce_sum3A_73 : vector<1xf32> to vector<1x1x1xf32>
    %reduce_sum3A_75 = vector.extract %reduce_sum3A_74[0, 0, 0] : f32 from vector<1x1x1xf32>
    %add3A_76 = arith.addf %add3A_64, %reduce_sum3A_75 : f32
    %slice3A_77 = vector.extract_strided_slice %broadcast_in_dim3A_47 {offsets = [0, 1792], sizes = [1, 1792], strides = [1, 1]} : vector<1x4096xf32> to vector<1x1792xf32>
    %reduce_sum3A_78 = vector.shape_cast %slice3A_77 : vector<1x1792xf32> to vector<1x1x1792xf32>
    %reduce_sum3A_79 = arith.constant dense<0.000000e+00> : vector<1xf32>
    %reduce_sum3A_80 = vector.multi_reduction <add>, %reduce_sum3A_78, %reduce_sum3A_79 [1, 2] : vector<1x1x1792xf32> to vector<1xf32>
    %reduce_sum3A_81 = vector.shape_cast %reduce_sum3A_80 : vector<1xf32> to vector<1x1x1xf32>
    %reduce_sum3A_82 = vector.extract %reduce_sum3A_81[0, 0, 0] : f32 from vector<1x1x1xf32>
    %add3A_83 = arith.addf %add3A_76, %reduce_sum3A_82 : f32
    %swap3A = arith.constant 0 : index
    %swap3A_84 = memref.load %arg2[%swap3A] : memref<4xf32, #tpu.memory_space<smem>>
    memref.store %add3A_83, %arg2[%swap3A] : memref<4xf32, #tpu.memory_space<smem>>
    %get3A_85 = arith.constant 1 : index
    %get3A_86 = arith.constant 0 : index
    %get3A_87 = arith.constant 0 : index
    %get3A_88 = vector.load %arg0[%get3A_85, %get3A_86, %get3A_87] : memref<4x3x4096xf32, #tpu.memory_space<vmem>>, vector<1x3x4096xf32>
    %get3A_89 = vector.shape_cast %get3A_88 : vector<1x3x4096xf32> to vector<3x4096xf32>
    %get3A_90 = arith.constant 1 : index
    %get3A_91 = arith.constant 0 : index
    %get3A_92 = arith.constant 0 : index
    %get3A_93 = vector.load %arg1[%get3A_90, %get3A_91, %get3A_92] : memref<4x3x4096xf32, #tpu.memory_space<vmem>>, vector<1x3x4096xf32>
    %get3A_94 = vector.shape_cast %get3A_93 : vector<1x3x4096xf32> to vector<3x4096xf32>
    %mul3A_95 = arith.mulf %get3A_94, %get3A_94 : vector<3x4096xf32>
    %reduce_sum3A_96 = arith.constant dense<0.000000e+00> : vector<4096xf32>
    %reduce_sum3A_97 = vector.multi_reduction <add>, %mul3A_95, %reduce_sum3A_96 [0] : vector<3x4096xf32> to vector<4096xf32>
    %broadcast_in_dim3A_98 = vector.shape_cast %reduce_sum3A_97 : vector<4096xf32> to vector<1x4096xf32>
    %bitcast_convert_type3A_99 = tpu.bitcast %broadcast_in_dim3A_98 : vector<1x4096xf32> -> vector<1x4096xi32>
    %shift_right_logical3A_100 = arith.constant 16 : i32
    %shift_right_logical3A_101 = vector.broadcast %shift_right_logical3A_100 : i32 to vector<1x4096xi32>
    %shift_right_logical3A_102 = arith.shrui %bitcast_convert_type3A_99, %shift_right_logical3A_101 : vector<1x4096xi32>
    %and3A_103 = arith.constant 1 : i32
    %and3A_104 = vector.broadcast %and3A_103 : i32 to vector<1x4096xi32>
    %and3A_105 = arith.andi %shift_right_logical3A_102, %and3A_104 : vector<1x4096xi32>
    %add3A_106 = arith.constant 32767 : i32
    %add3A_107 = vector.broadcast %add3A_106 : i32 to vector<1x4096xi32>
    %add3A_108 = arith.addi %bitcast_convert_type3A_99, %add3A_107 : vector<1x4096xi32>
    %add3A_109 = arith.addi %add3A_108, %and3A_105 : vector<1x4096xi32>
    %and3A_110 = arith.constant -65536 : i32
    %and3A_111 = vector.broadcast %and3A_110 : i32 to vector<1x4096xi32>
    %and3A_112 = arith.andi %add3A_109, %and3A_111 : vector<1x4096xi32>
    %bitcast_convert_type3A_113 = tpu.bitcast %and3A_112 : vector<1x4096xi32> -> vector<1x4096xf32>
    %sub3A_114 = arith.subf %broadcast_in_dim3A_98, %bitcast_convert_type3A_113 : vector<1x4096xf32>
    %bitcast_convert_type3A_115 = tpu.bitcast %sub3A_114 : vector<1x4096xf32> -> vector<1x4096xi32>
    %shift_right_logical3A_116 = arith.constant 16 : i32
    %shift_right_logical3A_117 = vector.broadcast %shift_right_logical3A_116 : i32 to vector<1x4096xi32>
    %shift_right_logical3A_118 = arith.shrui %bitcast_convert_type3A_115, %shift_right_logical3A_117 : vector<1x4096xi32>
    %and3A_119 = arith.constant 1 : i32
    %and3A_120 = vector.broadcast %and3A_119 : i32 to vector<1x4096xi32>
    %and3A_121 = arith.andi %shift_right_logical3A_118, %and3A_120 : vector<1x4096xi32>
    %add3A_122 = arith.constant 32767 : i32
    %add3A_123 = vector.broadcast %add3A_122 : i32 to vector<1x4096xi32>
    %add3A_124 = arith.addi %bitcast_convert_type3A_115, %add3A_123 : vector<1x4096xi32>
    %add3A_125 = arith.addi %add3A_124, %and3A_121 : vector<1x4096xi32>
    %and3A_126 = arith.constant -65536 : i32
    %and3A_127 = vector.broadcast %and3A_126 : i32 to vector<1x4096xi32>
    %and3A_128 = arith.andi %add3A_125, %and3A_127 : vector<1x4096xi32>
    %bitcast_convert_type3A_129 = tpu.bitcast %and3A_128 : vector<1x4096xi32> -> vector<1x4096xf32>
    %sub3A_130 = arith.subf %broadcast_in_dim3A_98, %bitcast_convert_type3A_113 : vector<1x4096xf32>
    %sub3A_131 = arith.subf %sub3A_130, %bitcast_convert_type3A_129 : vector<1x4096xf32>
    %concatenate3A_132 = tpu.concatenate %get3A_94, %bitcast_convert_type3A_113, %bitcast_convert_type3A_129, %sub3A_131 in 0 : vector<3x4096xf32>, vector<1x4096xf32>, vector<1x4096xf32>, vector<1x4096xf32> -> vector<6x4096xf32>
    %mul3A_133 = arith.constant -2.000000e+00 : f32
    %mul3A_134 = vector.broadcast %mul3A_133 : f32 to vector<3x4096xf32>
    %mul3A_135 = arith.mulf %get3A_89, %mul3A_134 : vector<3x4096xf32>
    %broadcast_in_dim3A_136 = arith.constant 1.000000e+00 : f32
    %broadcast_in_dim3A_137 = vector.broadcast %broadcast_in_dim3A_136 : f32 to vector<3x4096xf32>
    %concatenate3A_138 = tpu.concatenate %mul3A_135, %broadcast_in_dim3A_137 in 0 : vector<3x4096xf32>, vector<3x4096xf32> -> vector<6x4096xf32>
    %mul3A_139 = arith.mulf %get3A_89, %get3A_89 : vector<3x4096xf32>
    %reduce_sum3A_140 = arith.constant dense<0.000000e+00> : vector<4096xf32>
    %reduce_sum3A_141 = vector.multi_reduction <add>, %mul3A_139, %reduce_sum3A_140 [0] : vector<3x4096xf32> to vector<4096xf32>
    %broadcast_in_dim3A_142 = vector.shape_cast %reduce_sum3A_141 : vector<4096xf32> to vector<1x4096xf32>
    %slice3A_143 = vector.extract_strided_slice %concatenate3A_138 {offsets = [0, 0], sizes = [6, 1792], strides = [1, 1]} : vector<6x4096xf32> to vector<6x1792xf32>
    %dot_general3A_144 = arith.constant dense<0.000000e+00> : vector<4096x1792xf32>
    %dot_general3A_145 = tpu.matmul %concatenate3A_132, %slice3A_143, %dot_general3A_144 {dimension_numbers = #tpu.dot_dimension_numbers<[0], [0], [1], [1], [0, 1, 1, 1], [], []>, transpose_lhs_hint = false} : vector<6x4096xf32>, vector<6x1792xf32>, vector<4096x1792xf32> -> vector<4096x1792xf32>
    %reduce_min3A_146 = arith.constant dense<0x7F800000> : vector<1792xf32>
    %reduce_min3A_147 = vector.multi_reduction <minimumf>, %dot_general3A_145, %reduce_min3A_146 [0] : vector<4096x1792xf32> to vector<1792xf32>
    %broadcast_in_dim3A_148 = vector.shape_cast %reduce_min3A_147 : vector<1792xf32> to vector<1x1792xf32>
    %reduce_sum3A_149 = vector.shape_cast %broadcast_in_dim3A_148 : vector<1x1792xf32> to vector<1x1x1792xf32>
    %reduce_sum3A_150 = arith.constant dense<0.000000e+00> : vector<1xf32>
    %reduce_sum3A_151 = vector.multi_reduction <add>, %reduce_sum3A_149, %reduce_sum3A_150 [1, 2] : vector<1x1x1792xf32> to vector<1xf32>
    %reduce_sum3A_152 = vector.shape_cast %reduce_sum3A_151 : vector<1xf32> to vector<1x1x1xf32>
    %reduce_sum3A_153 = vector.extract %reduce_sum3A_152[0, 0, 0] : f32 from vector<1x1x1xf32>
    %add3A_154 = arith.constant 0.000000e+00 : f32
    %add3A_155 = arith.addf %add3A_154, %reduce_sum3A_153 : f32
    %slice3A_156 = vector.extract_strided_slice %broadcast_in_dim3A_142 {offsets = [0, 0], sizes = [1, 1792], strides = [1, 1]} : vector<1x4096xf32> to vector<1x1792xf32>
    %reduce_sum3A_157 = vector.shape_cast %slice3A_156 : vector<1x1792xf32> to vector<1x1x1792xf32>
    %reduce_sum3A_158 = arith.constant dense<0.000000e+00> : vector<1xf32>
    %reduce_sum3A_159 = vector.multi_reduction <add>, %reduce_sum3A_157, %reduce_sum3A_158 [1, 2] : vector<1x1x1792xf32> to vector<1xf32>
    %reduce_sum3A_160 = vector.shape_cast %reduce_sum3A_159 : vector<1xf32> to vector<1x1x1xf32>
    %reduce_sum3A_161 = vector.extract %reduce_sum3A_160[0, 0, 0] : f32 from vector<1x1x1xf32>
    %add3A_162 = arith.addf %add3A_155, %reduce_sum3A_161 : f32
    %slice3A_163 = vector.extract_strided_slice %concatenate3A_138 {offsets = [0, 1792], sizes = [6, 1792], strides = [1, 1]} : vector<6x4096xf32> to vector<6x1792xf32>
    %dot_general3A_164 = arith.constant dense<0.000000e+00> : vector<4096x1792xf32>
    %dot_general3A_165 = tpu.matmul %concatenate3A_132, %slice3A_163, %dot_general3A_164 {dimension_numbers = #tpu.dot_dimension_numbers<[0], [0], [1], [1], [0, 1, 1, 1], [], []>, transpose_lhs_hint = false} : vector<6x4096xf32>, vector<6x1792xf32>, vector<4096x1792xf32> -> vector<4096x1792xf32>
    %reduce_min3A_166 = arith.constant dense<0x7F800000> : vector<1792xf32>
    %reduce_min3A_167 = vector.multi_reduction <minimumf>, %dot_general3A_165, %reduce_min3A_166 [0] : vector<4096x1792xf32> to vector<1792xf32>
    %broadcast_in_dim3A_168 = vector.shape_cast %reduce_min3A_167 : vector<1792xf32> to vector<1x1792xf32>
    %reduce_sum3A_169 = vector.shape_cast %broadcast_in_dim3A_168 : vector<1x1792xf32> to vector<1x1x1792xf32>
    %reduce_sum3A_170 = arith.constant dense<0.000000e+00> : vector<1xf32>
    %reduce_sum3A_171 = vector.multi_reduction <add>, %reduce_sum3A_169, %reduce_sum3A_170 [1, 2] : vector<1x1x1792xf32> to vector<1xf32>
    %reduce_sum3A_172 = vector.shape_cast %reduce_sum3A_171 : vector<1xf32> to vector<1x1x1xf32>
    %reduce_sum3A_173 = vector.extract %reduce_sum3A_172[0, 0, 0] : f32 from vector<1x1x1xf32>
    %add3A_174 = arith.addf %add3A_162, %reduce_sum3A_173 : f32
    %slice3A_175 = vector.extract_strided_slice %broadcast_in_dim3A_142 {offsets = [0, 1792], sizes = [1, 1792], strides = [1, 1]} : vector<1x4096xf32> to vector<1x1792xf32>
    %reduce_sum3A_176 = vector.shape_cast %slice3A_175 : vector<1x1792xf32> to vector<1x1x1792xf32>
    %reduce_sum3A_177 = arith.constant dense<0.000000e+00> : vector<1xf32>
    %reduce_sum3A_178 = vector.multi_reduction <add>, %reduce_sum3A_176, %reduce_sum3A_177 [1, 2] : vector<1x1x1792xf32> to vector<1xf32>
    %reduce_sum3A_179 = vector.shape_cast %reduce_sum3A_178 : vector<1xf32> to vector<1x1x1xf32>
    %reduce_sum3A_180 = vector.extract %reduce_sum3A_179[0, 0, 0] : f32 from vector<1x1x1xf32>
    %add3A_181 = arith.addf %add3A_174, %reduce_sum3A_180 : f32
    %swap3A_182 = arith.constant 1 : index
    %swap3A_183 = memref.load %arg2[%swap3A_182] : memref<4xf32, #tpu.memory_space<smem>>
    memref.store %add3A_181, %arg2[%swap3A_182] : memref<4xf32, #tpu.memory_space<smem>>
    %get3A_184 = arith.constant 2 : index
    %get3A_185 = arith.constant 0 : index
    %get3A_186 = arith.constant 0 : index
    %get3A_187 = vector.load %arg0[%get3A_184, %get3A_185, %get3A_186] : memref<4x3x4096xf32, #tpu.memory_space<vmem>>, vector<1x3x4096xf32>
    %get3A_188 = vector.shape_cast %get3A_187 : vector<1x3x4096xf32> to vector<3x4096xf32>
    %get3A_189 = arith.constant 2 : index
    %get3A_190 = arith.constant 0 : index
    %get3A_191 = arith.constant 0 : index
    %get3A_192 = vector.load %arg1[%get3A_189, %get3A_190, %get3A_191] : memref<4x3x4096xf32, #tpu.memory_space<vmem>>, vector<1x3x4096xf32>
    %get3A_193 = vector.shape_cast %get3A_192 : vector<1x3x4096xf32> to vector<3x4096xf32>
    %mul3A_194 = arith.mulf %get3A_193, %get3A_193 : vector<3x4096xf32>
    %reduce_sum3A_195 = arith.constant dense<0.000000e+00> : vector<4096xf32>
    %reduce_sum3A_196 = vector.multi_reduction <add>, %mul3A_194, %reduce_sum3A_195 [0] : vector<3x4096xf32> to vector<4096xf32>
    %broadcast_in_dim3A_197 = vector.shape_cast %reduce_sum3A_196 : vector<4096xf32> to vector<1x4096xf32>
    %bitcast_convert_type3A_198 = tpu.bitcast %broadcast_in_dim3A_197 : vector<1x4096xf32> -> vector<1x4096xi32>
    %shift_right_logical3A_199 = arith.constant 16 : i32
    %shift_right_logical3A_200 = vector.broadcast %shift_right_logical3A_199 : i32 to vector<1x4096xi32>
    %shift_right_logical3A_201 = arith.shrui %bitcast_convert_type3A_198, %shift_right_logical3A_200 : vector<1x4096xi32>
    %and3A_202 = arith.constant 1 : i32
    %and3A_203 = vector.broadcast %and3A_202 : i32 to vector<1x4096xi32>
    %and3A_204 = arith.andi %shift_right_logical3A_201, %and3A_203 : vector<1x4096xi32>
    %add3A_205 = arith.constant 32767 : i32
    %add3A_206 = vector.broadcast %add3A_205 : i32 to vector<1x4096xi32>
    %add3A_207 = arith.addi %bitcast_convert_type3A_198, %add3A_206 : vector<1x4096xi32>
    %add3A_208 = arith.addi %add3A_207, %and3A_204 : vector<1x4096xi32>
    %and3A_209 = arith.constant -65536 : i32
    %and3A_210 = vector.broadcast %and3A_209 : i32 to vector<1x4096xi32>
    %and3A_211 = arith.andi %add3A_208, %and3A_210 : vector<1x4096xi32>
    %bitcast_convert_type3A_212 = tpu.bitcast %and3A_211 : vector<1x4096xi32> -> vector<1x4096xf32>
    %sub3A_213 = arith.subf %broadcast_in_dim3A_197, %bitcast_convert_type3A_212 : vector<1x4096xf32>
    %bitcast_convert_type3A_214 = tpu.bitcast %sub3A_213 : vector<1x4096xf32> -> vector<1x4096xi32>
    %shift_right_logical3A_215 = arith.constant 16 : i32
    %shift_right_logical3A_216 = vector.broadcast %shift_right_logical3A_215 : i32 to vector<1x4096xi32>
    %shift_right_logical3A_217 = arith.shrui %bitcast_convert_type3A_214, %shift_right_logical3A_216 : vector<1x4096xi32>
    %and3A_218 = arith.constant 1 : i32
    %and3A_219 = vector.broadcast %and3A_218 : i32 to vector<1x4096xi32>
    %and3A_220 = arith.andi %shift_right_logical3A_217, %and3A_219 : vector<1x4096xi32>
    %add3A_221 = arith.constant 32767 : i32
    %add3A_222 = vector.broadcast %add3A_221 : i32 to vector<1x4096xi32>
    %add3A_223 = arith.addi %bitcast_convert_type3A_214, %add3A_222 : vector<1x4096xi32>
    %add3A_224 = arith.addi %add3A_223, %and3A_220 : vector<1x4096xi32>
    %and3A_225 = arith.constant -65536 : i32
    %and3A_226 = vector.broadcast %and3A_225 : i32 to vector<1x4096xi32>
    %and3A_227 = arith.andi %add3A_224, %and3A_226 : vector<1x4096xi32>
    %bitcast_convert_type3A_228 = tpu.bitcast %and3A_227 : vector<1x4096xi32> -> vector<1x4096xf32>
    %sub3A_229 = arith.subf %broadcast_in_dim3A_197, %bitcast_convert_type3A_212 : vector<1x4096xf32>
    %sub3A_230 = arith.subf %sub3A_229, %bitcast_convert_type3A_228 : vector<1x4096xf32>
    %concatenate3A_231 = tpu.concatenate %get3A_193, %bitcast_convert_type3A_212, %bitcast_convert_type3A_228, %sub3A_230 in 0 : vector<3x4096xf32>, vector<1x4096xf32>, vector<1x4096xf32>, vector<1x4096xf32> -> vector<6x4096xf32>
    %mul3A_232 = arith.constant -2.000000e+00 : f32
    %mul3A_233 = vector.broadcast %mul3A_232 : f32 to vector<3x4096xf32>
    %mul3A_234 = arith.mulf %get3A_188, %mul3A_233 : vector<3x4096xf32>
    %broadcast_in_dim3A_235 = arith.constant 1.000000e+00 : f32
    %broadcast_in_dim3A_236 = vector.broadcast %broadcast_in_dim3A_235 : f32 to vector<3x4096xf32>
    %concatenate3A_237 = tpu.concatenate %mul3A_234, %broadcast_in_dim3A_236 in 0 : vector<3x4096xf32>, vector<3x4096xf32> -> vector<6x4096xf32>
    %mul3A_238 = arith.mulf %get3A_188, %get3A_188 : vector<3x4096xf32>
    %reduce_sum3A_239 = arith.constant dense<0.000000e+00> : vector<4096xf32>
    %reduce_sum3A_240 = vector.multi_reduction <add>, %mul3A_238, %reduce_sum3A_239 [0] : vector<3x4096xf32> to vector<4096xf32>
    %broadcast_in_dim3A_241 = vector.shape_cast %reduce_sum3A_240 : vector<4096xf32> to vector<1x4096xf32>
    %slice3A_242 = vector.extract_strided_slice %concatenate3A_237 {offsets = [0, 0], sizes = [6, 1792], strides = [1, 1]} : vector<6x4096xf32> to vector<6x1792xf32>
    %dot_general3A_243 = arith.constant dense<0.000000e+00> : vector<4096x1792xf32>
    %dot_general3A_244 = tpu.matmul %concatenate3A_231, %slice3A_242, %dot_general3A_243 {dimension_numbers = #tpu.dot_dimension_numbers<[0], [0], [1], [1], [0, 1, 1, 1], [], []>, transpose_lhs_hint = false} : vector<6x4096xf32>, vector<6x1792xf32>, vector<4096x1792xf32> -> vector<4096x1792xf32>
    %reduce_min3A_245 = arith.constant dense<0x7F800000> : vector<1792xf32>
    %reduce_min3A_246 = vector.multi_reduction <minimumf>, %dot_general3A_244, %reduce_min3A_245 [0] : vector<4096x1792xf32> to vector<1792xf32>
    %broadcast_in_dim3A_247 = vector.shape_cast %reduce_min3A_246 : vector<1792xf32> to vector<1x1792xf32>
    %reduce_sum3A_248 = vector.shape_cast %broadcast_in_dim3A_247 : vector<1x1792xf32> to vector<1x1x1792xf32>
    %reduce_sum3A_249 = arith.constant dense<0.000000e+00> : vector<1xf32>
    %reduce_sum3A_250 = vector.multi_reduction <add>, %reduce_sum3A_248, %reduce_sum3A_249 [1, 2] : vector<1x1x1792xf32> to vector<1xf32>
    %reduce_sum3A_251 = vector.shape_cast %reduce_sum3A_250 : vector<1xf32> to vector<1x1x1xf32>
    %reduce_sum3A_252 = vector.extract %reduce_sum3A_251[0, 0, 0] : f32 from vector<1x1x1xf32>
    %add3A_253 = arith.constant 0.000000e+00 : f32
    %add3A_254 = arith.addf %add3A_253, %reduce_sum3A_252 : f32
    %slice3A_255 = vector.extract_strided_slice %broadcast_in_dim3A_241 {offsets = [0, 0], sizes = [1, 1792], strides = [1, 1]} : vector<1x4096xf32> to vector<1x1792xf32>
    %reduce_sum3A_256 = vector.shape_cast %slice3A_255 : vector<1x1792xf32> to vector<1x1x1792xf32>
    %reduce_sum3A_257 = arith.constant dense<0.000000e+00> : vector<1xf32>
    %reduce_sum3A_258 = vector.multi_reduction <add>, %reduce_sum3A_256, %reduce_sum3A_257 [1, 2] : vector<1x1x1792xf32> to vector<1xf32>
    %reduce_sum3A_259 = vector.shape_cast %reduce_sum3A_258 : vector<1xf32> to vector<1x1x1xf32>
    %reduce_sum3A_260 = vector.extract %reduce_sum3A_259[0, 0, 0] : f32 from vector<1x1x1xf32>
    %add3A_261 = arith.addf %add3A_254, %reduce_sum3A_260 : f32
    %slice3A_262 = vector.extract_strided_slice %concatenate3A_237 {offsets = [0, 1792], sizes = [6, 1792], strides = [1, 1]} : vector<6x4096xf32> to vector<6x1792xf32>
    %dot_general3A_263 = arith.constant dense<0.000000e+00> : vector<4096x1792xf32>
    %dot_general3A_264 = tpu.matmul %concatenate3A_231, %slice3A_262, %dot_general3A_263 {dimension_numbers = #tpu.dot_dimension_numbers<[0], [0], [1], [1], [0, 1, 1, 1], [], []>, transpose_lhs_hint = false} : vector<6x4096xf32>, vector<6x1792xf32>, vector<4096x1792xf32> -> vector<4096x1792xf32>
    %reduce_min3A_265 = arith.constant dense<0x7F800000> : vector<1792xf32>
    %reduce_min3A_266 = vector.multi_reduction <minimumf>, %dot_general3A_264, %reduce_min3A_265 [0] : vector<4096x1792xf32> to vector<1792xf32>
    %broadcast_in_dim3A_267 = vector.shape_cast %reduce_min3A_266 : vector<1792xf32> to vector<1x1792xf32>
    %reduce_sum3A_268 = vector.shape_cast %broadcast_in_dim3A_267 : vector<1x1792xf32> to vector<1x1x1792xf32>
    %reduce_sum3A_269 = arith.constant dense<0.000000e+00> : vector<1xf32>
    %reduce_sum3A_270 = vector.multi_reduction <add>, %reduce_sum3A_268, %reduce_sum3A_269 [1, 2] : vector<1x1x1792xf32> to vector<1xf32>
    %reduce_sum3A_271 = vector.shape_cast %reduce_sum3A_270 : vector<1xf32> to vector<1x1x1xf32>
    %reduce_sum3A_272 = vector.extract %reduce_sum3A_271[0, 0, 0] : f32 from vector<1x1x1xf32>
    %add3A_273 = arith.addf %add3A_261, %reduce_sum3A_272 : f32
    %slice3A_274 = vector.extract_strided_slice %broadcast_in_dim3A_241 {offsets = [0, 1792], sizes = [1, 1792], strides = [1, 1]} : vector<1x4096xf32> to vector<1x1792xf32>
    %reduce_sum3A_275 = vector.shape_cast %slice3A_274 : vector<1x1792xf32> to vector<1x1x1792xf32>
    %reduce_sum3A_276 = arith.constant dense<0.000000e+00> : vector<1xf32>
    %reduce_sum3A_277 = vector.multi_reduction <add>, %reduce_sum3A_275, %reduce_sum3A_276 [1, 2] : vector<1x1x1792xf32> to vector<1xf32>
    %reduce_sum3A_278 = vector.shape_cast %reduce_sum3A_277 : vector<1xf32> to vector<1x1x1xf32>
    %reduce_sum3A_279 = vector.extract %reduce_sum3A_278[0, 0, 0] : f32 from vector<1x1x1xf32>
    %add3A_280 = arith.addf %add3A_273, %reduce_sum3A_279 : f32
    %swap3A_281 = arith.constant 2 : index
    %swap3A_282 = memref.load %arg2[%swap3A_281] : memref<4xf32, #tpu.memory_space<smem>>
    memref.store %add3A_280, %arg2[%swap3A_281] : memref<4xf32, #tpu.memory_space<smem>>
    %get3A_283 = arith.constant 3 : index
    %get3A_284 = arith.constant 0 : index
    %get3A_285 = arith.constant 0 : index
    %get3A_286 = vector.load %arg0[%get3A_283, %get3A_284, %get3A_285] : memref<4x3x4096xf32, #tpu.memory_space<vmem>>, vector<1x3x4096xf32>
    %get3A_287 = vector.shape_cast %get3A_286 : vector<1x3x4096xf32> to vector<3x4096xf32>
    %get3A_288 = arith.constant 3 : index
    %get3A_289 = arith.constant 0 : index
    %get3A_290 = arith.constant 0 : index
    %get3A_291 = vector.load %arg1[%get3A_288, %get3A_289, %get3A_290] : memref<4x3x4096xf32, #tpu.memory_space<vmem>>, vector<1x3x4096xf32>
    %get3A_292 = vector.shape_cast %get3A_291 : vector<1x3x4096xf32> to vector<3x4096xf32>
    %mul3A_293 = arith.mulf %get3A_292, %get3A_292 : vector<3x4096xf32>
    %reduce_sum3A_294 = arith.constant dense<0.000000e+00> : vector<4096xf32>
    %reduce_sum3A_295 = vector.multi_reduction <add>, %mul3A_293, %reduce_sum3A_294 [0] : vector<3x4096xf32> to vector<4096xf32>
    %broadcast_in_dim3A_296 = vector.shape_cast %reduce_sum3A_295 : vector<4096xf32> to vector<1x4096xf32>
    %bitcast_convert_type3A_297 = tpu.bitcast %broadcast_in_dim3A_296 : vector<1x4096xf32> -> vector<1x4096xi32>
    %shift_right_logical3A_298 = arith.constant 16 : i32
    %shift_right_logical3A_299 = vector.broadcast %shift_right_logical3A_298 : i32 to vector<1x4096xi32>
    %shift_right_logical3A_300 = arith.shrui %bitcast_convert_type3A_297, %shift_right_logical3A_299 : vector<1x4096xi32>
    %and3A_301 = arith.constant 1 : i32
    %and3A_302 = vector.broadcast %and3A_301 : i32 to vector<1x4096xi32>
    %and3A_303 = arith.andi %shift_right_logical3A_300, %and3A_302 : vector<1x4096xi32>
    %add3A_304 = arith.constant 32767 : i32
    %add3A_305 = vector.broadcast %add3A_304 : i32 to vector<1x4096xi32>
    %add3A_306 = arith.addi %bitcast_convert_type3A_297, %add3A_305 : vector<1x4096xi32>
    %add3A_307 = arith.addi %add3A_306, %and3A_303 : vector<1x4096xi32>
    %and3A_308 = arith.constant -65536 : i32
    %and3A_309 = vector.broadcast %and3A_308 : i32 to vector<1x4096xi32>
    %and3A_310 = arith.andi %add3A_307, %and3A_309 : vector<1x4096xi32>
    %bitcast_convert_type3A_311 = tpu.bitcast %and3A_310 : vector<1x4096xi32> -> vector<1x4096xf32>
    %sub3A_312 = arith.subf %broadcast_in_dim3A_296, %bitcast_convert_type3A_311 : vector<1x4096xf32>
    %bitcast_convert_type3A_313 = tpu.bitcast %sub3A_312 : vector<1x4096xf32> -> vector<1x4096xi32>
    %shift_right_logical3A_314 = arith.constant 16 : i32
    %shift_right_logical3A_315 = vector.broadcast %shift_right_logical3A_314 : i32 to vector<1x4096xi32>
    %shift_right_logical3A_316 = arith.shrui %bitcast_convert_type3A_313, %shift_right_logical3A_315 : vector<1x4096xi32>
    %and3A_317 = arith.constant 1 : i32
    %and3A_318 = vector.broadcast %and3A_317 : i32 to vector<1x4096xi32>
    %and3A_319 = arith.andi %shift_right_logical3A_316, %and3A_318 : vector<1x4096xi32>
    %add3A_320 = arith.constant 32767 : i32
    %add3A_321 = vector.broadcast %add3A_320 : i32 to vector<1x4096xi32>
    %add3A_322 = arith.addi %bitcast_convert_type3A_313, %add3A_321 : vector<1x4096xi32>
    %add3A_323 = arith.addi %add3A_322, %and3A_319 : vector<1x4096xi32>
    %and3A_324 = arith.constant -65536 : i32
    %and3A_325 = vector.broadcast %and3A_324 : i32 to vector<1x4096xi32>
    %and3A_326 = arith.andi %add3A_323, %and3A_325 : vector<1x4096xi32>
    %bitcast_convert_type3A_327 = tpu.bitcast %and3A_326 : vector<1x4096xi32> -> vector<1x4096xf32>
    %sub3A_328 = arith.subf %broadcast_in_dim3A_296, %bitcast_convert_type3A_311 : vector<1x4096xf32>
    %sub3A_329 = arith.subf %sub3A_328, %bitcast_convert_type3A_327 : vector<1x4096xf32>
    %concatenate3A_330 = tpu.concatenate %get3A_292, %bitcast_convert_type3A_311, %bitcast_convert_type3A_327, %sub3A_329 in 0 : vector<3x4096xf32>, vector<1x4096xf32>, vector<1x4096xf32>, vector<1x4096xf32> -> vector<6x4096xf32>
    %mul3A_331 = arith.constant -2.000000e+00 : f32
    %mul3A_332 = vector.broadcast %mul3A_331 : f32 to vector<3x4096xf32>
    %mul3A_333 = arith.mulf %get3A_287, %mul3A_332 : vector<3x4096xf32>
    %broadcast_in_dim3A_334 = arith.constant 1.000000e+00 : f32
    %broadcast_in_dim3A_335 = vector.broadcast %broadcast_in_dim3A_334 : f32 to vector<3x4096xf32>
    %concatenate3A_336 = tpu.concatenate %mul3A_333, %broadcast_in_dim3A_335 in 0 : vector<3x4096xf32>, vector<3x4096xf32> -> vector<6x4096xf32>
    %mul3A_337 = arith.mulf %get3A_287, %get3A_287 : vector<3x4096xf32>
    %reduce_sum3A_338 = arith.constant dense<0.000000e+00> : vector<4096xf32>
    %reduce_sum3A_339 = vector.multi_reduction <add>, %mul3A_337, %reduce_sum3A_338 [0] : vector<3x4096xf32> to vector<4096xf32>
    %broadcast_in_dim3A_340 = vector.shape_cast %reduce_sum3A_339 : vector<4096xf32> to vector<1x4096xf32>
    %slice3A_341 = vector.extract_strided_slice %concatenate3A_336 {offsets = [0, 0], sizes = [6, 1792], strides = [1, 1]} : vector<6x4096xf32> to vector<6x1792xf32>
    %dot_general3A_342 = arith.constant dense<0.000000e+00> : vector<4096x1792xf32>
    %dot_general3A_343 = tpu.matmul %concatenate3A_330, %slice3A_341, %dot_general3A_342 {dimension_numbers = #tpu.dot_dimension_numbers<[0], [0], [1], [1], [0, 1, 1, 1], [], []>, transpose_lhs_hint = false} : vector<6x4096xf32>, vector<6x1792xf32>, vector<4096x1792xf32> -> vector<4096x1792xf32>
    %reduce_min3A_344 = arith.constant dense<0x7F800000> : vector<1792xf32>
    %reduce_min3A_345 = vector.multi_reduction <minimumf>, %dot_general3A_343, %reduce_min3A_344 [0] : vector<4096x1792xf32> to vector<1792xf32>
    %broadcast_in_dim3A_346 = vector.shape_cast %reduce_min3A_345 : vector<1792xf32> to vector<1x1792xf32>
    %reduce_sum3A_347 = vector.shape_cast %broadcast_in_dim3A_346 : vector<1x1792xf32> to vector<1x1x1792xf32>
    %reduce_sum3A_348 = arith.constant dense<0.000000e+00> : vector<1xf32>
    %reduce_sum3A_349 = vector.multi_reduction <add>, %reduce_sum3A_347, %reduce_sum3A_348 [1, 2] : vector<1x1x1792xf32> to vector<1xf32>
    %reduce_sum3A_350 = vector.shape_cast %reduce_sum3A_349 : vector<1xf32> to vector<1x1x1xf32>
    %reduce_sum3A_351 = vector.extract %reduce_sum3A_350[0, 0, 0] : f32 from vector<1x1x1xf32>
    %add3A_352 = arith.constant 0.000000e+00 : f32
    %add3A_353 = arith.addf %add3A_352, %reduce_sum3A_351 : f32
    %slice3A_354 = vector.extract_strided_slice %broadcast_in_dim3A_340 {offsets = [0, 0], sizes = [1, 1792], strides = [1, 1]} : vector<1x4096xf32> to vector<1x1792xf32>
    %reduce_sum3A_355 = vector.shape_cast %slice3A_354 : vector<1x1792xf32> to vector<1x1x1792xf32>
    %reduce_sum3A_356 = arith.constant dense<0.000000e+00> : vector<1xf32>
    %reduce_sum3A_357 = vector.multi_reduction <add>, %reduce_sum3A_355, %reduce_sum3A_356 [1, 2] : vector<1x1x1792xf32> to vector<1xf32>
    %reduce_sum3A_358 = vector.shape_cast %reduce_sum3A_357 : vector<1xf32> to vector<1x1x1xf32>
    %reduce_sum3A_359 = vector.extract %reduce_sum3A_358[0, 0, 0] : f32 from vector<1x1x1xf32>
    %add3A_360 = arith.addf %add3A_353, %reduce_sum3A_359 : f32
    %slice3A_361 = vector.extract_strided_slice %concatenate3A_336 {offsets = [0, 1792], sizes = [6, 1792], strides = [1, 1]} : vector<6x4096xf32> to vector<6x1792xf32>
    %dot_general3A_362 = arith.constant dense<0.000000e+00> : vector<4096x1792xf32>
    %dot_general3A_363 = tpu.matmul %concatenate3A_330, %slice3A_361, %dot_general3A_362 {dimension_numbers = #tpu.dot_dimension_numbers<[0], [0], [1], [1], [0, 1, 1, 1], [], []>, transpose_lhs_hint = false} : vector<6x4096xf32>, vector<6x1792xf32>, vector<4096x1792xf32> -> vector<4096x1792xf32>
    %reduce_min3A_364 = arith.constant dense<0x7F800000> : vector<1792xf32>
    %reduce_min3A_365 = vector.multi_reduction <minimumf>, %dot_general3A_363, %reduce_min3A_364 [0] : vector<4096x1792xf32> to vector<1792xf32>
    %broadcast_in_dim3A_366 = vector.shape_cast %reduce_min3A_365 : vector<1792xf32> to vector<1x1792xf32>
    %reduce_sum3A_367 = vector.shape_cast %broadcast_in_dim3A_366 : vector<1x1792xf32> to vector<1x1x1792xf32>
    %reduce_sum3A_368 = arith.constant dense<0.000000e+00> : vector<1xf32>
    %reduce_sum3A_369 = vector.multi_reduction <add>, %reduce_sum3A_367, %reduce_sum3A_368 [1, 2] : vector<1x1x1792xf32> to vector<1xf32>
    %reduce_sum3A_370 = vector.shape_cast %reduce_sum3A_369 : vector<1xf32> to vector<1x1x1xf32>
    %reduce_sum3A_371 = vector.extract %reduce_sum3A_370[0, 0, 0] : f32 from vector<1x1x1xf32>
    %add3A_372 = arith.addf %add3A_360, %reduce_sum3A_371 : f32
    %slice3A_373 = vector.extract_strided_slice %broadcast_in_dim3A_340 {offsets = [0, 1792], sizes = [1, 1792], strides = [1, 1]} : vector<1x4096xf32> to vector<1x1792xf32>
    %reduce_sum3A_374 = vector.shape_cast %slice3A_373 : vector<1x1792xf32> to vector<1x1x1792xf32>
    %reduce_sum3A_375 = arith.constant dense<0.000000e+00> : vector<1xf32>
    %reduce_sum3A_376 = vector.multi_reduction <add>, %reduce_sum3A_374, %reduce_sum3A_375 [1, 2] : vector<1x1x1792xf32> to vector<1xf32>
    %reduce_sum3A_377 = vector.shape_cast %reduce_sum3A_376 : vector<1xf32> to vector<1x1x1xf32>
    %reduce_sum3A_378 = vector.extract %reduce_sum3A_377[0, 0, 0] : f32 from vector<1x1x1xf32>
    %add3A_379 = arith.addf %add3A_372, %reduce_sum3A_378 : f32
    %swap3A_380 = arith.constant 3 : index
    %swap3A_381 = memref.load %arg2[%swap3A_380] : memref<4xf32, #tpu.memory_space<smem>>
    memref.store %add3A_379, %arg2[%swap3A_380] : memref<4xf32, #tpu.memory_space<smem>>
    return
  }
}

</mosaic_0001>

<sc_bundles>
// kernel: kernel.4.cloned.1.call-start
scs
__scs_entry_jumppad:
0x0: {  	(pc) =	sbr.rel $0x88, $3  }
0x1: {  	(tag) =	ssettag $0x0;
	lr =	simm.s32 $0x1  }
0x2: {  	[smem:$0x3F9F] =	sst lr;
	_ =	strace $0xD0000000  }
0x3: {  	_ = 	snop  }
0x4: {  	_ = 	snop  }
0x5: {  	_ = 	snop  }
0x6: {  	_ = 	snop  }
0x7: {  	_ = 	snop  }
__scs_overlays_trampoline_lowered:
0x8: {  	[smem:$0x3FAE] =	sst s0  }
0x9: {  	[smem:$0x3FAF] =	sst s1  }
0xa: {  	[smem:$0x3FB0] =	sst s2  }
0xb: {  	[smem:$0x3FB1] =	sst s3  }
0xc: {  	[smem:$0x3FB2] =	sst s4  }
0xd: {  	[smem:$0x3FB3] =	sst s5  }
0xe: {  	[smem:$0x3FB4] =	sst s6  }
0xf: {  	[smem:$0x3FB5] =	sst s7  }
0x10: {  	[smem:$0x3FB6] =	sst s8  }
0x11: {  	[smem:$0x3FB7] =	sst s9;
	s0 =	simm.s32 @!p0 $0x0  }
0x12: {  	s1 =	sld [smem:$0x3F9D];
	s0 =	simm.s32 @p0 $0x1  }
0x13: {  	[smem:$0x3FB8] =	sst s0;
	s0 =	simm.s32 @!p1 $0x0  }
0x14: {  	s2 =	sld [smem:$0x3F9C];
	s0 =	simm.s32 @p1 $0x1  }
0x15: {  	[smem:$0x3FB9] =	sst s0;
	s0 =	simm.s32 @!p2 $0x0  }
0x16: {  	s3 =	sld [smem:$0x3FDB];
	s0 =	simm.s32 @p2 $0x1  }
0x17: {  	s4 =	simm.s32 $0x1BF5;
	[smem:$0x3FBB] =	sst s0  }
0x18: {  	s0 =	sld [smem:$0x3F9E];
	_ =	swait.ge [sflag:s4], $0x0  }
0x19: {  	s7 =	sld [smem:$0x3F9F]  }
0x1a: {  	s8 =	sadd.s32 $0xFFFFE003, lr  }
0x1b: {  	s9 =	sadd.s32 $0xFFFFFEF7, lr;
	s5 =	simm.s32 $0xFFFFFFFF;
	p2 =	slt.u32 s8, $0xFFFFF086  }
0x1c: {  	p1 =	slt.u32 s9, $0xF7A;
	s5 =	simm.s32 @!p2 $0x0  }
0x1d: {  	s5 =	simm.s32 @p1 $0x1;
	p0 =	seq.s32 s7, s2  }
0x1e: {  	s7 =	smul.u32 @!p0 $0xF7A, s2;
	p2 =	seq.s32 @!p0 s5, $0x0  }
0x1f: {  	s9 =	smul.u32 $0xF7A, s1;
	s8 =	simm.s32 @!p0 $0x1BF5;
	p2 =	por !p2, p0  }
0x20: {  	[sflag:s8] =	ssyncset.s32 @!p0 $0xFFFFF086;
	s6 =	sadd.s32 @!p0 s3, s7;
	s7 =	simm.s32 @!p0 $0x108  }
0x21: {  	s3 =	sadd.s32 s3, s9;
	s6 =	sadd.s32 @!p0 $0x88, s6;
	s7 =	simm.s32 @p2 $0x1082  }
0x22: {  	[simem:s7], [sflag:s8] =	dma.local @!p0 [hbm:s6], $0xF7A  }
0x23: {  	s9 =	sor.u32 $0xD0000000, s2;
	s6 =	simm.s32 $0x108;
	_ =	swait.ge @!p0 [sflag:s8], $0x0  }
0x24: {  	s3 =	sadd.s32 $0x88, s3;
	s6 =	simm.s32 @!p1 $0x1082;
	[sflag:s4] =	ssyncset.s32 $0xFFFFF086  }
0x25: {  	[simem:s6], [sflag:s4] =	dma.local [hbm:s3], $0xF7A  }
0x26: {  	[smem:$0x3F9F] =	sst s1;
	(tag) =	ssettag s2;
	_ =	strace s9  }
0x27: {  	s1 =	sld [smem:$0x3FAF]  }
0x28: {  	s2 =	sld [smem:$0x3FB0]  }
0x29: {  	s4 =	sld [smem:$0x3FB2]  }
0x2a: {  	p0 =	seq.s32 s5, $0x0;
	s5 =	sld [smem:$0x3FB3]  }
0x2b: {  	s6 =	sld [smem:$0x3FB4]  }
0x2c: {  	s7 =	sld [smem:$0x3FB5]  }
0x2d: {  	s3 =	simm.s32 $0x108;
	s8 =	sld [smem:$0x3FB6]  }
0x2e: {  	s3 =	simm.s32 @!p0 $0x1082;
	s9 =	sld [smem:$0x3FB7]  }
0x2f: {  	lr =	sadd.s32 s0, s3;
	s0 =	sld [smem:$0x3FAE]  }
0x30: {  	s3 =	sld [smem:$0x3FB1]  }
0x31: {  	[smem:$0x3FBA] =	sst s10  }
0x32: {  	s10 =	sld [smem:$0x3FB8];
	_ =	sdelay $0x3  }
0x33: {  	p0 =	seq.s32 s10, $0x1;
	s10 =	sld [smem:$0x3FBA];
	_ =	sdelay $0x3  }
0x34: {  	[smem:$0x3FBA] =	sst s10  }
0x35: {  	s10 =	sld [smem:$0x3FB9];
	_ =	sdelay $0x3  }
0x36: {  	p1 =	seq.s32 s10, $0x1;
	s10 =	sld [smem:$0x3FBA];
	_ =	sdelay $0x3  }
0x37: {  	[smem:$0x3FBA] =	sst s10  }
0x38: {  	s10 =	sld [smem:$0x3FBB]  }
0x39: {  	_ = 	snop;
	(pc) =	sbr.ind lr, $3  }
0x3a: {  	_ = 	snop  }
0x3b: {  	_ = 	snop  }
0x3c: {  	p2 =	seq.s32 s10, $0x1;
	s10 =	sld [smem:$0x3FBA]  }
0x3d: {  	_ =	shalt  }
0x3e: {  	_ =	shalt  }
0x3f: {  	_ =	shalt  }
0x40: {  	_ =	shalt  }
0x41: {  	_ =	shalt  }
0x42: {  	_ =	shalt  }
0x43: {  	_ =	shalt  }
0x44: {  	_ =	shalt  }
0x45: {  	_ =	shalt  }
0x46: {  	_ =	shalt  }
0x47: {  	_ =	shalt  }
0x48: {  	_ =	shalt  }
0x49: {  	_ =	shalt  }
0x4a: {  	_ =	shalt  }
0x4b: {  	_ =	shalt  }
0x4c: {  	_ =	shalt  }
0x4d: {  	_ =	shalt  }
0x4e: {  	_ =	shalt  }
0x4f: {  	_ =	shalt  }
0x50: {  	_ =	shalt  }
0x51: {  	_ =	shalt  }
0x52: {  	_ =	shalt  }
0x53: {  	_ =	shalt  }
0x54: {  	_ =	shalt  }
0x55: {  	_ =	shalt  }
0x56: {  	_ =	shalt  }
0x57: {  	_ =	shalt  }
0x58: {  	_ =	shalt  }
0x59: {  	_ =	shalt  }
0x5a: {  	_ =	shalt  }
0x5b: {  	_ =	shalt  }
0x5c: {  	_ =	shalt  }
0x5d: {  	_ =	shalt  }
0x5e: {  	_ =	shalt  }
0x5f: {  	_ =	shalt  }
0x60: {  	_ =	shalt  }
0x61: {  	_ =	shalt  }
0x62: {  	_ =	shalt  }
0x63: {  	_ =	shalt  }
0x64: {  	_ =	shalt  }
0x65: {  	_ =	shalt  }
0x66: {  	_ =	shalt  }
0x67: {  	_ =	shalt  }
0x68: {  	_ =	shalt  }
0x69: {  	_ =	shalt  }
0x6a: {  	_ =	shalt  }
0x6b: {  	_ =	shalt  }
0x6c: {  	_ =	shalt  }
0x6d: {  	_ =	shalt  }
0x6e: {  	_ =	shalt  }
0x6f: {  	_ =	shalt  }
0x70: {  	_ =	shalt  }
0x71: {  	_ =	shalt  }
0x72: {  	_ =	shalt  }
0x73: {  	_ =	shalt  }
0x74: {  	_ =	shalt  }
0x75: {  	_ =	shalt  }
0x76: {  	_ =	shalt  }
0x77: {  	_ =	shalt  }
0x78: {  	_ =	shalt  }
0x79: {  	_ =	shalt  }
0x7a: {  	_ =	shalt  }
0x7b: {  	_ =	shalt  }
0x7c: {  	_ =	shalt  }
0x7d: {  	_ =	shalt  }
0x7e: {  	_ =	shalt  }
0x7f: {  	_ =	shalt  }
0x80: {  	_ =	shalt  }
0x81: {  	_ =	shalt  }
0x82: {  	_ =	shalt  }
0x83: {  	_ =	shalt  }
0x84: {  	_ =	shalt  }
0x85: {  	_ =	shalt  }
0x86: {  	_ =	shalt  }
0x87: {  	_ =	shalt  }
.Lfunc_end0:
.L_simem_size_0:
called_computation_lowered:
.L_overlay_start_0:
0x88: {  	s2 =	sld [smem:$0x3FD9]  }
0x89: {  	s3 =	sld [smem:$0x3FFE];
	_ =	sdelay $0x1  }
0x8a: {  	s1 =	srdreg.scid  }
0x8b: {  	s0 =	sand.u32 $0x1, s1  }
0x8c: {  	s16 =	sshll.u32 s0, $0xA;
	s2 =	sadd.s32 s3, s2  }
0x8d: {  	s2 =	sadd.s32 s2, s16  }
0x8e: {  	[smem:$0x3FC6] =	sst s2  }
0x8f: {  	_ = 	snop  }
0x90: {  	(tm) =	ssettm $0x1  }
0x91: {  	s17 =	sld [smem:$0x3FFB];
	_ =	sdelay $0x3  }
0x92: {  	_ =	strace s17  }
0x93: {  	s2 =	sld [smem:$0x3FFC];
	_ =	sdelay $0x3  }
0x94: {  	_ =	strace s2  }
0x95: {  	s2 =	sld [smem:$0x3FFD];
	_ =	sdelay $0x3  }
0x96: {  	_ =	strace s2  }
0x97: {  	_ =	strace $0x8FFFFFFF  }
0x98: {  	s18 =	sld [smem:$0x3FDB];
	_ =	sdelay $0x1  }
0x99: {  	s19 =	simm.s32 $_scs_section_size  }
0x9a: {  	s4 =	simm.s32 $_size__tile_overlayer_lowered;
	s5 =	simm.s32 $_tile_overlayer_lowered  }
0x9b: {  	s22 =	simm.s32 $0x1BFF;
	s21 =	sshll.u32 s5, $0x1;
	s2 =	sadd.s32 s19, s18  }
0x9c: {  	s6 =	simm.s32 $0x0;
	s20 =	sshll.u32 s4, $0x1;
	s4 =	sadd.s32 s21, s2  }
0x9d: {  	[timem:s6], [sflag:s22] =	dma.local [hbm:s4], s20  }
0x9e: {  	_ =	swait.ge [sflag:s22], s20  }
0x9f: {  	s3 =	ssub.s32 $0x0, s20;
	[sflag:s22] =	ssyncset.done $0x0  }
0xa0: {  	[sflag:s22] =	ssyncadd.s32 s3;
	_ =	sdelay $0x1  }
0xa1: {  	s23 =	simm.s32 $0x1B8B  }
0xa2: {  	_ =	swait.ge [sflag:s23], $0x1  }
0xa3: {  	[sflag:s23] =	ssyncset.done $0x0  }
0xa4: {  	s25 =	simm.s32 $0x1B8E;
	s24 =	sld [smem:$0x3FFE];
	[sflag:s23] =	ssyncadd.s32 $0xFFFFFFFF  }
0xa5: {  	s26 =	simm.s32 $execute0_lowered;
	[smem:$0x3FD2] =	sst s25  }
0xa6: {  	s4 =	sshll.u32 s26, $0x1;
	_ =	strace $0x80000046;
	[dreg:$0x1] =	wrdreg $0xFFFFFFFF  }
0xa7: {  	s28 =	simm.s32 $_size_execute0_lowered;
	s2 =	sadd.s32 s2, s4;
	[dreg:$0x0] =	wrdreg $0x0  }
0xa8: {  	s4 =	sshll.u32 s28, $0x1;
	[dreg:$0x2] =	wrdreg s2  }
0xa9: {  	[dreg:$0x3] =	wrdreg s4  }
0xaa: {  	[dreg:$0x4] =	wrdreg $0xC0  }
0xab: {  	_ =	task [dreg:s6], $0x5FFFF  }
0xac: {  	[dreg:$0x1] =	wrdreg $0xFFFFFFFF  }
0xad: {  	[dreg:$0x0] =	wrdreg $0x60  }
0xae: {  	[dreg:$0x2] =	wrdreg s24  }
0xaf: {  	[dreg:$0x3] =	wrdreg $0x9  }
0xb0: {  	_ =	task.clear_ibuf [dreg:s6], $0x4FFFF;
	_ =	strace $0x90000046  }
0xb1: {  	s29 =	simm.s32 $0x9;
	_ =	strace $0x80000048  }
0xb2: {  	_ =	swait.ge [sflag:s29], $0x1  }
0xb3: {  	[sflag:s29] =	ssyncadd.s32 $0xFFFFFFFF  }
0xb4: {  	_ =	strace $0x90000048  }
0xb5: {  	_ =	sfence  }
0xb6: {  	s30 =	sld [smem:$0x0];
	_ =	sdelay $0x2  }
0xb7: {  	s31 =	sshll.u32 s1, $0xD;
	s1 =	sshrl.u32 s1, $0x2  }
0xb8: {  	s3 =	sand.u32 $0x4000, s31;
	s1 =	sadd.s32 s1, s30  }
0xb9: {  	s0 =	sor.u32 s3, s0;
	s1 =	sshll.u32 s1, $0x11  }
0xba: {  	s0 =	sor.u32 s1, s0  }
0xbb: {  	s0 =	sadd.s32 $0x8F2B, s0  }
0xbc: {  	[sflag:s0] =	ssyncadd.remote.s32 $0x1  }
0xbd: {  	_ =	sfence.sel $0xFFFF  }
0xbe: {  	[dreg:$0x0] =	wrdreg $0xFFFFFFFF;
	(pc) =	sbr.abs _section_cstart, $3  }
0xbf: {  	[dreg:$0x1] =	wrdreg $0xFFFFFFFF  }
0xc0: {  	_ =	task.clear_ibuf [dreg:s6], $0x2FFFF;
	_ =	strace $0x9FFFFFFF  }
0xc1: {  	(tm) =	ssettm $0x7FFFFFFF  }
tec
execute0_lowered:
.L_overlay_start_1:
0x0: {  	(tag) =	ssettag $0x1  }
0x1: {  	s5 =	rddreg [dreg:$0x0]  }
0x2: {  	s0 =	rddreg [dreg:$0x1]  }
0x3: {  	s2 =	simm.s32 $0x0;
	s1 =	stileid.u32;
	s3 =	srdreg.scid;
	v0 =	vimm.s32 $0xFEDCBA98  }
0x4: {  	v1 =	vimm.s32 $0x76543210;
	s15 =	simm.s32 $0x9000;
	s16 =	simm.s32 $0x9200;
	s17 =	simm.s32 $0x9080  }
0x5: {  	v2 =	vimm.s32 $0xBA98FEDC;
	s18 =	simm.s32 $0x9280;
	s19 =	simm.s32 $0x9100;
	s20 =	simm.s32 $0x9300  }
0x6: {  	v3 =	vimm.s32 $0x32107654;
	v4 =	vimm.s32 $0xDCFE98BA;
	s21 =	simm.s32 $0x9400;
	s22 =	simm.s32 $0x0;
	[smem:$0x7FF] =	sst s2  }
0x7: {  	v5 =	vimm.s32 $0x54761032;
	s9 =	sadd.s32 $0x2600, s5;
	s4 =	sshll.u32 s1, $0x9;
	s10 =	sadd.s32 $0x6600, s5  }
0x8: {  	v6 =	vimm.s32 $0xEFCDAB89;
	v7 =	vimm.s32 $0x67452301;
	s7 =	sand.u32 $0x1, s3;
	v0 =	vunpack.c.l.s4.s8 v0;
	s11 =	sshll.u32 s1, $0x6;
	s30 =	sshll.u32 s1, $0x5  }
0x9: {  	v1 =	vunpack.c.l.s4.s8 v1;
	v2 =	vunpack.c.l.s4.s8 v2;
	v3 =	vunpack.c.l.s4.s8 v3;
	_ =	strace $0x80000047;
	s6 =	sand.u32 $0x1800, s4;
	s8 =	sshll.u32 s7, $0x3  }
0xa: {  	v4 =	vunpack.c.l.s4.s8 v4;
	v5 =	vunpack.c.l.s4.s8 v5;
	v6 =	vunpack.c.l.s4.s8 v6;
	s12 =	ssub.s32 $0x2, s7;
	s7 =	sshll.u32 s7, $0x4;
	s6 =	sadd.s32 s6, s5  }
0xb: {  	v7 =	vunpack.c.l.s4.s8 v7;
	s8 =	sor.u32 s8, s11;
	s26 =	sshrl.u32 s12, $0x1;
	s14 =	sadd.s32 s7, s5;
	v2 =	vunpack.c.0.s8.s32 v2;
	v3 =	vunpack.c.0.s8.s32 v3  }
0xc: {  	v0 =	vunpack.c.0.s8.s32 v0;
	v4 =	vunpack.c.0.s8.s32 v4;
	v5 =	vunpack.c.0.s8.s32 v5;
	s3 =	sadd.s32 $0x600, s6;
	s13 =	sor.u32 s4, s8;
	s4 =	sadd.s32 $0x4600, s6  }
0xd: {  	v6 =	vunpack.c.0.s8.s32 v6;
	v7 =	vunpack.c.0.s8.s32 v7;
	s12 =	ssub.s32 s12, s26;
	s31 =	sadd.s32 s30, s14;
	s14 =	simm.s32 $0x5000;
	v2 =	vcombine.low v3, v2  }
0xe: {  	v1 =	vunpack.c.0.s8.s32 v1;
	s28 =	sor.u32 $0x700, s13;
	s8 =	sor.u32 $0x710, s13;
	s29 =	sor.u32 $0x720, s13;
	v5 =	vcombine.low v5, v4  }
0xf: {  	s11 =	sadd.s32 $0x8600, s31;
	s12 =	smax.u32 s12, $0x1;
	s13 =	simm.s32 $0x1;
	v0 =	vand.u32 $0xF, v0;
	v6 =	vcombine.low v7, v6;
	[tilespmem:$0x1FFD0] =	vst v2  }
0x10: {  	s5 =	sadd.s32 s9, s28;
	s6 =	sadd.s32 s10, s28;
	s7 =	sadd.s32 s9, s8;
	v3 =	vcombine.low v0, v1;
	[tilespmem:$0x1FFE0] =	vst v5  }
0x11: {  	s8 =	sadd.s32 s10, s8;
	s9 =	sadd.s32 s9, s29;
	s10 =	sadd.s32 s10, s29;
	v4 =	vand.u32 $0xF, v2;
	v5 =	vand.u32 $0xF, v5;
	[tilespmem:$0x1FFF0] =	vst v6;
	v6 =	vand.u32 $0xF, v6  }
.LBB2_1:
0x12: {  	[tilespmem:s2], [sflag:$0x1] =	stream.linear.gather [hbm4b:s3+s2], $0x4000, $0x38;
	[tilespmem:$0x9480] =	vst v63  }
0x13: {  	_ =	swait.ge [sflag:s13], $0x4000  }
0x14: {  	[sflag:s13] =	ssyncset.done $0x0  }
0x15: {  	[sflag:s13] =	ssyncadd.s32 $0xFFFFC000  }
0x16: {  	[tilespmem:s14], [sflag:$0x1] =	stream.linear.gather [hbm4b:s4+s2], $0x4000, $0x38;
	[tilespmem:$0x9480] =	vst v63  }
0x17: {  	_ =	swait.ge [sflag:s13], $0x4000  }
0x18: {  	[sflag:s13] =	ssyncset.done $0x0  }
0x19: {  	[sflag:s13] =	ssyncadd.s32 $0xFFFFC000  }
0x1a: {  	[tilespmem:s15], [sflag:$0x1] =	stream.linear.gather [hbm4b:s5+s2], $0x40, $0x38;
	[tilespmem:$0x9480] =	vst v63  }
0x1b: {  	_ =	swait.ge [sflag:s13], $0x40  }
0x1c: {  	[sflag:s13] =	ssyncset.done $0x0  }
0x1d: {  	[sflag:s13] =	ssyncadd.s32 $0xFFFFFFC0  }
0x1e: {  	[tilespmem:s16], [sflag:$0x1] =	stream.linear.gather [hbm4b:s6+s2], $0x40, $0x38;
	[tilespmem:$0x9480] =	vst v63  }
0x1f: {  	_ =	swait.ge [sflag:s13], $0x40  }
0x20: {  	[sflag:s13] =	ssyncset.done $0x0  }
0x21: {  	[sflag:s13] =	ssyncadd.s32 $0xFFFFFFC0  }
0x22: {  	[tilespmem:s17], [sflag:$0x1] =	stream.linear.gather [hbm4b:s7+s2], $0x40, $0x38;
	[tilespmem:$0x9480] =	vst v63  }
0x23: {  	_ =	swait.ge [sflag:s13], $0x40  }
0x24: {  	[sflag:s13] =	ssyncset.done $0x0  }
0x25: {  	[sflag:s13] =	ssyncadd.s32 $0xFFFFFFC0  }
0x26: {  	[tilespmem:s18], [sflag:$0x1] =	stream.linear.gather [hbm4b:s8+s2], $0x40, $0x38;
	[tilespmem:$0x9480] =	vst v63  }
0x27: {  	_ =	swait.ge [sflag:s13], $0x40  }
0x28: {  	[sflag:s13] =	ssyncset.done $0x0  }
0x29: {  	[sflag:s13] =	ssyncadd.s32 $0xFFFFFFC0  }
0x2a: {  	[tilespmem:s19], [sflag:$0x1] =	stream.linear.gather [hbm4b:s9+s2], $0x40, $0x38;
	[tilespmem:$0x9480] =	vst v63  }
0x2b: {  	_ =	swait.ge [sflag:s13], $0x40  }
0x2c: {  	[sflag:s13] =	ssyncset.done $0x0  }
0x2d: {  	[sflag:s13] =	ssyncadd.s32 $0xFFFFFFC0  }
0x2e: {  	[tilespmem:s20], [sflag:$0x1] =	stream.linear.gather [hbm4b:s10+s2], $0x40, $0x38;
	[tilespmem:$0x9480] =	vst v63  }
0x2f: {  	s23 =	sand.u32 $0x70, s2;
	s24 =	sand.u32 $0x3E00, s2;
	_ =	swait.ge [sflag:s13], $0x40  }
0x30: {  	s25 =	simm.s32 $0x0;
	s26 =	sor.u32 s23, s24;
	[sflag:s13] =	ssyncset.done $0x0  }
0x31: {  	s24 =	simm.s32 $0x10;
	s23 =	simm.s32 $0x0;
	[sflag:s13] =	ssyncadd.s32 $0xFFFFFFC0  }
.LBB2_2:
0x32: {  	p0 =	sne.s32 s24, $0xFF0;
	v0 =	vld [tilespmem:s26+$0x0]  }
0x33: {  	v1 =	vld [tilespmem:s26+$0x80];
	_ =	sdelay $0x1  }
0x34: {  	v2 =	vld [tilespmem:s26+$0x100];
	_ =	sdelay $0x2  }
0x35: {  	v0 =	vmul.f32 v0, v0;
	v1 =	vmul.f32 v1, v1;
	_ =	sdelay $0x1  }
.Ltmp0:
0x36: {  	v0 =	vadd.f32 v1, v0;
	v1 =	vmul.f32 v2, v2;
	(pc) =	sbr.rel @p0 .LBB2_2-.Ltmp0, $4  }
0x37: {  	_ = 	snop  }
0x38: {  	s25 =	sadd.s32 $0x40, s25;
	v0 =	vadd.f32 v1, v0  }
0x39: {  	s23 =	sshra.s32 s23, $0x2;
	s28 =	sand.u32 $0x3E00, s25;
	s26 =	sand.u32 $0x70, s24  }
0x3a: {  	s24 =	sadd.s32 $0x10, s24;
	s26 =	sor.u32 s26, s28;
	[tilespmem:s23+$0x4000] =	vst v0;
	s23 =	smov.u32 s25  }
0x3b: {  	v0 =	vld [tilespmem:s26+$0x0]  }
0x3c: {  	v1 =	vld [tilespmem:s26+$0x80];
	_ =	sdelay $0x1  }
0x3d: {  	v2 =	vld [tilespmem:s26+$0x100];
	_ =	sdelay $0x2  }
0x3e: {  	v0 =	vmul.f32 v0, v0;
	v1 =	vmul.f32 v1, v1;
	_ =	sdelay $0x1  }
0x3f: {  	v0 =	vadd.f32 v1, v0;
	v1 =	vmul.f32 v2, v2;
	_ =	sdelay $0x1  }
0x40: {  	v0 =	vadd.f32 v1, v0  }
0x41: {  	s23 =	sshra.s32 s23, $0x2  }
0x42: {  	s25 =	simm.f32 $0.0e+00;
	s24 =	simm.s32 $0x0;
	[tilespmem:s23+$0x4000] =	vst v0;
	s23 =	simm.s32 $0x0  }
.LBB2_4:
0x43: {  	s26 =	sshll.u32 s24, $0x4  }
0x44: {  	v0 =	vld [tilespmem:s26+$0x9000]  }
0x45: {  	v1 =	vld [tilespmem:s26+$0x9080];
	_ =	sdelay $0x1  }
0x46: {  	v2 =	vld [tilespmem:s26+$0x9100];
	_ =	sdelay $0x2  }
0x47: {  	v0 =	vmul.f32 v0, v0;
	v1 =	vmul.f32 v1, v1;
	_ =	sdelay $0x1  }
0x48: {  	v0 =	vadd.f32 v1, v0;
	v1 =	vmul.f32 v2, v2;
	_ =	sdelay $0x1  }
0x49: {  	v0 =	vadd.f32 v1, v0;
	_ =	sdelay $0x1  }
0x4a: {  	v1 =	vperm.xlane v0, v3  }
0x4b: {  	v8 =	vld [tilespmem:s26+$0x9280]  }
0x4c: {  	v0 =	vadd.f32 v1, v0;
	v1 =	vld [tilespmem:$0x1FFD0];
	_ =	sdelay $0x2  }
0x4d: {  	v7 =	vld [tilespmem:$0x1FFE0]  }
0x4e: {  	v10 =	vmul.f32 $-2.000000000e+00, v8;
	v2 =	vld [tilespmem:s26+$0x9200]  }
0x4f: {  	v1 =	vperm.xlane v0, v1  }
0x50: {  	v19 =	vbroadcast v10, $0x0;
	v20 =	vbroadcast v10, $0x1  }
0x51: {  	v21 =	vbroadcast v10, $0x2;
	v22 =	vbroadcast v10, $0x3;
	v0 =	vadd.f32 v1, v0  }
0x52: {  	s31 =	sand.u32 $0x70, s23;
	s28 =	sand.u32 $0x3E00, s23;
	v23 =	vbroadcast v10, $0x4;
	v24 =	vbroadcast v10, $0x5  }
0x53: {  	v9 =	vmul.f32 $-2.000000000e+00, v2;
	v1 =	vld [tilespmem:s26+$0x9300];
	s26 =	sor.u32 s31, s28;
	v7 =	vperm.xlane v0, v7  }
0x54: {  	v25 =	vbroadcast v10, $0x6;
	v34 =	vbroadcast v10, $0x7;
	v2 =	vld [tilespmem:s26+$0x5080]  }
0x55: {  	v26 =	vbroadcast v9, $0x0;
	v27 =	vbroadcast v9, $0x1;
	v7 =	vadd.f32 v7, v0;
	v0 =	vld [tilespmem:$0x1FFF0]  }
0x56: {  	v28 =	vbroadcast v9, $0x2;
	v29 =	vbroadcast v9, $0x3  }
0x57: {  	v30 =	vbroadcast v9, $0x4;
	v31 =	vbroadcast v9, $0x5  }
0x58: {  	v32 =	vbroadcast v9, $0x6;
	v35 =	vbroadcast v9, $0x7  }
0x59: {  	v11 =	vmul.f32 $-2.000000000e+00, v1;
	v43 =	vmul.f32 v2, v34  }
0x5a: {  	v46 =	vmul.f32 v2, v19;
	v0 =	vperm.xlane v7, v0  }
0x5b: {  	v47 =	vmul.f32 v2, v20;
	v59 =	vmul.f32 v2, v21  }
0x5c: {  	v60 =	vmul.f32 v2, v22;
	v61 =	vmul.f32 v2, v23;
	[tilespmem:$0x1FFC0] =	vst v0;
	v0 =	vld [tilespmem:s26+$0x5000]  }
0x5d: {  	s28 =	simm.s32 $0x0;
	v62 =	vmul.f32 v2, v24;
	v63 =	vmul.f32 v2, v25  }
0x5e: {  	v1 =	vld [tilespmem:s28+$0x4000];
	v12 =	vbroadcast v11, $0x0;
	v13 =	vbroadcast v11, $0x1  }
0x5f: {  	v14 =	vbroadcast v11, $0x2;
	v15 =	vbroadcast v11, $0x3  }
0x60: {  	v16 =	vbroadcast v11, $0x4;
	v17 =	vbroadcast v11, $0x5  }
0x61: {  	v36 =	vmul.f32 v0, v26;
	v39 =	vmul.f32 v0, v35  }
0x62: {  	v37 =	vimm.f32 $3.000000010e+38;
	v40 =	vmul.f32 v0, v27;
	v41 =	vmul.f32 v0, v28  }
0x63: {  	v38 =	vld [tilespmem:s26+$0x5100];
	v42 =	vmul.f32 v0, v29;
	v57 =	vmul.f32 v0, v30;
	v39 =	vadd.f32 v1, v39  }
0x64: {  	v45 =	vmul.f32 v0, v31;
	v44 =	vadd.f32 v1, v36;
	v40 =	vadd.f32 v1, v40  }
0x65: {  	v0 =	vmul.f32 v0, v32;
	v41 =	vadd.f32 v1, v41;
	v42 =	vadd.f32 v1, v42  }
0x66: {  	v33 =	vbroadcast v11, $0x7;
	v49 =	vadd.f32 v1, v57;
	v51 =	vadd.f32 v1, v45  }
0x67: {  	v18 =	vbroadcast v11, $0x6;
	v52 =	vadd.f32 v1, v0;
	v39 =	vadd.f32 v39, v43  }
0x68: {  	v58 =	vmul.f32 v38, v33;
	v50 =	vadd.f32 v44, v46;
	v0 =	vadd.f32 v40, v47  }
0x69: {  	v2 =	vmul.f32 v38, v13;
	v46 =	vadd.f32 v41, v59;
	v48 =	vadd.f32 v42, v60  }
0x6a: {  	v1 =	vmul.f32 v38, v12;
	v45 =	vadd.f32 v49, v61;
	v49 =	vadd.f32 v51, v62  }
0x6b: {  	v47 =	vadd.f32 v52, v63;
	v41 =	vimm.f32 $3.000000010e+38;
	v39 =	vadd.f32 v39, v58  }
0x6c: {  	s28 =	simm.s32 $0x10;
	s26 =	simm.s32 $0x40;
	v42 =	vimm.f32 $3.000000010e+38;
	v44 =	vimm.f32 $3.000000010e+38;
	v43 =	vimm.f32 $3.000000010e+38  }
0x6d: {  	[tilespmem:$0x1FFB0] =	vst v7;
	s29 =	sand.u32 $0x70, s28;
	s28 =	simm.s32 $0x20;
	s30 =	sand.u32 $0x3E00, s26;
	v40 =	vimm.f32 $3.000000010e+38;
	v36 =	vmin.f32 v37, v39;
	v39 =	vimm.f32 $3.000000010e+38  }
.LBB2_5:
0x6e: {  	p0 =	sne.s32 s28, $0xFF0;
	s29 =	sor.u32 s29, s30;
	v1 =	vadd.f32 v50, v1;
	v50 =	vmul.f32 v38, v14;
	v51 =	vmul.f32 v38, v15  }
0x6f: {  	s30 =	sshra.s32 s26, $0x2;
	v53 =	vmul.f32 v38, v17;
	v52 =	vld [tilespmem:s29+$0x5000];
	v0 =	vadd.f32 v0, v2;
	v2 =	vmul.f32 v38, v16  }
0x70: {  	v38 =	vmul.f32 v38, v18;
	v54 =	vld [tilespmem:s30+$0x4000];
	v46 =	vadd.f32 v46, v50;
	v48 =	vadd.f32 v48, v51  }
0x71: {  	v37 =	vmin.f32 v37, v1;
	v51 =	vld [tilespmem:s29+$0x5080];
	v1 =	vadd.f32 v45, v2;
	v2 =	vadd.f32 v49, v53  }
0x72: {  	v41 =	vmin.f32 v41, v0;
	v0 =	vadd.f32 v47, v38;
	v42 =	vmin.f32 v42, v46  }
0x73: {  	v39 =	vmin.f32 v39, v48;
	v38 =	vld [tilespmem:s29+$0x5100];
	v44 =	vmin.f32 v44, v1;
	v43 =	vmin.f32 v43, v2  }
0x74: {  	v40 =	vmin.f32 v40, v0;
	v1 =	vmul.f32 v52, v26;
	v2 =	vmul.f32 v52, v35  }
0x75: {  	v0 =	vmul.f32 v52, v27;
	v45 =	vmul.f32 v52, v28  }
0x76: {  	v46 =	vmul.f32 v52, v29;
	v2 =	vadd.f32 v54, v2;
	v47 =	vmul.f32 v51, v34  }
0x77: {  	v48 =	vmul.f32 v52, v30;
	v49 =	vmul.f32 v52, v31;
	v1 =	vadd.f32 v54, v1  }
0x78: {  	v50 =	vmul.f32 v52, v32;
	v2 =	vadd.f32 v2, v47;
	v47 =	vmul.f32 v38, v33  }
0x79: {  	v52 =	vmul.f32 v51, v19;
	v0 =	vadd.f32 v54, v0;
	v45 =	vadd.f32 v54, v45  }
0x7a: {  	v53 =	vmul.f32 v51, v20;
	v55 =	vadd.f32 v54, v46;
	v2 =	vadd.f32 v2, v47  }
0x7b: {  	v46 =	vmul.f32 v51, v21;
	v49 =	vadd.f32 v54, v49;
	v47 =	vadd.f32 v54, v48  }
.Ltmp1:
0x7c: {  	v48 =	vmul.f32 v51, v22;
	v54 =	vadd.f32 v54, v50;
	v36 =	vmin.f32 v36, v2;
	(pc) =	sbr.rel @p0 .LBB2_5-.Ltmp1, $4  }
0x7d: {  	v50 =	vadd.f32 v1, v52;
	v52 =	vmul.f32 v51, v24;
	v2 =	vmul.f32 v51, v23  }
0x7e: {  	v0 =	vadd.f32 v0, v53;
	v46 =	vadd.f32 v45, v46;
	v51 =	vmul.f32 v51, v25  }
0x7f: {  	s26 =	sadd.s32 $0x40, s26;
	v1 =	vmul.f32 v38, v12;
	v48 =	vadd.f32 v55, v48;
	v45 =	vadd.f32 v47, v2  }
0x80: {  	s30 =	sand.u32 $0x3E00, s26;
	s29 =	sand.u32 $0x70, s28;
	s28 =	sadd.s32 $0x10, s28;
	v49 =	vadd.f32 v49, v52;
	v2 =	vmul.f32 v38, v13;
	v47 =	vadd.f32 v54, v51  }
0x81: {  	v63 =	vmul.f32 v38, v14;
	v51 =	vmul.f32 v38, v15  }
0x82: {  	v1 =	vadd.f32 v50, v1;
	v53 =	vmul.f32 v38, v17;
	v56 =	vmul.f32 v38, v18  }
0x83: {  	v0 =	vadd.f32 v0, v2;
	v2 =	vmul.f32 v38, v16;
	v46 =	vadd.f32 v46, v63  }
0x84: {  	v48 =	vadd.f32 v48, v51;
	v1 =	vmin.f32 v37, v1;
	v58 =	vadd.f32 v49, v53  }
0x85: {  	s28 =	sor.u32 s29, s30;
	v38 =	vadd.f32 v47, v56;
	v47 =	vbroadcast v9, $0xD;
	v49 =	vbroadcast v9, $0xF  }
0x86: {  	v52 =	vld [tilespmem:s28+$0x5000];
	v2 =	vadd.f32 v45, v2;
	v0 =	vmin.f32 v41, v0;
	v41 =	vbroadcast v9, $0x8  }
0x87: {  	v45 =	vbroadcast v9, $0xB;
	v59 =	vmin.f32 v42, v46;
	v39 =	vmin.f32 v39, v48  }
0x88: {  	v37 =	vmin.f32 v43, v58;
	v42 =	vbroadcast v9, $0x9;
	v46 =	vbroadcast v9, $0xC  }
0x89: {  	v57 =	vld [tilespmem:s28+$0x5080];
	v38 =	vmin.f32 v40, v38;
	v40 =	vbroadcast v10, $0xD;
	v48 =	vbroadcast v9, $0xE  }
0x8a: {  	v43 =	vbroadcast v10, $0xE;
	v2 =	vmin.f32 v44, v2;
	v44 =	vbroadcast v9, $0xA  }
0x8b: {  	v60 =	vld [tilespmem:s28+$0x5100];
	v9 =	vbroadcast v11, $0xF;
	v26 =	vmul.f32 v52, v26  }
0x8c: {  	v35 =	vmul.f32 v52, v35;
	v27 =	vmul.f32 v52, v27  }
0x8d: {  	s26 =	sshra.s32 s26, $0x2;
	v28 =	vmul.f32 v52, v28;
	v29 =	vmul.f32 v52, v29  }
0x8e: {  	v54 =	vld [tilespmem:s26+$0x4000];
	v34 =	vmul.f32 v57, v34;
	v30 =	vmul.f32 v52, v30  }
0x8f: {  	v31 =	vmul.f32 v52, v31;
	v32 =	vmul.f32 v52, v32  }
0x90: {  	v33 =	vmul.f32 v60, v33;
	v19 =	vmul.f32 v57, v19  }
0x91: {  	v20 =	vmul.f32 v57, v20;
	v21 =	vmul.f32 v57, v21  }
0x92: {  	v22 =	vmul.f32 v57, v22;
	v23 =	vmul.f32 v57, v23  }
0x93: {  	v24 =	vmul.f32 v57, v24;
	v25 =	vmul.f32 v57, v25;
	v35 =	vadd.f32 v54, v35  }
0x94: {  	v12 =	vmul.f32 v60, v12;
	v26 =	vadd.f32 v54, v26;
	v27 =	vadd.f32 v54, v27  }
0x95: {  	v13 =	vmul.f32 v60, v13;
	v28 =	vadd.f32 v54, v28;
	v29 =	vadd.f32 v54, v29  }
0x96: {  	v14 =	vmul.f32 v60, v14;
	v30 =	vadd.f32 v54, v30;
	v31 =	vadd.f32 v54, v31  }
0x97: {  	v15 =	vmul.f32 v60, v15;
	v32 =	vadd.f32 v54, v32;
	v34 =	vadd.f32 v35, v34  }
0x98: {  	v16 =	vmul.f32 v60, v16;
	v19 =	vadd.f32 v26, v19;
	v20 =	vadd.f32 v27, v20  }
0x99: {  	v17 =	vmul.f32 v60, v17;
	v21 =	vadd.f32 v28, v21;
	v22 =	vadd.f32 v29, v22  }
0x9a: {  	v18 =	vmul.f32 v60, v18;
	v23 =	vadd.f32 v30, v23;
	v24 =	vadd.f32 v31, v24  }
0x9b: {  	v25 =	vadd.f32 v32, v25;
	v28 =	vbroadcast v11, $0x8;
	v29 =	vbroadcast v11, $0x9  }
0x9c: {  	v35 =	vbroadcast v10, $0xA;
	v30 =	vbroadcast v11, $0xA;
	v12 =	vadd.f32 v19, v12  }
0x9d: {  	v31 =	vbroadcast v11, $0xB;
	v32 =	vbroadcast v11, $0xC;
	v13 =	vadd.f32 v20, v13  }
0x9e: {  	v14 =	vadd.f32 v21, v14;
	v15 =	vadd.f32 v22, v15;
	v1 =	vmin.f32 v1, v12  }
0x9f: {  	v12 =	vadd.f32 v23, v16;
	v0 =	vmin.f32 v0, v13;
	v13 =	vperm.xlane v1, v3  }
0xa0: {  	v16 =	vadd.f32 v24, v17;
	v14 =	vmin.f32 v59, v14;
	v17 =	vperm.xlane v0, v3  }
0xa1: {  	v33 =	vadd.f32 v34, v33;
	v1 =	vmin.f32 v1, v13;
	v13 =	vperm.xlane v14, v3  }
0xa2: {  	v15 =	vmin.f32 v39, v15;
	v0 =	vmin.f32 v0, v17;
	v19 =	vperm.xlane v1, v4  }
0xa3: {  	v2 =	vmin.f32 v2, v12;
	v12 =	vperm.xlane v0, v4;
	v13 =	vmin.f32 v14, v13  }
0xa4: {  	v20 =	vmin.f32 v37, v16;
	v1 =	vmin.f32 v1, v19;
	v14 =	vperm.xlane v13, v4  }
0xa5: {  	v17 =	vperm.xlane v15, v3;
	v0 =	vmin.f32 v0, v12;
	v16 =	vperm.xlane v1, v5  }
0xa6: {  	v18 =	vadd.f32 v25, v18;
	v19 =	vperm.xlane v0, v5;
	v14 =	vmin.f32 v13, v14  }
0xa7: {  	v21 =	vmin.f32 v15, v17;
	v12 =	vmin.f32 v1, v16;
	v1 =	vperm.xlane v14, v5  }
0xa8: {  	v34 =	vbroadcast v10, $0x9;
	v13 =	vmin.f32 v0, v19;
	v0 =	vperm.xlane v21, v4  }
0xa9: {  	v33 =	vmin.f32 v36, v33;
	v14 =	vmin.f32 v14, v1;
	v1 =	vperm.xlane v2, v3  }
0xaa: {  	v18 =	vmin.f32 v38, v18;
	v19 =	vperm.xlane v20, v3;
	v0 =	vmin.f32 v21, v0  }
0xab: {  	v21 =	vperm.xlane v33, v3;
	v1 =	vmin.f32 v2, v1;
	v2 =	vperm.xlane v18, v3  }
0xac: {  	v38 =	vbroadcast v10, $0xB;
	v19 =	vmin.f32 v20, v19;
	v23 =	vperm.xlane v1, v4  }
0xad: {  	v22 =	vperm.xlane v0, v5;
	v2 =	vmin.f32 v18, v2;
	v18 =	vmin.f32 v33, v21  }
0xae: {  	v20 =	vperm.xlane v19, v4;
	v1 =	vmin.f32 v1, v23;
	v24 =	vperm.xlane v18, v4  }
0xaf: {  	v21 =	vmin.f32 v0, v22;
	v23 =	vperm.xlane v2, v4;
	v0 =	vperm.xlane v1, v5  }
0xb0: {  	v7 =	vperm.xlane v12, v6;
	v19 =	vmin.f32 v19, v20;
	v18 =	vmin.f32 v18, v24  }
0xb1: {  	s31 =	simm.s32 $0x0;
	v2 =	vmin.f32 v2, v23;
	v23 =	vmin.f32 v1, v0;
	v1 =	vperm.xlane v18, v5  }
0xb2: {  	s28 =	sand.u32 $0x70, s31;
	s26 =	sand.u32 $0x3E00, s31;
	v20 =	vperm.xlane v19, v5;
	v0 =	vperm.xlane v2, v5  }
0xb3: {  	s26 =	sor.u32 s28, s26;
	v39 =	vbroadcast v10, $0xC;
	[tilespmem:$0x1FF70] =	vst v7;
	v7 =	vperm.xlane v13, v6;
	v18 =	vmin.f32 v18, v1  }
0xb4: {  	v24 =	vmin.f32 v19, v20;
	v20 =	vmin.f32 v2, v0;
	v2 =	vld [tilespmem:s26+$0x5080];
	v0 =	vperm.xlane v18, v6  }
0xb5: {  	v36 =	vbroadcast v11, $0xE;
	v37 =	vbroadcast v10, $0x8;
	[tilespmem:$0x1FF80] =	vst v7  }
0xb6: {  	v10 =	vbroadcast v10, $0xF;
	v7 =	vperm.xlane v14, v6;
	[tilespmem:$0x1FFA0] =	vst v0;
	v0 =	vld [tilespmem:s26+$0x5000]  }
0xb7: {  	s28 =	simm.s32 $0x0;
	v33 =	vbroadcast v11, $0xD;
	v27 =	vperm.xlane v21, v6  }
0xb8: {  	v25 =	vperm.xlane v24, v6;
	v26 =	vperm.xlane v23, v6;
	v1 =	vld [tilespmem:s28+$0x4000]  }
0xb9: {  	v22 =	vperm.xlane v20, v6;
	v56 =	vmul.f32 v2, v10  }
0xba: {  	v59 =	vmul.f32 v2, v37;
	v60 =	vmul.f32 v2, v34  }
0xbb: {  	v51 =	vld [tilespmem:s26+$0x5100];
	v11 =	vmul.f32 v0, v41;
	v61 =	vmul.f32 v0, v49  }
0xbc: {  	v50 =	vimm.f32 $3.000000010e+38;
	v62 =	vmul.f32 v0, v42;
	v63 =	vmul.f32 v0, v44  }
0xbd: {  	v55 =	vmul.f32 v0, v45;
	v58 =	vmul.f32 v0, v47;
	v52 =	vadd.f32 v1, v61  }
0xbe: {  	v57 =	vadd.f32 v1, v11;
	v11 =	vmul.f32 v0, v46;
	v53 =	vadd.f32 v1, v62  }
0xbf: {  	v0 =	vmul.f32 v0, v48;
	v54 =	vadd.f32 v1, v63;
	v55 =	vadd.f32 v1, v55  }
0xc0: {  	v58 =	vadd.f32 v1, v58;
	v52 =	vadd.f32 v52, v56;
	v56 =	vmul.f32 v51, v9  }
0xc1: {  	v62 =	vmul.f32 v2, v38;
	v61 =	vadd.f32 v1, v11;
	v8 =	vadd.f32 v1, v0  }
0xc2: {  	v0 =	vadd.f32 v57, v59;
	v57 =	vmul.f32 v2, v40;
	v52 =	vadd.f32 v52, v56  }
0xc3: {  	v63 =	vadd.f32 v53, v60;
	v53 =	vmul.f32 v2, v43;
	v56 =	vmul.f32 v2, v35  }
0xc4: {  	v1 =	vmul.f32 v51, v28;
	v11 =	vmin.f32 v50, v52;
	v52 =	vmul.f32 v2, v39  }
0xc5: {  	v62 =	vadd.f32 v55, v62;
	v55 =	vimm.f32 $3.000000010e+38;
	v60 =	vadd.f32 v54, v56  }
0xc6: {  	v2 =	vmul.f32 v51, v29;
	v54 =	vimm.f32 $3.000000010e+38;
	v59 =	vadd.f32 v61, v52  }
0xc7: {  	s28 =	simm.s32 $0x10;
	s26 =	simm.s32 $0x40;
	v56 =	vimm.f32 $3.000000010e+38;
	v61 =	vadd.f32 v58, v57;
	v58 =	vadd.f32 v8, v53  }
0xc8: {  	[tilespmem:$0x1FF90] =	vst v7;
	s29 =	sand.u32 $0x70, s28;
	s28 =	simm.s32 $0x20;
	s30 =	sand.u32 $0x3E00, s26;
	v52 =	vimm.f32 $3.000000010e+38;
	v57 =	vimm.f32 $3.000000010e+38;
	v53 =	vimm.f32 $3.000000010e+38  }
.LBB2_7:
0xc9: {  	p0 =	sne.s32 s28, $0xFF0;
	s29 =	sor.u32 s29, s30;
	v0 =	vadd.f32 v0, v1;
	v1 =	vmul.f32 v51, v30;
	v8 =	vmul.f32 v51, v31  }
0xca: {  	s30 =	sshra.s32 s26, $0x2;
	v15 =	vmul.f32 v51, v33;
	v7 =	vld [tilespmem:s29+$0x5000];
	v2 =	vadd.f32 v63, v2;
	v63 =	vmul.f32 v51, v32  }
0xcb: {  	v51 =	vmul.f32 v51, v36;
	v16 =	vld [tilespmem:s30+$0x4000];
	v1 =	vadd.f32 v60, v1;
	v8 =	vadd.f32 v62, v8  }
0xcc: {  	v50 =	vmin.f32 v50, v0;
	v15 =	vadd.f32 v61, v15;
	v62 =	vld [tilespmem:s29+$0x5080];
	v0 =	vadd.f32 v59, v63  }
0xcd: {  	v54 =	vmin.f32 v54, v2;
	v55 =	vmin.f32 v55, v1;
	v1 =	vadd.f32 v58, v51  }
0xce: {  	v52 =	vmin.f32 v52, v8;
	v57 =	vmin.f32 v57, v15;
	v51 =	vld [tilespmem:s29+$0x5100];
	v56 =	vmin.f32 v56, v0  }
0xcf: {  	v0 =	vmul.f32 v7, v41;
	v2 =	vmul.f32 v7, v49;
	v53 =	vmin.f32 v53, v1  }
0xd0: {  	v1 =	vmul.f32 v7, v42;
	v8 =	vmul.f32 v7, v44  }
0xd1: {  	v15 =	vmul.f32 v7, v45;
	v2 =	vadd.f32 v16, v2;
	v58 =	vmul.f32 v62, v10  }
0xd2: {  	v59 =	vmul.f32 v7, v46;
	v60 =	vmul.f32 v7, v47;
	v0 =	vadd.f32 v16, v0  }
0xd3: {  	v7 =	vmul.f32 v7, v48;
	v2 =	vadd.f32 v2, v58;
	v58 =	vmul.f32 v51, v9  }
0xd4: {  	v61 =	vmul.f32 v62, v37;
	v1 =	vadd.f32 v16, v1;
	v8 =	vadd.f32 v16, v8  }
0xd5: {  	v63 =	vmul.f32 v62, v34;
	v15 =	vadd.f32 v16, v15;
	v2 =	vadd.f32 v2, v58  }
0xd6: {  	v59 =	vadd.f32 v16, v59;
	v17 =	vadd.f32 v16, v60;
	v58 =	vmul.f32 v62, v35  }
.Ltmp2:
0xd7: {  	v19 =	vmul.f32 v62, v38;
	v7 =	vadd.f32 v16, v7;
	v11 =	vmin.f32 v11, v2;
	(pc) =	sbr.rel @p0 .LBB2_7-.Ltmp2, $4  }
0xd8: {  	v16 =	vmul.f32 v62, v40;
	v0 =	vadd.f32 v0, v61;
	v2 =	vmul.f32 v62, v39  }
0xd9: {  	v63 =	vadd.f32 v1, v63;
	v60 =	vadd.f32 v8, v58;
	v8 =	vmul.f32 v62, v43  }
0xda: {  	s26 =	sadd.s32 $0x40, s26;
	v1 =	vmul.f32 v51, v28;
	v62 =	vadd.f32 v15, v19;
	v59 =	vadd.f32 v59, v2  }
0xdb: {  	s30 =	sand.u32 $0x3E00, s26;
	s29 =	sand.u32 $0x70, s28;
	s28 =	sadd.s32 $0x10, s28;
	v61 =	vadd.f32 v17, v16;
	v2 =	vmul.f32 v51, v29;
	v58 =	vadd.f32 v7, v8  }
0xdc: {  	s28 =	sor.u32 s29, s30  }
0xdd: {  	v7 =	vld [tilespmem:s28+$0x5000]  }
0xde: {  	v16 =	vld [tilespmem:s28+$0x5080]  }
0xdf: {  	v15 =	vmul.f32 v51, v30;
	v19 =	vld [tilespmem:s28+$0x5100]  }
0xe0: {  	v0 =	vadd.f32 v0, v1;
	v1 =	vmul.f32 v51, v31  }
0xe1: {  	v17 =	vmul.f32 v51, v32;
	v2 =	vadd.f32 v63, v2;
	v15 =	vadd.f32 v60, v15  }
0xe2: {  	v1 =	vadd.f32 v62, v1;
	v60 =	vmul.f32 v51, v33;
	v0 =	vmin.f32 v50, v0  }
0xe3: {  	v17 =	vadd.f32 v59, v17;
	v62 =	vmul.f32 v51, v36;
	v49 =	vmul.f32 v7, v49  }
0xe4: {  	v2 =	vmin.f32 v54, v2;
	v10 =	vmul.f32 v16, v10;
	v9 =	vmul.f32 v19, v9  }
0xe5: {  	s26 =	sshra.s32 s26, $0x2;
	v50 =	vadd.f32 v58, v62;
	v41 =	vmul.f32 v7, v41;
	v58 =	vmul.f32 v7, v42  }
0xe6: {  	v8 =	vld [tilespmem:s26+$0x4000];
	v63 =	vadd.f32 v61, v60;
	v59 =	vmul.f32 v7, v44;
	v60 =	vmul.f32 v7, v45  }
0xe7: {  	v15 =	vmin.f32 v55, v15;
	v61 =	vmul.f32 v7, v46;
	v62 =	vmul.f32 v7, v47  }
0xe8: {  	v1 =	vmin.f32 v52, v1;
	v7 =	vmul.f32 v7, v48;
	v37 =	vmul.f32 v16, v37  }
0xe9: {  	v17 =	vmin.f32 v56, v17;
	v48 =	vmul.f32 v16, v35;
	v51 =	vmul.f32 v16, v38  }
0xea: {  	v50 =	vmin.f32 v53, v50;
	v52 =	vmul.f32 v16, v39;
	v53 =	vmul.f32 v16, v40  }
0xeb: {  	v28 =	vmul.f32 v19, v28;
	v54 =	vmul.f32 v19, v29;
	v49 =	vadd.f32 v8, v49  }
0xec: {  	v55 =	vmul.f32 v19, v30;
	v41 =	vadd.f32 v8, v41;
	v42 =	vadd.f32 v8, v59  }
0xed: {  	v56 =	vmul.f32 v19, v31;
	v44 =	vadd.f32 v8, v60;
	v45 =	vadd.f32 v8, v61  }
0xee: {  	v38 =	vmin.f32 v24, v25;
	v46 =	vadd.f32 v8, v62;
	v7 =	vadd.f32 v8, v7  }
0xef: {  	v59 =	vmul.f32 v19, v33;
	v61 =	vld [tilespmem:$0x1FFB0];
	v33 =	vmin.f32 v21, v27;
	v10 =	vadd.f32 v49, v10  }
0xf0: {  	v62 =	vld [tilespmem:$0x1FFC0];
	v49 =	vmin.f32 v57, v63;
	v63 =	vmul.f32 v16, v34;
	v47 =	vadd.f32 v41, v37  }
0xf1: {  	v30 =	vld [tilespmem:$0x1FF70];
	v34 =	vadd.f32 v42, v48;
	v16 =	vmul.f32 v16, v43;
	v35 =	vadd.f32 v44, v51  }
0xf2: {  	v37 =	vadd.f32 v46, v53;
	v57 =	vmul.f32 v19, v32;
	v9 =	vadd.f32 v10, v9  }
0xf3: {  	v19 =	vmul.f32 v19, v36;
	v10 =	vadd.f32 v8, v58;
	v7 =	vadd.f32 v7, v16  }
0xf4: {  	v41 =	vmin.f32 v20, v22;
	v58 =	vadd.f32 v34, v55;
	v60 =	vadd.f32 v37, v59  }
0xf5: {  	v29 =	vadd.f32 v62, v61;
	v8 =	vmin.f32 v11, v9;
	v9 =	vadd.f32 v10, v63  }
0xf6: {  	v31 =	vld [tilespmem:$0x1FF80];
	v12 =	vmin.f32 v12, v30;
	v10 =	vadd.f32 v45, v52;
	v11 =	vadd.f32 v47, v28  }
0xf7: {  	v44 =	vld [tilespmem:$0x1FFA0];
	v28 =	vadd.f32 v35, v56;
	v63 =	vmin.f32 v15, v58;
	v7 =	vadd.f32 v7, v19  }
0xf8: {  	v32 =	vld [tilespmem:$0x1FF90];
	v35 =	vmin.f32 v23, v26;
	(v2sf) =	vpush v29, $0x0;
	v37 =	vperm.xlane v63, v3  }
0xf9: {  	v58 =	vperm.xlane v8, v3;
	v9 =	vadd.f32 v9, v54;
	v10 =	vadd.f32 v10, v57  }
0xfa: {  	v0 =	vmin.f32 v0, v11;
	v1 =	vmin.f32 v1, v28;
	(v2sf) =	vpush v12, $0x0  }
0xfb: {  	v12 =	vmin.f32 v13, v31;
	v34 =	vperm.xlane v0, v3;
	v2 =	vmin.f32 v2, v9  }
0xfc: {  	v11 =	vmin.f32 v49, v60;
	v13 =	vmin.f32 v18, v44;
	v36 =	vperm.xlane v2, v3  }
0xfd: {  	(v2sf) =	vpush v12, $0x0;
	v12 =	vmin.f32 v14, v32;
	v0 =	vmin.f32 v0, v34  }
0xfe: {  	v47 =	vperm.xlane v1, v3;
	v39 =	vperm.xlane v0, v4;
	v2 =	vmin.f32 v2, v36  }
0xff: {  	(v2sf) =	vpush v12, $0x0;
	v9 =	vmin.f32 v63, v37;
	v40 =	vperm.xlane v2, v4  }
0x100: {  	v10 =	vmin.f32 v17, v10;
	v42 =	vperm.xlane v9, v4;
	v0 =	vmin.f32 v0, v39  }
0x101: {  	(v2sf) =	vpush v33, $0x0;
	v43 =	vperm.xlane v0, v5;
	v2 =	vmin.f32 v2, v40  }
0x102: {  	v1 =	vmin.f32 v1, v47;
	v9 =	vmin.f32 v9, v42;
	v45 =	vperm.xlane v2, v5  }
0x103: {  	(v2sf) =	vpush v35, $0x0;
	v46 =	vperm.xlane v9, v5;
	v0 =	vmin.f32 v0, v43  }
0x104: {  	(v2sf) =	vpush v38, $0x0;
	v48 =	vperm.xlane v0, v6;
	v2 =	vmin.f32 v2, v45  }
0x105: {  	(v2sf) =	vpush v41, $0x0;
	v9 =	vmin.f32 v9, v46;
	v49 =	vperm.xlane v2, v6  }
0x106: {  	(v2sf) =	vpush v13, $0x0;
	v51 =	vperm.xlane v9, v6;
	v0 =	vmin.f32 v0, v48  }
0x107: {  	(v2sf) =	vpush v0, $0x0;
	v0 =	vmin.f32 v2, v49;
	v2 =	vperm.xlane v10, v3  }
0x108: {  	v7 =	vmin.f32 v50, v7;
	v53 =	vperm.xlane v11, v3;
	v14 =	vperm.xlane v1, v4;
	s31 =	spop (v2sf)  }
0x109: {  	(v2sf) =	vpush v0, $0x0;
	v0 =	vmin.f32 v9, v51;
	s25 =	sadd.f32 s31, s25;
	v2 =	vmin.f32 v10, v2  }
0x10a: {  	v1 =	vmin.f32 v1, v14;
	s28 =	spop (v2sf);
	(v2sf) =	vpush v0, $0x0;
	v0 =	vperm.xlane v2, v4  }
0x10b: {  	v55 =	vperm.xlane v7, v3;
	v54 =	vmin.f32 v11, v53;
	v52 =	vperm.xlane v1, v5;
	s25 =	sadd.f32 s28, s25  }
0x10c: {  	v8 =	vmin.f32 v8, v58;
	s29 =	spop (v2sf);
	v0 =	vmin.f32 v2, v0;
	v2 =	vperm.xlane v54, v4  }
0x10d: {  	v7 =	vmin.f32 v7, v55;
	v1 =	vmin.f32 v1, v52;
	s25 =	sadd.f32 s29, s25;
	v57 =	vperm.xlane v0, v5  }
0x10e: {  	v59 =	vperm.xlane v7, v4;
	v56 =	vperm.xlane v1, v6;
	s30 =	spop (v2sf);
	v2 =	vmin.f32 v54, v2  }
0x10f: {  	v62 =	vperm.xlane v8, v4;
	s25 =	sadd.f32 s30, s25;
	v0 =	vmin.f32 v0, v57;
	v60 =	vperm.xlane v2, v5  }
0x110: {  	v7 =	vmin.f32 v7, v59;
	v1 =	vmin.f32 v1, v56;
	s31 =	spop (v2sf);
	v61 =	vperm.xlane v0, v6  }
0x111: {  	(v2sf) =	vpush v1, $0x0;
	s25 =	sadd.f32 s31, s25;
	v1 =	vmin.f32 v2, v60;
	v2 =	vperm.xlane v7, v5  }
0x112: {  	v8 =	vmin.f32 v8, v62;
	s28 =	spop (v2sf);
	v0 =	vmin.f32 v0, v61;
	v63 =	vperm.xlane v1, v6  }
0x113: {  	s25 =	sadd.f32 s28, s25;
	(v2sf) =	vpush v0, $0x0;
	v0 =	vmin.f32 v7, v2;
	v2 =	vperm.xlane v8, v5  }
0x114: {  	s29 =	spop (v2sf);
	v1 =	vmin.f32 v1, v63;
	v7 =	vperm.xlane v0, v6  }
0x115: {  	s25 =	sadd.f32 s29, s25;
	(v2sf) =	vpush v1, $0x0;
	v1 =	vmin.f32 v8, v2  }
0x116: {  	s30 =	spop (v2sf);
	v0 =	vmin.f32 v0, v7;
	v2 =	vperm.xlane v1, v6  }
0x117: {  	s25 =	sadd.f32 s30, s25;
	(v2sf) =	vpush v0, $0x0  }
0x118: {  	s31 =	spop (v2sf);
	v0 =	vmin.f32 v1, v2  }
0x119: {  	s25 =	sadd.f32 s31, s25;
	(v2sf) =	vpush v0, $0x0  }
0x11a: {  	s28 =	spop (v2sf)  }
0x11b: {  	s25 =	sadd.f32 s28, s25  }
0x11c: {  	s29 =	spop (v2sf)  }
0x11d: {  	s25 =	sadd.f32 s29, s25  }
0x11e: {  	s30 =	spop (v2sf)  }
0x11f: {  	s25 =	sadd.f32 s30, s25  }
0x120: {  	s31 =	spop (v2sf)  }
0x121: {  	s25 =	sadd.f32 s31, s25  }
0x122: {  	s28 =	spop (v2sf)  }
0x123: {  	s24 =	sadd.s32 $0x1, s24;
	s25 =	sadd.f32 s28, s25  }
0x124: {  	p0 =	sne.s32 s24, $0x4;
	s29 =	spop (v2sf)  }
.Ltmp3:
0x125: {  	s25 =	sadd.f32 s29, s25;
	(pc) =	sbr.rel @p0 .LBB2_4-.Ltmp3, $4  }
0x126: {  	s30 =	spop (v2sf)  }
0x127: {  	s25 =	sadd.f32 s30, s25  }
0x128: {  	s31 =	spop (v2sf)  }
0x129: {  	s25 =	sadd.f32 s31, s25  }
0x12a: {  	s22 =	sadd.s32 $0x1, s22  }
0x12b: {  	v0 =	vmov s25;
	p0 =	sne.s32 s22, s12  }
.Ltmp4:
0x12c: {  	[tilespmem:$0x9400] =	vst v0;
	(pc) =	sbr.rel @p0 .LBB2_1-.Ltmp4, $4  }
0x12d: {  	[hbm4b:s11+s2] =	stream.linear.scatter [tilespmem:s21], [sflag:$0x1], $0x80, $0x38;
	[tilespmem:$0x9480] =	vst v63  }
0x12e: {  	_ =	swait.ge [sflag:s13], $0x80  }
0x12f: {  	[sflag:s13] =	ssyncset.done $0x0  }
0x130: {  	[sflag:s13] =	ssyncadd.s32 $0xFFFFFF80  }
0x131: {  	_ =	sfence.sel $0x180000  }
0x132: {  	[bflag:$0x0] =	sbarrier.arrive $0xFFFF  }
0x133: {  	p0 =	sne.s32 s1, $0x0;
	_ =	strace $0x90000047  }
0x134: {  	s0 =	sadd.s32 @!p0 $0x100000, s0;
	[bflag:$0x2] =	sbarrier.arrive $0xFFFF  }
0x135: {  	[sflag:s0] =	ssyncadd.tile.s32 @!p0 $0x1;
	_ =	shalt  }
.Lfunc_end2:
_tile_overlayer_lowered:
.L_overlay_start_2:
0x136: {  	(tag) =	ssettag $0x2  }
0x137: {  	s0 =	rddreg [dreg:$0x0];
	s2 =	stileid.u32  }
0x138: {  	s1 =	rddreg [dreg:$0x1];
	p0 =	sne.s32 s2, $0x0  }
0x139: {  	s3 =	rddreg [dreg:$0x2];
	[bflag:$0x3] =	sbarrier.arrive $0xFFFF;
	s2 =	simm.s32 @!p0 $0x1C01  }
0x13a: {  	[timem:s3], [sflag:s2] =	dma.local @!p0 [hbm:s0], s1  }
0x13b: {  	s0 =	simm.s32 @!p0 $0x1  }
0x13c: {  	_ =	swait.ge @!p0 [sflag:s0], s1  }
0x13d: {  	s1 =	ssub.s32 @!p0 $0x0, s1;
	[sflag:s0] =	ssyncset.done @!p0 $0x0  }
0x13e: {  	[sflag:s0] =	ssyncadd.s32 @!p0 s1  }
0x13f: {  	[bflag:$0x3] =	sbarrier.arrive $0xFFFF  }
0x140: {  	_ =	shalt  }

</sc_bundles>
